<compile_context>
chip_gen: v7x
topology: tpu7x:2x2x1
jax: 0.10.2.dev20260603
libtpu: 0.0.44.dev20260713+nightly
codegen_flags: <defaults>
</compile_context>

<pallas_src>
import functools

import jax
import jax.numpy as jnp
from jax import lax
from jax.experimental import pallas as pl
from jax.experimental.pallas import tpu as pltpu
from jax.experimental.pallas import tpu_sc as plsc

B, F, A, O = 16, 6, 8732, 16
BF = B * F
ASC = 8736
NCHUNK = ASC // 16
NP_RATIO = 3
THRESHOLD = 0.5
VAR0, VAR1 = 0.1, 0.2
NWORKERS = 32
FRAMES_PER_W = BF // NWORKERS


def _tc_body(truths_ref, anch_ref, loc_ref, conf_ref,
             lossl_ref, sumpos_ref, lc_ref, npos_ref, scr_ref):
    f = pl.program_id(0)

    @pl.when(f == 0)
    def _init():
        lossl_ref[...] = jnp.zeros_like(lossl_ref)
        sumpos_ref[...] = jnp.zeros_like(sumpos_ref)
        acx0 = anch_ref[0:1, :]
        acy0 = anch_ref[1:2, :]
        aw0 = anch_ref[2:3, :]
        ah0 = anch_ref[3:4, :]
        scr_ref[0:1, :] = acx0 - aw0 * 0.5
        scr_ref[1:2, :] = acy0 - ah0 * 0.5
        scr_ref[2:3, :] = acx0 + aw0 * 0.5
        scr_ref[3:4, :] = acy0 + ah0 * 0.5
        scr_ref[4:5, :] = aw0 * ah0
        scr_ref[5:6, :] = 1.0 / (VAR0 * aw0)
        scr_ref[6:7, :] = 1.0 / (VAR0 * ah0)
        scr_ref[7:8, :] = 1.0 / aw0
        scr_ref[8:9, :] = 1.0 / ah0

    th = truths_ref[...].reshape(O, 4)
    tx1 = th[:, 0:1]
    ty1 = th[:, 1:2]
    tx2 = th[:, 2:3]
    ty2 = th[:, 3:4]

    acx = anch_ref[0:1, :]
    acy = anch_ref[1:2, :]
    px1 = scr_ref[0:1, :]
    py1 = scr_ref[1:2, :]
    px2 = scr_ref[2:3, :]
    py2 = scr_ref[3:4, :]
    parea = scr_ref[4:5, :]
    inv_vw = scr_ref[5:6, :]
    inv_vh = scr_ref[6:7, :]
    inv_aw = scr_ref[7:8, :]
    inv_ah = scr_ref[8:9, :]

    iw = jnp.maximum(jnp.minimum(tx2, px2) - jnp.maximum(tx1, px1), 0.0)
    ih = jnp.maximum(jnp.minimum(ty2, py2) - jnp.maximum(ty1, py1), 0.0)
    inter = iw * ih
    tarea = (tx2 - tx1) * (ty2 - ty1)
    ov = inter / (tarea + parea - inter)

    bto = jnp.max(ov, axis=0, keepdims=True)
    bti = jnp.argmax(ov, axis=0).astype(jnp.int32)
    bti = bti.reshape(1, A)

    rowmax = jnp.max(ov, axis=1, keepdims=True)
    trange = lax.broadcasted_iota(jnp.int32, (O, 1), 0)
    claimed = ov == rowmax
    t_last = jnp.max(jnp.where(claimed, trange, -1), axis=0, keepdims=True)
    forced = t_last >= 0
    bto = jnp.where(forced, 2.0, bto)
    bti = jnp.where(forced, t_last, bti)

    pos = bto >= THRESHOLD
    posf = pos.astype(jnp.float32)

    oh = (bti == trange).astype(jnp.float32)
    mc = lax.dot_general(th, oh, (((0,), (0,)), ((), ())),
                         preferred_element_type=jnp.float32)
    mx1 = mc[0:1, :]
    my1 = mc[1:2, :]
    mx2 = mc[2:3, :]
    my2 = mc[3:4, :]

    gcx = ((mx1 + mx2) * 0.5 - acx) * inv_vw
    gcy = ((my1 + my2) * 0.5 - acy) * inv_vh
    gw = jnp.log((mx2 - mx1) * inv_aw) * (1.0 / VAR1)
    gh = jnp.log((my2 - my1) * inv_ah) * (1.0 / VAR1)

    def sl1(x):
        ax = jnp.abs(x)
        return jnp.where(ax < 1.0, 0.5 * x * x, ax - 0.5)

    lc4 = loc_ref[...].reshape(4, A)
    sl = (sl1(lc4[0:1, :] - gcx) + sl1(lc4[1:2, :] - gcy)
          + sl1(lc4[2:3, :] - gw) + sl1(lc4[3:4, :] - gh))
    lossl_ref[...] += jnp.sum(sl * posf, axis=1, keepdims=True)

    cf2 = conf_ref[...].reshape(2, A)
    c0 = cf2[0:1, :]
    c1 = cf2[1:2, :]
    mx = jnp.maximum(c0, c1)
    lse = mx + jnp.log(1.0 + jnp.exp(-jnp.abs(c0 - c1)))
    gathered = jnp.where(pos, c1, c0)
    ce = lse - gathered
    sumpos_ref[...] += jnp.sum(ce * posf, axis=1, keepdims=True)
    lc = jnp.where(pos, 0.0, ce)
    lc_ref[...] = jnp.concatenate(
        [lc, jnp.zeros((1, ASC - A), jnp.float32)], axis=1).reshape(1, 1, ASC)
    npos_ref[...] = jnp.broadcast_to(
        jnp.sum(posf, axis=1, keepdims=True), (1, 128)).reshape(1, 1, 128)


def _tc_stage(truths, anch_t, loc, conf):
    return pl.pallas_call(
        _tc_body,
        grid=(BF,),
        in_specs=[
            pl.BlockSpec((1, O, 4), lambda f: (f, 0, 0)),
            pl.BlockSpec((4, A), lambda f: (0, 0)),
            pl.BlockSpec((1, 4, A), lambda f: (f, 0, 0)),
            pl.BlockSpec((1, 2, A), lambda f: (f, 0, 0)),
        ],
        out_specs=[
            pl.BlockSpec((1, 1), lambda f: (0, 0)),
            pl.BlockSpec((1, 1), lambda f: (0, 0)),
            pl.BlockSpec((1, 1, ASC), lambda f: (f, 0, 0)),
            pl.BlockSpec((1, 1, 128), lambda f: (f, 0, 0)),
        ],
        out_shape=[
            jax.ShapeDtypeStruct((1, 1), jnp.float32),
            jax.ShapeDtypeStruct((1, 1), jnp.float32),
            jax.ShapeDtypeStruct((BF, 1, ASC), jnp.float32),
            jax.ShapeDtypeStruct((BF, 1, 128), jnp.float32),
        ],
        scratch_shapes=[pltpu.VMEM((9, A), jnp.float32)],
    )(truths, anch_t, loc, conf)


def _sc_body(lc_hbm, np_hbm, out_hbm, vbuf, npbuf, outv):
    wid = lax.axis_index("s") * 2 + lax.axis_index("c")
    partial = jnp.zeros((16,), jnp.float32)
    lane0 = lax.broadcasted_iota(jnp.int32, (16,), 0) == 0
    for j in range(FRAMES_PER_W):
        f = wid * FRAMES_PER_W + j
        pltpu.sync_copy(lc_hbm.at[f], vbuf)
        pltpu.sync_copy(np_hbm.at[f], npbuf)
        npos = npbuf[pl.ds(0, 16)].astype(jnp.int32)
        k = jnp.minimum(npos * NP_RATIO, A - 1)

        def max_step(c, acc):
            return jnp.maximum(acc, vbuf[pl.ds(c * 16, 16)])

        vmax = lax.fori_loop(0, NCHUNK, max_step,
                             jnp.zeros((16,), jnp.float32), unroll=8)
        vmax = jnp.full((16,), jnp.max(vmax))

        def bs_step(_, carry):
            lo, hi = carry
            mid = (lo + hi) * 0.5

            def cnt_step(c, acc):
                m = vbuf[pl.ds(c * 16, 16)] >= mid
                return acc + plsc.all_reduce_population_count(m)

            cnt = lax.fori_loop(0, NCHUNK, cnt_step,
                                jnp.zeros((16,), jnp.int32), unroll=16)
            ok = cnt >= k
            lo = jnp.where(ok, mid, lo)
            hi = jnp.where(ok, hi, mid)
            return lo, hi

        lo0 = jnp.zeros((16,), jnp.float32)
        hi0 = vmax + 1.0
        t_f, _ = lax.fori_loop(0, 20, bs_step, (lo0, hi0))

        def fin_step(c, carry):
            cnt_gt, sum_gt = carry
            v = vbuf[pl.ds(c * 16, 16)]
            m = v > t_f
            cnt_gt = cnt_gt + plsc.all_reduce_population_count(m)
            sum_gt = sum_gt + jnp.where(m, v, 0.0)
            return cnt_gt, sum_gt

        cnt_gt, sum_gt = lax.fori_loop(
            0, NCHUNK, fin_step,
            (jnp.zeros((16,), jnp.int32), jnp.zeros((16,), jnp.float32)),
            unroll=8)
        rem = (k - cnt_gt).astype(jnp.float32) * t_f
        partial = partial + sum_gt + jnp.where(lane0, rem, 0.0)

    outv[...] = partial
    pltpu.sync_copy(outv, out_hbm.at[wid])


def _sc_stage(lc, npos):
    mesh = plsc.VectorSubcoreMesh(core_axis_name="c", subcore_axis_name="s")
    kfn = functools.partial(
        pl.kernel,
        mesh=mesh,
        out_type=jax.ShapeDtypeStruct((NWORKERS, 16), jnp.float32),
        scratch_types=[
            pltpu.VMEM((ASC,), jnp.float32),
            pltpu.VMEM((128,), jnp.float32),
            pltpu.VMEM((16,), jnp.float32),
        ],
        compiler_params=pltpu.CompilerParams(needs_layout_passes=False),
    )(_sc_body)
    return kfn(lc, npos)


def kernel(loc_data, conf_data, anchors, targets):
    anch_t = anchors.T
    loc_t = loc_data.reshape(BF, A, 4).transpose(0, 2, 1)
    conf_t = conf_data.reshape(BF, A, 2).transpose(0, 2, 1)
    truths = targets[..., :4].reshape(BF, O, 4)

    lossl, sumpos, lc, npos = _tc_stage(truths, anch_t, loc_t, conf_t)
    sc_part = _sc_stage(lc.reshape(BF, ASC), npos.reshape(BF, 128))

    loss_l = lossl[0, 0]
    loss_c = sumpos[0, 0] + jnp.sum(sc_part)
    return (loss_l, loss_c)

# --- scband reference (transcript-rebuilt; emitter-appended) ---
"""Pipeline reference for scband-multi-frame-box-loss-32633161515881 (READ-ONLY COPY).

The authoritative reference and input builder live on the scoring server;
editing this copy changes nothing except your own understanding.
"""

import jax, jax.numpy as jnp
import numpy as np

NP_RATIO = 3
THRESHOLD = 0.5
VAR0, VAR1 = 0.1, 0.2
B, F, A, O = 16, 6, 8732, 16

def point_form(boxes):
    return jnp.concatenate([boxes[:, :2] - boxes[:, 2:] / 2.0, boxes[:, :2] + boxes[:, 2:] / 2.0], axis=1)

def jaccard(box_a, box_b):
    max_xy = jnp.minimum(box_a[:, None, 2:], box_b[None, :, 2:])
    min_xy = jnp.maximum(box_a[:, None, :2], box_b[None, :, :2])
    inter_wh = jnp.clip(max_xy - min_xy, 0.0, None)
    inter = inter_wh[..., 0] * inter_wh[..., 1]
    area_a = ((box_a[:, 2] - box_a[:, 0]) * (box_a[:, 3] - box_a[:, 1]))[:, None]
    area_b = ((box_b[:, 2] - box_b[:, 0]) * (box_b[:, 3] - box_b[:, 1]))[None, :]
    return inter / (area_a + area_b - inter)

def encode(matched, priors):
    g_cxcy = (matched[:, :2] + matched[:, 2:]) / 2.0 - priors[:, :2]
    g_cxcy = g_cxcy / (VAR0 * priors[:, 2:])
    g_wh = (matched[:, 2:] - matched[:, :2]) / priors[:, 2:]
    g_wh = jnp.log(g_wh) / VAR1
    return jnp.concatenate([g_cxcy, g_wh], axis=1)

def match_one(truths, labels, priors):
    overlaps = jaccard(truths, point_form(priors))
    best_prior_idx = jnp.argmax(overlaps, axis=1)
    best_truth_overlap = jnp.max(overlaps, axis=0)
    best_truth_idx = jnp.argmax(overlaps, axis=0)
    best_truth_overlap = best_truth_overlap.at[best_prior_idx].set(2.0)
    best_truth_idx = best_truth_idx.at[best_prior_idx].set(jnp.arange(truths.shape[0]))
    matches = truths[best_truth_idx]
    conf = labels[best_truth_idx] + 1
    conf = jnp.where(best_truth_overlap < THRESHOLD, 0, conf)
    loc = encode(matches, priors)
    return loc, conf

def smooth_l1(x):
    ax = jnp.abs(x)
    return jnp.where(ax < 1.0, 0.5 * x * x, ax - 0.5)

def setup_inputs(seed: int = 0):
    key = jax.random.key(seed)
    k1, k2, k3, k4 = jax.random.split(key, 4)
    loc_data = jax.random.normal(k1, (B, A * F, 4), dtype=jnp.float32) * 0.1
    conf_data = jax.random.normal(k2, (B, A * F, 2), dtype=jnp.float32)
    u = jax.random.uniform(k3, (A, 4), dtype=jnp.float32)
    anchors = jnp.concatenate([u[:, :2], u[:, 2:] * 0.3 + 0.02], axis=1)
    t = jax.random.uniform(k4, (B, F, O, 4), dtype=jnp.float32)
    xy = t[..., :2] * 0.7
    wh = t[..., 2:] * 0.25 + 0.02
    boxes = jnp.concatenate([xy, xy + wh], axis=-1)
    labels = jnp.zeros((B, F, O, 1), dtype=jnp.float32)
    targets = jnp.concatenate([boxes, labels], axis=-1)
    return {"loc_data": loc_data, "conf_data": conf_data, "anchors": anchors, "targets": targets}

def reference(loc_data, conf_data, anchors, targets):
    batch, frames, num_objs = targets.shape[0], targets.shape[1], targets.shape[2]
    num_anchors = anchors.shape[0]
    truths = targets[..., :4].reshape(batch * frames, num_objs, 4)
    labels = targets[..., 4].reshape(batch * frames, num_objs).astype(jnp.int32)
    loc_t, conf_t = jax.vmap(lambda t, l: match_one(t, l, anchors))(truths, labels)
    pos = conf_t > 0
    loc_p = loc_data.reshape(batch * frames, num_anchors, 4)
    loss_l = jnp.sum(smooth_l1(loc_p - loc_t) * pos[:, :, None].astype(loc_p.dtype))
    batch_conf = conf_data.reshape(-1, 2)
    x_max = jnp.max(batch_conf)
    lse = jnp.log(jnp.sum(jnp.exp(batch_conf - x_max), axis=1)) + x_max
    gathered = jnp.take_along_axis(batch_conf, conf_t.reshape(-1, 1), axis=1)[:, 0]
    ce = lse - gathered
    loss_c = jnp.where(pos.reshape(-1), 0.0, ce)
    loss_c = loss_c.reshape(batch, frames, num_anchors)
    loss_idx = jnp.argsort(-loss_c, axis=2)
    idx_rank = jnp.argsort(loss_idx, axis=2)
    pos3 = pos.reshape(batch, frames, num_anchors)
    num_pos = jnp.sum(pos3.astype(jnp.int32), axis=2, keepdims=True)
    num_neg = jnp.clip(NP_RATIO * num_pos, None, num_anchors - 1)
    neg = idx_rank < num_neg
    sel = (pos3 | neg).reshape(-1)
    loss_c_final = jnp.sum(jnp.where(sel, ce, 0.0))
    return (loss_l, loss_c_final)

if __name__ == "__main__":
    import jax
    _d = setup_inputs()
    print(jax.jit(kernel)(*tuple(_d.values())))

</pallas_src>

<mosaic_0001>
#map = affine_map<(d0, d1) -> (0, 0)>
module attributes {stable_mosaic.version = 14 : i64} {
  func.func @_sc_body(%arg0: i32, %arg1: i32, %arg2: memref<96x8736xf32, #tpu.memory_space<hbm>>, %arg3: memref<96x128xf32, #tpu.memory_space<hbm>>, %arg4: memref<32x16xf32, #tpu.memory_space<hbm>>, %arg5: memref<8736xf32, #tpu.memory_space<vmem>>, %arg6: memref<128xf32, #tpu.memory_space<vmem>>, %arg7: memref<16xf32, #tpu.memory_space<vmem>>) attributes {dimension_semantics = [#tpu.dimension_semantics<core_parallel>, #tpu.dimension_semantics<subcore_parallel>], iteration_bounds = array<i64: 2, 16>, scalar_prefetch = 0 : i64, scratch_operands = 3 : i64, tpu.core_type = #tpu.core_type<sc_vector_subcore>, window_params = [{transform_indices = #map}, {transform_indices = #map}, {transform_indices = #map}]} {
    %mul3A = arith.constant 2 : i32
    %mul3A_0 = arith.muli %arg1, %mul3A : i32
    %add3A = arith.addi %mul3A_0, %arg0 : i32
    %broadcast_in_dim3A = arith.constant 0.000000e+00 : f32
    %broadcast_in_dim3A_1 = vector.broadcast %broadcast_in_dim3A : f32 to vector<16xf32>
    %iota3A = tpu.iota {dimensions = array<i32: 0>} : vector<16xi32>
    %eq3A = arith.constant 0 : i32
    %eq3A_2 = vector.broadcast %eq3A : i32 to vector<16xi32>
    %eq3A_3 = arith.cmpi eq, %iota3A, %eq3A_2 : vector<16xi32>
    %mul3A_4 = arith.constant 3 : i32
    %mul3A_5 = arith.muli %add3A, %mul3A_4 : i32
    %add3A_6 = arith.constant 0 : i32
    %add3A_7 = arith.addi %mul3A_5, %add3A_6 : i32
    "tpu.region"() ({
      %run_scoped3A = tpu.sem_alloc : memref<!tpu.dma_semaphore, #tpu.memory_space<semaphore_mem>>
      %dma_start3A = arith.constant 0 : i32
      %dma_start3A_279 = tpu.memref_slice %arg2[%add3A_7, %dma_start3A] : memref<96x8736xf32, #tpu.memory_space<hbm>> -> memref<1x8736xf32, #tpu.memory_space<hbm>>
      %dma_start3A_280 = tpu.memref_squeeze %dma_start3A_279 : memref<1x8736xf32, #tpu.memory_space<hbm>> -> memref<8736xf32, #tpu.memory_space<hbm>>
      %dma_start3A_281 = arith.constant 0 : i32
      %dma_start3A_282 = tpu.memref_slice %arg2[%add3A_7, %dma_start3A_281] : memref<96x8736xf32, #tpu.memory_space<hbm>> -> memref<1x8736xf32, #tpu.memory_space<hbm>>
      %dma_start3A_283 = tpu.memref_squeeze %dma_start3A_282 : memref<1x8736xf32, #tpu.memory_space<hbm>> -> memref<8736xf32, #tpu.memory_space<hbm>>
      tpu.enqueue_dma source(%dma_start3A_283 : memref<8736xf32, #tpu.memory_space<hbm>>) target(%arg5 : memref<8736xf32, #tpu.memory_space<vmem>>) target_semaphore(%run_scoped3A : memref<!tpu.dma_semaphore, #tpu.memory_space<semaphore_mem>>)
      %dma_wait3A = arith.constant 0 : i32
      %dma_wait3A_284 = tpu.memref_slice %arg2[%add3A_7, %dma_wait3A] : memref<96x8736xf32, #tpu.memory_space<hbm>> -> memref<1x8736xf32, #tpu.memory_space<hbm>>
      %dma_wait3A_285 = tpu.memref_squeeze %dma_wait3A_284 : memref<1x8736xf32, #tpu.memory_space<hbm>> -> memref<8736xf32, #tpu.memory_space<hbm>>
      %dma_wait3A_286 = arith.constant 0 : i32
      %dma_wait3A_287 = tpu.memref_slice %arg2[%add3A_7, %dma_wait3A_286] : memref<96x8736xf32, #tpu.memory_space<hbm>> -> memref<1x8736xf32, #tpu.memory_space<hbm>>
      %dma_wait3A_288 = tpu.memref_squeeze %dma_wait3A_287 : memref<1x8736xf32, #tpu.memory_space<hbm>> -> memref<8736xf32, #tpu.memory_space<hbm>>
      tpu.wait_dma2 semaphore(%run_scoped3A : memref<!tpu.dma_semaphore, #tpu.memory_space<semaphore_mem>>) src(%dma_wait3A_288 : memref<8736xf32, #tpu.memory_space<hbm>>) dst(%arg5 : memref<8736xf32, #tpu.memory_space<vmem>>)
      tpu.yield
    }) : () -> ()
    "tpu.region"() ({
      %run_scoped3A = tpu.sem_alloc : memref<!tpu.dma_semaphore, #tpu.memory_space<semaphore_mem>>
      %dma_start3A = arith.constant 0 : i32
      %dma_start3A_279 = tpu.memref_slice %arg3[%add3A_7, %dma_start3A] : memref<96x128xf32, #tpu.memory_space<hbm>> -> memref<1x128xf32, #tpu.memory_space<hbm>>
      %dma_start3A_280 = tpu.memref_squeeze %dma_start3A_279 : memref<1x128xf32, #tpu.memory_space<hbm>> -> memref<128xf32, #tpu.memory_space<hbm>>
      %dma_start3A_281 = arith.constant 0 : i32
      %dma_start3A_282 = tpu.memref_slice %arg3[%add3A_7, %dma_start3A_281] : memref<96x128xf32, #tpu.memory_space<hbm>> -> memref<1x128xf32, #tpu.memory_space<hbm>>
      %dma_start3A_283 = tpu.memref_squeeze %dma_start3A_282 : memref<1x128xf32, #tpu.memory_space<hbm>> -> memref<128xf32, #tpu.memory_space<hbm>>
      tpu.enqueue_dma source(%dma_start3A_283 : memref<128xf32, #tpu.memory_space<hbm>>) target(%arg6 : memref<128xf32, #tpu.memory_space<vmem>>) target_semaphore(%run_scoped3A : memref<!tpu.dma_semaphore, #tpu.memory_space<semaphore_mem>>)
      %dma_wait3A = arith.constant 0 : i32
      %dma_wait3A_284 = tpu.memref_slice %arg3[%add3A_7, %dma_wait3A] : memref<96x128xf32, #tpu.memory_space<hbm>> -> memref<1x128xf32, #tpu.memory_space<hbm>>
      %dma_wait3A_285 = tpu.memref_squeeze %dma_wait3A_284 : memref<1x128xf32, #tpu.memory_space<hbm>> -> memref<128xf32, #tpu.memory_space<hbm>>
      %dma_wait3A_286 = arith.constant 0 : i32
      %dma_wait3A_287 = tpu.memref_slice %arg3[%add3A_7, %dma_wait3A_286] : memref<96x128xf32, #tpu.memory_space<hbm>> -> memref<1x128xf32, #tpu.memory_space<hbm>>
      %dma_wait3A_288 = tpu.memref_squeeze %dma_wait3A_287 : memref<1x128xf32, #tpu.memory_space<hbm>> -> memref<128xf32, #tpu.memory_space<hbm>>
      tpu.wait_dma2 semaphore(%run_scoped3A : memref<!tpu.dma_semaphore, #tpu.memory_space<semaphore_mem>>) src(%dma_wait3A_288 : memref<128xf32, #tpu.memory_space<hbm>>) dst(%arg6 : memref<128xf32, #tpu.memory_space<vmem>>)
      tpu.yield
    }) : () -> ()
    %get3A = arith.constant 0 : index
    %get3A_8 = tpu.vector_load %arg6[%get3A] {strides = array<i32>} : memref<128xf32, #tpu.memory_space<vmem>>, vector<16xf32>,
    %convert_element_type3A = arith.fptosi %get3A_8 : vector<16xf32> to vector<16xi32>
    %mul3A_9 = arith.constant 3 : i32
    %mul3A_10 = vector.broadcast %mul3A_9 : i32 to vector<16xi32>
    %mul3A_11 = arith.muli %convert_element_type3A, %mul3A_10 : vector<16xi32>
    %min3A = arith.constant 8731 : i32
    %min3A_12 = vector.broadcast %min3A : i32 to vector<16xi32>
    %min3A_13 = arith.minsi %mul3A_11, %min3A_12 : vector<16xi32>
    %broadcast_in_dim3A_14 = arith.constant 0.000000e+00 : f32
    %broadcast_in_dim3A_15 = vector.broadcast %broadcast_in_dim3A_14 : f32 to vector<16xf32>
    %scan3A = arith.constant 0 : i32
    %scan3A_16 = arith.constant 544 : i32
    %scan3A_17 = arith.addi %scan3A, %scan3A_16 : i32
    %scan3A_18 = arith.constant 8 : i32
    %scan3A_19 = scf.for %scan3A_279 = %scan3A to %scan3A_17 step %scan3A_18 iter_args(%scan3A_280 = %broadcast_in_dim3A_15) -> (vector<16xf32>)  : i32 {
      %mul3A_281 = arith.constant 16 : i32
      %mul3A_282 = arith.muli %scan3A_279, %mul3A_281 : i32
      %get3A_283 = arith.index_cast %mul3A_282 : i32 to index
      %get3A_284 = tpu.vector_load %arg5[%get3A_283] {strides = array<i32>} : memref<8736xf32, #tpu.memory_space<vmem>>, vector<16xf32>,
      %max3A_285 = arith.maximumf %scan3A_280, %get3A_284 : vector<16xf32>
      %scan3A_286 = arith.constant 1 : i32
      %scan3A_287 = arith.addi %scan3A_279, %scan3A_286 : i32
      %mul3A_288 = arith.constant 16 : i32
      %mul3A_289 = arith.muli %scan3A_287, %mul3A_288 : i32
      %get3A_290 = arith.index_cast %mul3A_289 : i32 to index
      %get3A_291 = tpu.vector_load %arg5[%get3A_290] {strides = array<i32>} : memref<8736xf32, #tpu.memory_space<vmem>>, vector<16xf32>,
      %max3A_292 = arith.maximumf %max3A_285, %get3A_291 : vector<16xf32>
      %scan3A_293 = arith.constant 2 : i32
      %scan3A_294 = arith.addi %scan3A_279, %scan3A_293 : i32
      %mul3A_295 = arith.constant 16 : i32
      %mul3A_296 = arith.muli %scan3A_294, %mul3A_295 : i32
      %get3A_297 = arith.index_cast %mul3A_296 : i32 to index
      %get3A_298 = tpu.vector_load %arg5[%get3A_297] {strides = array<i32>} : memref<8736xf32, #tpu.memory_space<vmem>>, vector<16xf32>,
      %max3A_299 = arith.maximumf %max3A_292, %get3A_298 : vector<16xf32>
      %scan3A_300 = arith.constant 3 : i32
      %scan3A_301 = arith.addi %scan3A_279, %scan3A_300 : i32
      %mul3A_302 = arith.constant 16 : i32
      %mul3A_303 = arith.muli %scan3A_301, %mul3A_302 : i32
      %get3A_304 = arith.index_cast %mul3A_303 : i32 to index
      %get3A_305 = tpu.vector_load %arg5[%get3A_304] {strides = array<i32>} : memref<8736xf32, #tpu.memory_space<vmem>>, vector<16xf32>,
      %max3A_306 = arith.maximumf %max3A_299, %get3A_305 : vector<16xf32>
      %scan3A_307 = arith.constant 4 : i32
      %scan3A_308 = arith.addi %scan3A_279, %scan3A_307 : i32
      %mul3A_309 = arith.constant 16 : i32
      %mul3A_310 = arith.muli %scan3A_308, %mul3A_309 : i32
      %get3A_311 = arith.index_cast %mul3A_310 : i32 to index
      %get3A_312 = tpu.vector_load %arg5[%get3A_311] {strides = array<i32>} : memref<8736xf32, #tpu.memory_space<vmem>>, vector<16xf32>,
      %max3A_313 = arith.maximumf %max3A_306, %get3A_312 : vector<16xf32>
      %scan3A_314 = arith.constant 5 : i32
      %scan3A_315 = arith.addi %scan3A_279, %scan3A_314 : i32
      %mul3A_316 = arith.constant 16 : i32
      %mul3A_317 = arith.muli %scan3A_315, %mul3A_316 : i32
      %get3A_318 = arith.index_cast %mul3A_317 : i32 to index
      %get3A_319 = tpu.vector_load %arg5[%get3A_318] {strides = array<i32>} : memref<8736xf32, #tpu.memory_space<vmem>>, vector<16xf32>,
      %max3A_320 = arith.maximumf %max3A_313, %get3A_319 : vector<16xf32>
      %scan3A_321 = arith.constant 6 : i32
      %scan3A_322 = arith.addi %scan3A_279, %scan3A_321 : i32
      %mul3A_323 = arith.constant 16 : i32
      %mul3A_324 = arith.muli %scan3A_322, %mul3A_323 : i32
      %get3A_325 = arith.index_cast %mul3A_324 : i32 to index
      %get3A_326 = tpu.vector_load %arg5[%get3A_325] {strides = array<i32>} : memref<8736xf32, #tpu.memory_space<vmem>>, vector<16xf32>,
      %max3A_327 = arith.maximumf %max3A_320, %get3A_326 : vector<16xf32>
      %scan3A_328 = arith.constant 7 : i32
      %scan3A_329 = arith.addi %scan3A_279, %scan3A_328 : i32
      %mul3A_330 = arith.constant 16 : i32
      %mul3A_331 = arith.muli %scan3A_329, %mul3A_330 : i32
      %get3A_332 = arith.index_cast %mul3A_331 : i32 to index
      %get3A_333 = tpu.vector_load %arg5[%get3A_332] {strides = array<i32>} : memref<8736xf32, #tpu.memory_space<vmem>>, vector<16xf32>,
      %max3A_334 = arith.maximumf %max3A_327, %get3A_333 : vector<16xf32>
      scf.yield %max3A_334 : vector<16xf32>
    }
    %scan3A_20 = arith.constant 544 : i32
    %scan3A_21 = arith.addi %scan3A, %scan3A_20 : i32
    %mul3A_22 = arith.constant 16 : i32
    %mul3A_23 = arith.muli %scan3A_21, %mul3A_22 : i32
    %get3A_24 = arith.index_cast %mul3A_23 : i32 to index
    %get3A_25 = tpu.vector_load %arg5[%get3A_24] {strides = array<i32>} : memref<8736xf32, #tpu.memory_space<vmem>>, vector<16xf32>,
    %max3A = arith.maximumf %scan3A_19, %get3A_25 : vector<16xf32>
    %scan3A_26 = arith.constant 545 : i32
    %scan3A_27 = arith.addi %scan3A, %scan3A_26 : i32
    %mul3A_28 = arith.constant 16 : i32
    %mul3A_29 = arith.muli %scan3A_27, %mul3A_28 : i32
    %get3A_30 = arith.index_cast %mul3A_29 : i32 to index
    %get3A_31 = tpu.vector_load %arg5[%get3A_30] {strides = array<i32>} : memref<8736xf32, #tpu.memory_space<vmem>>, vector<16xf32>,
    %max3A_32 = arith.maximumf %max3A, %get3A_31 : vector<16xf32>
    %scan3A_33 = arith.constant 546 : i32
    %reduce_max3A = arith.constant true
    %reduce_max3A_34 = vector.broadcast %reduce_max3A : i1 to vector<16xi1>
    %reduce_max3A_35 = tpu.scan <max>, %max3A_32 masked %reduce_max3A_34 : vector<16xf32>, vector<16xi1> -> vector<16xf32>
    %reduce_max3A_36 = vector.extract %reduce_max3A_35[15] : f32 from vector<16xf32>
    %broadcast_in_dim3A_37 = vector.broadcast %reduce_max3A_36 : f32 to vector<16xf32>
    %broadcast_in_dim3A_38 = arith.constant 0.000000e+00 : f32
    %broadcast_in_dim3A_39 = vector.broadcast %broadcast_in_dim3A_38 : f32 to vector<16xf32>
    %add3A_40 = arith.constant 1.000000e+00 : f32
    %add3A_41 = vector.broadcast %add3A_40 : f32 to vector<16xf32>
    %add3A_42 = arith.addf %broadcast_in_dim3A_37, %add3A_41 : vector<16xf32>
    %scan3A_43 = arith.constant 0 : i32
    %scan3A_44 = arith.constant 20 : i32
    %scan3A_45 = arith.addi %scan3A_43, %scan3A_44 : i32
    %scan3A_46 = arith.constant 1 : i32
    %scan3A_47:2 = scf.for %scan3A_279 = %scan3A_43 to %scan3A_45 step %scan3A_46 iter_args(%scan3A_280 = %broadcast_in_dim3A_39, %scan3A_281 = %add3A_42) -> (vector<16xf32>, vector<16xf32>)  : i32 {
      %add3A_282 = arith.addf %scan3A_280, %scan3A_281 : vector<16xf32>
      %mul3A_283 = arith.constant 5.000000e-01 : f32
      %mul3A_284 = vector.broadcast %mul3A_283 : f32 to vector<16xf32>
      %mul3A_285 = arith.mulf %add3A_282, %mul3A_284 : vector<16xf32>
      %broadcast_in_dim3A_286 = arith.constant 0 : i32
      %broadcast_in_dim3A_287 = vector.broadcast %broadcast_in_dim3A_286 : i32 to vector<16xi32>
      %scan3A_288 = arith.constant 0 : i32
      %scan3A_289 = arith.constant 544 : i32
      %scan3A_290 = arith.addi %scan3A_288, %scan3A_289 : i32
      %scan3A_291 = arith.constant 16 : i32
      %scan3A_292 = scf.for %scan3A_314 = %scan3A_288 to %scan3A_290 step %scan3A_291 iter_args(%scan3A_315 = %broadcast_in_dim3A_287) -> (vector<16xi32>)  : i32 {
        %mul3A_316 = arith.constant 16 : i32
        %mul3A_317 = arith.muli %scan3A_314, %mul3A_316 : i32
        %get3A_318 = arith.index_cast %mul3A_317 : i32 to index
        %get3A_319 = tpu.vector_load %arg5[%get3A_318] {strides = array<i32>} : memref<8736xf32, #tpu.memory_space<vmem>>, vector<16xf32>,
        %ge3A_320 = arith.cmpf oge, %get3A_319, %mul3A_285 : vector<16xf32>
        %all_reduce_population_count3A_321 = tpu.all_reduce %ge3A_320 {dim = 0 : i64, kind = #tpu.reduction_kind<sum>} : vector<16xi1> -> vector<16xi32>
        %add3A_322 = arith.addi %scan3A_315, %all_reduce_population_count3A_321 : vector<16xi32>
        %scan3A_323 = arith.constant 1 : i32
        %scan3A_324 = arith.addi %scan3A_314, %scan3A_323 : i32
        %mul3A_325 = arith.constant 16 : i32
        %mul3A_326 = arith.muli %scan3A_324, %mul3A_325 : i32
        %get3A_327 = arith.index_cast %mul3A_326 : i32 to index
        %get3A_328 = tpu.vector_load %arg5[%get3A_327] {strides = array<i32>} : memref<8736xf32, #tpu.memory_space<vmem>>, vector<16xf32>,
        %ge3A_329 = arith.cmpf oge, %get3A_328, %mul3A_285 : vector<16xf32>
        %all_reduce_population_count3A_330 = tpu.all_reduce %ge3A_329 {dim = 0 : i64, kind = #tpu.reduction_kind<sum>} : vector<16xi1> -> vector<16xi32>
        %add3A_331 = arith.addi %add3A_322, %all_reduce_population_count3A_330 : vector<16xi32>
        %scan3A_332 = arith.constant 2 : i32
        %scan3A_333 = arith.addi %scan3A_314, %scan3A_332 : i32
        %mul3A_334 = arith.constant 16 : i32
        %mul3A_335 = arith.muli %scan3A_333, %mul3A_334 : i32
        %get3A_336 = arith.index_cast %mul3A_335 : i32 to index
        %get3A_337 = tpu.vector_load %arg5[%get3A_336] {strides = array<i32>} : memref<8736xf32, #tpu.memory_space<vmem>>, vector<16xf32>,
        %ge3A_338 = arith.cmpf oge, %get3A_337, %mul3A_285 : vector<16xf32>
        %all_reduce_population_count3A_339 = tpu.all_reduce %ge3A_338 {dim = 0 : i64, kind = #tpu.reduction_kind<sum>} : vector<16xi1> -> vector<16xi32>
        %add3A_340 = arith.addi %add3A_331, %all_reduce_population_count3A_339 : vector<16xi32>
        %scan3A_341 = arith.constant 3 : i32
        %scan3A_342 = arith.addi %scan3A_314, %scan3A_341 : i32
        %mul3A_343 = arith.constant 16 : i32
        %mul3A_344 = arith.muli %scan3A_342, %mul3A_343 : i32
        %get3A_345 = arith.index_cast %mul3A_344 : i32 to index
        %get3A_346 = tpu.vector_load %arg5[%get3A_345] {strides = array<i32>} : memref<8736xf32, #tpu.memory_space<vmem>>, vector<16xf32>,
        %ge3A_347 = arith.cmpf oge, %get3A_346, %mul3A_285 : vector<16xf32>
        %all_reduce_population_count3A_348 = tpu.all_reduce %ge3A_347 {dim = 0 : i64, kind = #tpu.reduction_kind<sum>} : vector<16xi1> -> vector<16xi32>
        %add3A_349 = arith.addi %add3A_340, %all_reduce_population_count3A_348 : vector<16xi32>
        %scan3A_350 = arith.constant 4 : i32
        %scan3A_351 = arith.addi %scan3A_314, %scan3A_350 : i32
        %mul3A_352 = arith.constant 16 : i32
        %mul3A_353 = arith.muli %scan3A_351, %mul3A_352 : i32
        %get3A_354 = arith.index_cast %mul3A_353 : i32 to index
        %get3A_355 = tpu.vector_load %arg5[%get3A_354] {strides = array<i32>} : memref<8736xf32, #tpu.memory_space<vmem>>, vector<16xf32>,
        %ge3A_356 = arith.cmpf oge, %get3A_355, %mul3A_285 : vector<16xf32>
        %all_reduce_population_count3A_357 = tpu.all_reduce %ge3A_356 {dim = 0 : i64, kind = #tpu.reduction_kind<sum>} : vector<16xi1> -> vector<16xi32>
        %add3A_358 = arith.addi %add3A_349, %all_reduce_population_count3A_357 : vector<16xi32>
        %scan3A_359 = arith.constant 5 : i32
        %scan3A_360 = arith.addi %scan3A_314, %scan3A_359 : i32
        %mul3A_361 = arith.constant 16 : i32
        %mul3A_362 = arith.muli %scan3A_360, %mul3A_361 : i32
        %get3A_363 = arith.index_cast %mul3A_362 : i32 to index
        %get3A_364 = tpu.vector_load %arg5[%get3A_363] {strides = array<i32>} : memref<8736xf32, #tpu.memory_space<vmem>>, vector<16xf32>,
        %ge3A_365 = arith.cmpf oge, %get3A_364, %mul3A_285 : vector<16xf32>
        %all_reduce_population_count3A_366 = tpu.all_reduce %ge3A_365 {dim = 0 : i64, kind = #tpu.reduction_kind<sum>} : vector<16xi1> -> vector<16xi32>
        %add3A_367 = arith.addi %add3A_358, %all_reduce_population_count3A_366 : vector<16xi32>
        %scan3A_368 = arith.constant 6 : i32
        %scan3A_369 = arith.addi %scan3A_314, %scan3A_368 : i32
        %mul3A_370 = arith.constant 16 : i32
        %mul3A_371 = arith.muli %scan3A_369, %mul3A_370 : i32
        %get3A_372 = arith.index_cast %mul3A_371 : i32 to index
        %get3A_373 = tpu.vector_load %arg5[%get3A_372] {strides = array<i32>} : memref<8736xf32, #tpu.memory_space<vmem>>, vector<16xf32>,
        %ge3A_374 = arith.cmpf oge, %get3A_373, %mul3A_285 : vector<16xf32>
        %all_reduce_population_count3A_375 = tpu.all_reduce %ge3A_374 {dim = 0 : i64, kind = #tpu.reduction_kind<sum>} : vector<16xi1> -> vector<16xi32>
        %add3A_376 = arith.addi %add3A_367, %all_reduce_population_count3A_375 : vector<16xi32>
        %scan3A_377 = arith.constant 7 : i32
        %scan3A_378 = arith.addi %scan3A_314, %scan3A_377 : i32
        %mul3A_379 = arith.constant 16 : i32
        %mul3A_380 = arith.muli %scan3A_378, %mul3A_379 : i32
        %get3A_381 = arith.index_cast %mul3A_380 : i32 to index
        %get3A_382 = tpu.vector_load %arg5[%get3A_381] {strides = array<i32>} : memref<8736xf32, #tpu.memory_space<vmem>>, vector<16xf32>,
        %ge3A_383 = arith.cmpf oge, %get3A_382, %mul3A_285 : vector<16xf32>
        %all_reduce_population_count3A_384 = tpu.all_reduce %ge3A_383 {dim = 0 : i64, kind = #tpu.reduction_kind<sum>} : vector<16xi1> -> vector<16xi32>
        %add3A_385 = arith.addi %add3A_376, %all_reduce_population_count3A_384 : vector<16xi32>
        %scan3A_386 = arith.constant 8 : i32
        %scan3A_387 = arith.addi %scan3A_314, %scan3A_386 : i32
        %mul3A_388 = arith.constant 16 : i32
        %mul3A_389 = arith.muli %scan3A_387, %mul3A_388 : i32
        %get3A_390 = arith.index_cast %mul3A_389 : i32 to index
        %get3A_391 = tpu.vector_load %arg5[%get3A_390] {strides = array<i32>} : memref<8736xf32, #tpu.memory_space<vmem>>, vector<16xf32>,
        %ge3A_392 = arith.cmpf oge, %get3A_391, %mul3A_285 : vector<16xf32>
        %all_reduce_population_count3A_393 = tpu.all_reduce %ge3A_392 {dim = 0 : i64, kind = #tpu.reduction_kind<sum>} : vector<16xi1> -> vector<16xi32>
        %add3A_394 = arith.addi %add3A_385, %all_reduce_population_count3A_393 : vector<16xi32>
        %scan3A_395 = arith.constant 9 : i32
        %scan3A_396 = arith.addi %scan3A_314, %scan3A_395 : i32
        %mul3A_397 = arith.constant 16 : i32
        %mul3A_398 = arith.muli %scan3A_396, %mul3A_397 : i32
        %get3A_399 = arith.index_cast %mul3A_398 : i32 to index
        %get3A_400 = tpu.vector_load %arg5[%get3A_399] {strides = array<i32>} : memref<8736xf32, #tpu.memory_space<vmem>>, vector<16xf32>,
        %ge3A_401 = arith.cmpf oge, %get3A_400, %mul3A_285 : vector<16xf32>
        %all_reduce_population_count3A_402 = tpu.all_reduce %ge3A_401 {dim = 0 : i64, kind = #tpu.reduction_kind<sum>} : vector<16xi1> -> vector<16xi32>
        %add3A_403 = arith.addi %add3A_394, %all_reduce_population_count3A_402 : vector<16xi32>
        %scan3A_404 = arith.constant 10 : i32
        %scan3A_405 = arith.addi %scan3A_314, %scan3A_404 : i32
        %mul3A_406 = arith.constant 16 : i32
        %mul3A_407 = arith.muli %scan3A_405, %mul3A_406 : i32
        %get3A_408 = arith.index_cast %mul3A_407 : i32 to index
        %get3A_409 = tpu.vector_load %arg5[%get3A_408] {strides = array<i32>} : memref<8736xf32, #tpu.memory_space<vmem>>, vector<16xf32>,
        %ge3A_410 = arith.cmpf oge, %get3A_409, %mul3A_285 : vector<16xf32>
        %all_reduce_population_count3A_411 = tpu.all_reduce %ge3A_410 {dim = 0 : i64, kind = #tpu.reduction_kind<sum>} : vector<16xi1> -> vector<16xi32>
        %add3A_412 = arith.addi %add3A_403, %all_reduce_population_count3A_411 : vector<16xi32>
        %scan3A_413 = arith.constant 11 : i32
        %scan3A_414 = arith.addi %scan3A_314, %scan3A_413 : i32
        %mul3A_415 = arith.constant 16 : i32
        %mul3A_416 = arith.muli %scan3A_414, %mul3A_415 : i32
        %get3A_417 = arith.index_cast %mul3A_416 : i32 to index
        %get3A_418 = tpu.vector_load %arg5[%get3A_417] {strides = array<i32>} : memref<8736xf32, #tpu.memory_space<vmem>>, vector<16xf32>,
        %ge3A_419 = arith.cmpf oge, %get3A_418, %mul3A_285 : vector<16xf32>
        %all_reduce_population_count3A_420 = tpu.all_reduce %ge3A_419 {dim = 0 : i64, kind = #tpu.reduction_kind<sum>} : vector<16xi1> -> vector<16xi32>
        %add3A_421 = arith.addi %add3A_412, %all_reduce_population_count3A_420 : vector<16xi32>
        %scan3A_422 = arith.constant 12 : i32
        %scan3A_423 = arith.addi %scan3A_314, %scan3A_422 : i32
        %mul3A_424 = arith.constant 16 : i32
        %mul3A_425 = arith.muli %scan3A_423, %mul3A_424 : i32
        %get3A_426 = arith.index_cast %mul3A_425 : i32 to index
        %get3A_427 = tpu.vector_load %arg5[%get3A_426] {strides = array<i32>} : memref<8736xf32, #tpu.memory_space<vmem>>, vector<16xf32>,
        %ge3A_428 = arith.cmpf oge, %get3A_427, %mul3A_285 : vector<16xf32>
        %all_reduce_population_count3A_429 = tpu.all_reduce %ge3A_428 {dim = 0 : i64, kind = #tpu.reduction_kind<sum>} : vector<16xi1> -> vector<16xi32>
        %add3A_430 = arith.addi %add3A_421, %all_reduce_population_count3A_429 : vector<16xi32>
        %scan3A_431 = arith.constant 13 : i32
        %scan3A_432 = arith.addi %scan3A_314, %scan3A_431 : i32
        %mul3A_433 = arith.constant 16 : i32
        %mul3A_434 = arith.muli %scan3A_432, %mul3A_433 : i32
        %get3A_435 = arith.index_cast %mul3A_434 : i32 to index
        %get3A_436 = tpu.vector_load %arg5[%get3A_435] {strides = array<i32>} : memref<8736xf32, #tpu.memory_space<vmem>>, vector<16xf32>,
        %ge3A_437 = arith.cmpf oge, %get3A_436, %mul3A_285 : vector<16xf32>
        %all_reduce_population_count3A_438 = tpu.all_reduce %ge3A_437 {dim = 0 : i64, kind = #tpu.reduction_kind<sum>} : vector<16xi1> -> vector<16xi32>
        %add3A_439 = arith.addi %add3A_430, %all_reduce_population_count3A_438 : vector<16xi32>
        %scan3A_440 = arith.constant 14 : i32
        %scan3A_441 = arith.addi %scan3A_314, %scan3A_440 : i32
        %mul3A_442 = arith.constant 16 : i32
        %mul3A_443 = arith.muli %scan3A_441, %mul3A_442 : i32
        %get3A_444 = arith.index_cast %mul3A_443 : i32 to index
        %get3A_445 = tpu.vector_load %arg5[%get3A_444] {strides = array<i32>} : memref<8736xf32, #tpu.memory_space<vmem>>, vector<16xf32>,
        %ge3A_446 = arith.cmpf oge, %get3A_445, %mul3A_285 : vector<16xf32>
        %all_reduce_population_count3A_447 = tpu.all_reduce %ge3A_446 {dim = 0 : i64, kind = #tpu.reduction_kind<sum>} : vector<16xi1> -> vector<16xi32>
        %add3A_448 = arith.addi %add3A_439, %all_reduce_population_count3A_447 : vector<16xi32>
        %scan3A_449 = arith.constant 15 : i32
        %scan3A_450 = arith.addi %scan3A_314, %scan3A_449 : i32
        %mul3A_451 = arith.constant 16 : i32
        %mul3A_452 = arith.muli %scan3A_450, %mul3A_451 : i32
        %get3A_453 = arith.index_cast %mul3A_452 : i32 to index
        %get3A_454 = tpu.vector_load %arg5[%get3A_453] {strides = array<i32>} : memref<8736xf32, #tpu.memory_space<vmem>>, vector<16xf32>,
        %ge3A_455 = arith.cmpf oge, %get3A_454, %mul3A_285 : vector<16xf32>
        %all_reduce_population_count3A_456 = tpu.all_reduce %ge3A_455 {dim = 0 : i64, kind = #tpu.reduction_kind<sum>} : vector<16xi1> -> vector<16xi32>
        %add3A_457 = arith.addi %add3A_448, %all_reduce_population_count3A_456 : vector<16xi32>
        scf.yield %add3A_457 : vector<16xi32>
      }
      %scan3A_293 = arith.constant 544 : i32
      %scan3A_294 = arith.addi %scan3A_288, %scan3A_293 : i32
      %mul3A_295 = arith.constant 16 : i32
      %mul3A_296 = arith.muli %scan3A_294, %mul3A_295 : i32
      %get3A_297 = arith.index_cast %mul3A_296 : i32 to index
      %get3A_298 = tpu.vector_load %arg5[%get3A_297] {strides = array<i32>} : memref<8736xf32, #tpu.memory_space<vmem>>, vector<16xf32>,
      %ge3A = arith.cmpf oge, %get3A_298, %mul3A_285 : vector<16xf32>
      %all_reduce_population_count3A_299 = tpu.all_reduce %ge3A {dim = 0 : i64, kind = #tpu.reduction_kind<sum>} : vector<16xi1> -> vector<16xi32>
      %add3A_300 = arith.addi %scan3A_292, %all_reduce_population_count3A_299 : vector<16xi32>
      %scan3A_301 = arith.constant 545 : i32
      %scan3A_302 = arith.addi %scan3A_288, %scan3A_301 : i32
      %mul3A_303 = arith.constant 16 : i32
      %mul3A_304 = arith.muli %scan3A_302, %mul3A_303 : i32
      %get3A_305 = arith.index_cast %mul3A_304 : i32 to index
      %get3A_306 = tpu.vector_load %arg5[%get3A_305] {strides = array<i32>} : memref<8736xf32, #tpu.memory_space<vmem>>, vector<16xf32>,
      %ge3A_307 = arith.cmpf oge, %get3A_306, %mul3A_285 : vector<16xf32>
      %all_reduce_population_count3A_308 = tpu.all_reduce %ge3A_307 {dim = 0 : i64, kind = #tpu.reduction_kind<sum>} : vector<16xi1> -> vector<16xi32>
      %add3A_309 = arith.addi %add3A_300, %all_reduce_population_count3A_308 : vector<16xi32>
      %scan3A_310 = arith.constant 546 : i32
      %ge3A_311 = arith.cmpi sge, %add3A_309, %min3A_13 : vector<16xi32>
      %select_n3A_312 = arith.select %ge3A_311, %mul3A_285, %scan3A_280 : vector<16xi1>, vector<16xf32>
      %select_n3A_313 = arith.select %ge3A_311, %scan3A_281, %mul3A_285 : vector<16xi1>, vector<16xf32>
      scf.yield %select_n3A_312, %select_n3A_313 : vector<16xf32>, vector<16xf32>
    }
    %scan3A_48 = arith.constant 20 : i32
    %broadcast_in_dim3A_49 = arith.constant 0 : i32
    %broadcast_in_dim3A_50 = vector.broadcast %broadcast_in_dim3A_49 : i32 to vector<16xi32>
    %broadcast_in_dim3A_51 = arith.constant 0.000000e+00 : f32
    %broadcast_in_dim3A_52 = vector.broadcast %broadcast_in_dim3A_51 : f32 to vector<16xf32>
    %scan3A_53 = arith.constant 0 : i32
    %scan3A_54 = arith.constant 544 : i32
    %scan3A_55 = arith.addi %scan3A_53, %scan3A_54 : i32
    %scan3A_56 = arith.constant 8 : i32
    %scan3A_57:2 = scf.for %scan3A_279 = %scan3A_53 to %scan3A_55 step %scan3A_56 iter_args(%scan3A_280 = %broadcast_in_dim3A_50, %scan3A_281 = %broadcast_in_dim3A_52) -> (vector<16xi32>, vector<16xf32>)  : i32 {
      %mul3A_282 = arith.constant 16 : i32
      %mul3A_283 = arith.muli %scan3A_279, %mul3A_282 : i32
      %get3A_284 = arith.index_cast %mul3A_283 : i32 to index
      %get3A_285 = tpu.vector_load %arg5[%get3A_284] {strides = array<i32>} : memref<8736xf32, #tpu.memory_space<vmem>>, vector<16xf32>,
      %gt3A_286 = arith.cmpf ogt, %get3A_285, %scan3A_47#0 : vector<16xf32>
      %all_reduce_population_count3A_287 = tpu.all_reduce %gt3A_286 {dim = 0 : i64, kind = #tpu.reduction_kind<sum>} : vector<16xi1> -> vector<16xi32>
      %add3A_288 = arith.addi %scan3A_280, %all_reduce_population_count3A_287 : vector<16xi32>
      %jit3A_289 = arith.constant 0.000000e+00 : f32
      %broadcast_in_dim3A_290 = vector.broadcast %jit3A_289 : f32 to vector<16xf32>
      %select_n3A_291 = arith.select %gt3A_286, %get3A_285, %broadcast_in_dim3A_290 : vector<16xi1>, vector<16xf32>
      %add3A_292 = arith.addf %scan3A_281, %select_n3A_291 : vector<16xf32>
      %scan3A_293 = arith.constant 1 : i32
      %scan3A_294 = arith.addi %scan3A_279, %scan3A_293 : i32
      %mul3A_295 = arith.constant 16 : i32
      %mul3A_296 = arith.muli %scan3A_294, %mul3A_295 : i32
      %get3A_297 = arith.index_cast %mul3A_296 : i32 to index
      %get3A_298 = tpu.vector_load %arg5[%get3A_297] {strides = array<i32>} : memref<8736xf32, #tpu.memory_space<vmem>>, vector<16xf32>,
      %gt3A_299 = arith.cmpf ogt, %get3A_298, %scan3A_47#0 : vector<16xf32>
      %all_reduce_population_count3A_300 = tpu.all_reduce %gt3A_299 {dim = 0 : i64, kind = #tpu.reduction_kind<sum>} : vector<16xi1> -> vector<16xi32>
      %add3A_301 = arith.addi %add3A_288, %all_reduce_population_count3A_300 : vector<16xi32>
      %jit3A_302 = arith.constant 0.000000e+00 : f32
      %broadcast_in_dim3A_303 = vector.broadcast %jit3A_302 : f32 to vector<16xf32>
      %select_n3A_304 = arith.select %gt3A_299, %get3A_298, %broadcast_in_dim3A_303 : vector<16xi1>, vector<16xf32>
      %add3A_305 = arith.addf %add3A_292, %select_n3A_304 : vector<16xf32>
      %scan3A_306 = arith.constant 2 : i32
      %scan3A_307 = arith.addi %scan3A_279, %scan3A_306 : i32
      %mul3A_308 = arith.constant 16 : i32
      %mul3A_309 = arith.muli %scan3A_307, %mul3A_308 : i32
      %get3A_310 = arith.index_cast %mul3A_309 : i32 to index
      %get3A_311 = tpu.vector_load %arg5[%get3A_310] {strides = array<i32>} : memref<8736xf32, #tpu.memory_space<vmem>>, vector<16xf32>,
      %gt3A_312 = arith.cmpf ogt, %get3A_311, %scan3A_47#0 : vector<16xf32>
      %all_reduce_population_count3A_313 = tpu.all_reduce %gt3A_312 {dim = 0 : i64, kind = #tpu.reduction_kind<sum>} : vector<16xi1> -> vector<16xi32>
      %add3A_314 = arith.addi %add3A_301, %all_reduce_population_count3A_313 : vector<16xi32>
      %jit3A_315 = arith.constant 0.000000e+00 : f32
      %broadcast_in_dim3A_316 = vector.broadcast %jit3A_315 : f32 to vector<16xf32>
      %select_n3A_317 = arith.select %gt3A_312, %get3A_311, %broadcast_in_dim3A_316 : vector<16xi1>, vector<16xf32>
      %add3A_318 = arith.addf %add3A_305, %select_n3A_317 : vector<16xf32>
      %scan3A_319 = arith.constant 3 : i32
      %scan3A_320 = arith.addi %scan3A_279, %scan3A_319 : i32
      %mul3A_321 = arith.constant 16 : i32
      %mul3A_322 = arith.muli %scan3A_320, %mul3A_321 : i32
      %get3A_323 = arith.index_cast %mul3A_322 : i32 to index
      %get3A_324 = tpu.vector_load %arg5[%get3A_323] {strides = array<i32>} : memref<8736xf32, #tpu.memory_space<vmem>>, vector<16xf32>,
      %gt3A_325 = arith.cmpf ogt, %get3A_324, %scan3A_47#0 : vector<16xf32>
      %all_reduce_population_count3A_326 = tpu.all_reduce %gt3A_325 {dim = 0 : i64, kind = #tpu.reduction_kind<sum>} : vector<16xi1> -> vector<16xi32>
      %add3A_327 = arith.addi %add3A_314, %all_reduce_population_count3A_326 : vector<16xi32>
      %jit3A_328 = arith.constant 0.000000e+00 : f32
      %broadcast_in_dim3A_329 = vector.broadcast %jit3A_328 : f32 to vector<16xf32>
      %select_n3A_330 = arith.select %gt3A_325, %get3A_324, %broadcast_in_dim3A_329 : vector<16xi1>, vector<16xf32>
      %add3A_331 = arith.addf %add3A_318, %select_n3A_330 : vector<16xf32>
      %scan3A_332 = arith.constant 4 : i32
      %scan3A_333 = arith.addi %scan3A_279, %scan3A_332 : i32
      %mul3A_334 = arith.constant 16 : i32
      %mul3A_335 = arith.muli %scan3A_333, %mul3A_334 : i32
      %get3A_336 = arith.index_cast %mul3A_335 : i32 to index
      %get3A_337 = tpu.vector_load %arg5[%get3A_336] {strides = array<i32>} : memref<8736xf32, #tpu.memory_space<vmem>>, vector<16xf32>,
      %gt3A_338 = arith.cmpf ogt, %get3A_337, %scan3A_47#0 : vector<16xf32>
      %all_reduce_population_count3A_339 = tpu.all_reduce %gt3A_338 {dim = 0 : i64, kind = #tpu.reduction_kind<sum>} : vector<16xi1> -> vector<16xi32>
      %add3A_340 = arith.addi %add3A_327, %all_reduce_population_count3A_339 : vector<16xi32>
      %jit3A_341 = arith.constant 0.000000e+00 : f32
      %broadcast_in_dim3A_342 = vector.broadcast %jit3A_341 : f32 to vector<16xf32>
      %select_n3A_343 = arith.select %gt3A_338, %get3A_337, %broadcast_in_dim3A_342 : vector<16xi1>, vector<16xf32>
      %add3A_344 = arith.addf %add3A_331, %select_n3A_343 : vector<16xf32>
      %scan3A_345 = arith.constant 5 : i32
      %scan3A_346 = arith.addi %scan3A_279, %scan3A_345 : i32
      %mul3A_347 = arith.constant 16 : i32
      %mul3A_348 = arith.muli %scan3A_346, %mul3A_347 : i32
      %get3A_349 = arith.index_cast %mul3A_348 : i32 to index
      %get3A_350 = tpu.vector_load %arg5[%get3A_349] {strides = array<i32>} : memref<8736xf32, #tpu.memory_space<vmem>>, vector<16xf32>,
      %gt3A_351 = arith.cmpf ogt, %get3A_350, %scan3A_47#0 : vector<16xf32>
      %all_reduce_population_count3A_352 = tpu.all_reduce %gt3A_351 {dim = 0 : i64, kind = #tpu.reduction_kind<sum>} : vector<16xi1> -> vector<16xi32>
      %add3A_353 = arith.addi %add3A_340, %all_reduce_population_count3A_352 : vector<16xi32>
      %jit3A_354 = arith.constant 0.000000e+00 : f32
      %broadcast_in_dim3A_355 = vector.broadcast %jit3A_354 : f32 to vector<16xf32>
      %select_n3A_356 = arith.select %gt3A_351, %get3A_350, %broadcast_in_dim3A_355 : vector<16xi1>, vector<16xf32>
      %add3A_357 = arith.addf %add3A_344, %select_n3A_356 : vector<16xf32>
      %scan3A_358 = arith.constant 6 : i32
      %scan3A_359 = arith.addi %scan3A_279, %scan3A_358 : i32
      %mul3A_360 = arith.constant 16 : i32
      %mul3A_361 = arith.muli %scan3A_359, %mul3A_360 : i32
      %get3A_362 = arith.index_cast %mul3A_361 : i32 to index
      %get3A_363 = tpu.vector_load %arg5[%get3A_362] {strides = array<i32>} : memref<8736xf32, #tpu.memory_space<vmem>>, vector<16xf32>,
      %gt3A_364 = arith.cmpf ogt, %get3A_363, %scan3A_47#0 : vector<16xf32>
      %all_reduce_population_count3A_365 = tpu.all_reduce %gt3A_364 {dim = 0 : i64, kind = #tpu.reduction_kind<sum>} : vector<16xi1> -> vector<16xi32>
      %add3A_366 = arith.addi %add3A_353, %all_reduce_population_count3A_365 : vector<16xi32>
      %jit3A_367 = arith.constant 0.000000e+00 : f32
      %broadcast_in_dim3A_368 = vector.broadcast %jit3A_367 : f32 to vector<16xf32>
      %select_n3A_369 = arith.select %gt3A_364, %get3A_363, %broadcast_in_dim3A_368 : vector<16xi1>, vector<16xf32>
      %add3A_370 = arith.addf %add3A_357, %select_n3A_369 : vector<16xf32>
      %scan3A_371 = arith.constant 7 : i32
      %scan3A_372 = arith.addi %scan3A_279, %scan3A_371 : i32
      %mul3A_373 = arith.constant 16 : i32
      %mul3A_374 = arith.muli %scan3A_372, %mul3A_373 : i32
      %get3A_375 = arith.index_cast %mul3A_374 : i32 to index
      %get3A_376 = tpu.vector_load %arg5[%get3A_375] {strides = array<i32>} : memref<8736xf32, #tpu.memory_space<vmem>>, vector<16xf32>,
      %gt3A_377 = arith.cmpf ogt, %get3A_376, %scan3A_47#0 : vector<16xf32>
      %all_reduce_population_count3A_378 = tpu.all_reduce %gt3A_377 {dim = 0 : i64, kind = #tpu.reduction_kind<sum>} : vector<16xi1> -> vector<16xi32>
      %add3A_379 = arith.addi %add3A_366, %all_reduce_population_count3A_378 : vector<16xi32>
      %jit3A_380 = arith.constant 0.000000e+00 : f32
      %broadcast_in_dim3A_381 = vector.broadcast %jit3A_380 : f32 to vector<16xf32>
      %select_n3A_382 = arith.select %gt3A_377, %get3A_376, %broadcast_in_dim3A_381 : vector<16xi1>, vector<16xf32>
      %add3A_383 = arith.addf %add3A_370, %select_n3A_382 : vector<16xf32>
      scf.yield %add3A_379, %add3A_383 : vector<16xi32>, vector<16xf32>
    }
    %scan3A_58 = arith.constant 544 : i32
    %scan3A_59 = arith.addi %scan3A_53, %scan3A_58 : i32
    %mul3A_60 = arith.constant 16 : i32
    %mul3A_61 = arith.muli %scan3A_59, %mul3A_60 : i32
    %get3A_62 = arith.index_cast %mul3A_61 : i32 to index
    %get3A_63 = tpu.vector_load %arg5[%get3A_62] {strides = array<i32>} : memref<8736xf32, #tpu.memory_space<vmem>>, vector<16xf32>,
    %gt3A = arith.cmpf ogt, %get3A_63, %scan3A_47#0 : vector<16xf32>
    %all_reduce_population_count3A = tpu.all_reduce %gt3A {dim = 0 : i64, kind = #tpu.reduction_kind<sum>} : vector<16xi1> -> vector<16xi32>
    %add3A_64 = arith.addi %scan3A_57#0, %all_reduce_population_count3A : vector<16xi32>
    %jit3A = arith.constant 0.000000e+00 : f32
    %broadcast_in_dim3A_65 = vector.broadcast %jit3A : f32 to vector<16xf32>
    %select_n3A = arith.select %gt3A, %get3A_63, %broadcast_in_dim3A_65 : vector<16xi1>, vector<16xf32>
    %add3A_66 = arith.addf %scan3A_57#1, %select_n3A : vector<16xf32>
    %scan3A_67 = arith.constant 545 : i32
    %scan3A_68 = arith.addi %scan3A_53, %scan3A_67 : i32
    %mul3A_69 = arith.constant 16 : i32
    %mul3A_70 = arith.muli %scan3A_68, %mul3A_69 : i32
    %get3A_71 = arith.index_cast %mul3A_70 : i32 to index
    %get3A_72 = tpu.vector_load %arg5[%get3A_71] {strides = array<i32>} : memref<8736xf32, #tpu.memory_space<vmem>>, vector<16xf32>,
    %gt3A_73 = arith.cmpf ogt, %get3A_72, %scan3A_47#0 : vector<16xf32>
    %all_reduce_population_count3A_74 = tpu.all_reduce %gt3A_73 {dim = 0 : i64, kind = #tpu.reduction_kind<sum>} : vector<16xi1> -> vector<16xi32>
    %add3A_75 = arith.addi %add3A_64, %all_reduce_population_count3A_74 : vector<16xi32>
    %jit3A_76 = arith.constant 0.000000e+00 : f32
    %broadcast_in_dim3A_77 = vector.broadcast %jit3A_76 : f32 to vector<16xf32>
    %select_n3A_78 = arith.select %gt3A_73, %get3A_72, %broadcast_in_dim3A_77 : vector<16xi1>, vector<16xf32>
    %add3A_79 = arith.addf %add3A_66, %select_n3A_78 : vector<16xf32>
    %scan3A_80 = arith.constant 546 : i32
    %sub3A = arith.subi %min3A_13, %add3A_75 : vector<16xi32>
    %convert_element_type3A_81 = arith.sitofp %sub3A : vector<16xi32> to vector<16xf32>
    %mul3A_82 = arith.mulf %convert_element_type3A_81, %scan3A_47#0 : vector<16xf32>
    %add3A_83 = arith.addf %broadcast_in_dim3A_1, %add3A_79 : vector<16xf32>
    %jit3A_84 = arith.constant 0.000000e+00 : f32
    %broadcast_in_dim3A_85 = vector.broadcast %jit3A_84 : f32 to vector<16xf32>
    %select_n3A_86 = arith.select %eq3A_3, %mul3A_82, %broadcast_in_dim3A_85 : vector<16xi1>, vector<16xf32>
    %add3A_87 = arith.addf %add3A_83, %select_n3A_86 : vector<16xf32>
    %mul3A_88 = arith.constant 3 : i32
    %mul3A_89 = arith.muli %add3A, %mul3A_88 : i32
    %add3A_90 = arith.constant 1 : i32
    %add3A_91 = arith.addi %mul3A_89, %add3A_90 : i32
    "tpu.region"() ({
      %run_scoped3A = tpu.sem_alloc : memref<!tpu.dma_semaphore, #tpu.memory_space<semaphore_mem>>
      %dma_start3A = arith.constant 0 : i32
      %dma_start3A_279 = tpu.memref_slice %arg2[%add3A_91, %dma_start3A] : memref<96x8736xf32, #tpu.memory_space<hbm>> -> memref<1x8736xf32, #tpu.memory_space<hbm>>
      %dma_start3A_280 = tpu.memref_squeeze %dma_start3A_279 : memref<1x8736xf32, #tpu.memory_space<hbm>> -> memref<8736xf32, #tpu.memory_space<hbm>>
      %dma_start3A_281 = arith.constant 0 : i32
      %dma_start3A_282 = tpu.memref_slice %arg2[%add3A_91, %dma_start3A_281] : memref<96x8736xf32, #tpu.memory_space<hbm>> -> memref<1x8736xf32, #tpu.memory_space<hbm>>
      %dma_start3A_283 = tpu.memref_squeeze %dma_start3A_282 : memref<1x8736xf32, #tpu.memory_space<hbm>> -> memref<8736xf32, #tpu.memory_space<hbm>>
      tpu.enqueue_dma source(%dma_start3A_283 : memref<8736xf32, #tpu.memory_space<hbm>>) target(%arg5 : memref<8736xf32, #tpu.memory_space<vmem>>) target_semaphore(%run_scoped3A : memref<!tpu.dma_semaphore, #tpu.memory_space<semaphore_mem>>)
      %dma_wait3A = arith.constant 0 : i32
      %dma_wait3A_284 = tpu.memref_slice %arg2[%add3A_91, %dma_wait3A] : memref<96x8736xf32, #tpu.memory_space<hbm>> -> memref<1x8736xf32, #tpu.memory_space<hbm>>
      %dma_wait3A_285 = tpu.memref_squeeze %dma_wait3A_284 : memref<1x8736xf32, #tpu.memory_space<hbm>> -> memref<8736xf32, #tpu.memory_space<hbm>>
      %dma_wait3A_286 = arith.constant 0 : i32
      %dma_wait3A_287 = tpu.memref_slice %arg2[%add3A_91, %dma_wait3A_286] : memref<96x8736xf32, #tpu.memory_space<hbm>> -> memref<1x8736xf32, #tpu.memory_space<hbm>>
      %dma_wait3A_288 = tpu.memref_squeeze %dma_wait3A_287 : memref<1x8736xf32, #tpu.memory_space<hbm>> -> memref<8736xf32, #tpu.memory_space<hbm>>
      tpu.wait_dma2 semaphore(%run_scoped3A : memref<!tpu.dma_semaphore, #tpu.memory_space<semaphore_mem>>) src(%dma_wait3A_288 : memref<8736xf32, #tpu.memory_space<hbm>>) dst(%arg5 : memref<8736xf32, #tpu.memory_space<vmem>>)
      tpu.yield
    }) : () -> ()
    "tpu.region"() ({
      %run_scoped3A = tpu.sem_alloc : memref<!tpu.dma_semaphore, #tpu.memory_space<semaphore_mem>>
      %dma_start3A = arith.constant 0 : i32
      %dma_start3A_279 = tpu.memref_slice %arg3[%add3A_91, %dma_start3A] : memref<96x128xf32, #tpu.memory_space<hbm>> -> memref<1x128xf32, #tpu.memory_space<hbm>>
      %dma_start3A_280 = tpu.memref_squeeze %dma_start3A_279 : memref<1x128xf32, #tpu.memory_space<hbm>> -> memref<128xf32, #tpu.memory_space<hbm>>
      %dma_start3A_281 = arith.constant 0 : i32
      %dma_start3A_282 = tpu.memref_slice %arg3[%add3A_91, %dma_start3A_281] : memref<96x128xf32, #tpu.memory_space<hbm>> -> memref<1x128xf32, #tpu.memory_space<hbm>>
      %dma_start3A_283 = tpu.memref_squeeze %dma_start3A_282 : memref<1x128xf32, #tpu.memory_space<hbm>> -> memref<128xf32, #tpu.memory_space<hbm>>
      tpu.enqueue_dma source(%dma_start3A_283 : memref<128xf32, #tpu.memory_space<hbm>>) target(%arg6 : memref<128xf32, #tpu.memory_space<vmem>>) target_semaphore(%run_scoped3A : memref<!tpu.dma_semaphore, #tpu.memory_space<semaphore_mem>>)
      %dma_wait3A = arith.constant 0 : i32
      %dma_wait3A_284 = tpu.memref_slice %arg3[%add3A_91, %dma_wait3A] : memref<96x128xf32, #tpu.memory_space<hbm>> -> memref<1x128xf32, #tpu.memory_space<hbm>>
      %dma_wait3A_285 = tpu.memref_squeeze %dma_wait3A_284 : memref<1x128xf32, #tpu.memory_space<hbm>> -> memref<128xf32, #tpu.memory_space<hbm>>
      %dma_wait3A_286 = arith.constant 0 : i32
      %dma_wait3A_287 = tpu.memref_slice %arg3[%add3A_91, %dma_wait3A_286] : memref<96x128xf32, #tpu.memory_space<hbm>> -> memref<1x128xf32, #tpu.memory_space<hbm>>
      %dma_wait3A_288 = tpu.memref_squeeze %dma_wait3A_287 : memref<1x128xf32, #tpu.memory_space<hbm>> -> memref<128xf32, #tpu.memory_space<hbm>>
      tpu.wait_dma2 semaphore(%run_scoped3A : memref<!tpu.dma_semaphore, #tpu.memory_space<semaphore_mem>>) src(%dma_wait3A_288 : memref<128xf32, #tpu.memory_space<hbm>>) dst(%arg6 : memref<128xf32, #tpu.memory_space<vmem>>)
      tpu.yield
    }) : () -> ()
    %get3A_92 = arith.constant 0 : index
    %get3A_93 = tpu.vector_load %arg6[%get3A_92] {strides = array<i32>} : memref<128xf32, #tpu.memory_space<vmem>>, vector<16xf32>,
    %convert_element_type3A_94 = arith.fptosi %get3A_93 : vector<16xf32> to vector<16xi32>
    %mul3A_95 = arith.constant 3 : i32
    %mul3A_96 = vector.broadcast %mul3A_95 : i32 to vector<16xi32>
    %mul3A_97 = arith.muli %convert_element_type3A_94, %mul3A_96 : vector<16xi32>
    %min3A_98 = arith.constant 8731 : i32
    %min3A_99 = vector.broadcast %min3A_98 : i32 to vector<16xi32>
    %min3A_100 = arith.minsi %mul3A_97, %min3A_99 : vector<16xi32>
    %broadcast_in_dim3A_101 = arith.constant 0.000000e+00 : f32
    %broadcast_in_dim3A_102 = vector.broadcast %broadcast_in_dim3A_101 : f32 to vector<16xf32>
    %scan3A_103 = arith.constant 0 : i32
    %scan3A_104 = arith.constant 544 : i32
    %scan3A_105 = arith.addi %scan3A_103, %scan3A_104 : i32
    %scan3A_106 = arith.constant 8 : i32
    %scan3A_107 = scf.for %scan3A_279 = %scan3A_103 to %scan3A_105 step %scan3A_106 iter_args(%scan3A_280 = %broadcast_in_dim3A_102) -> (vector<16xf32>)  : i32 {
      %mul3A_281 = arith.constant 16 : i32
      %mul3A_282 = arith.muli %scan3A_279, %mul3A_281 : i32
      %get3A_283 = arith.index_cast %mul3A_282 : i32 to index
      %get3A_284 = tpu.vector_load %arg5[%get3A_283] {strides = array<i32>} : memref<8736xf32, #tpu.memory_space<vmem>>, vector<16xf32>,
      %max3A_285 = arith.maximumf %scan3A_280, %get3A_284 : vector<16xf32>
      %scan3A_286 = arith.constant 1 : i32
      %scan3A_287 = arith.addi %scan3A_279, %scan3A_286 : i32
      %mul3A_288 = arith.constant 16 : i32
      %mul3A_289 = arith.muli %scan3A_287, %mul3A_288 : i32
      %get3A_290 = arith.index_cast %mul3A_289 : i32 to index
      %get3A_291 = tpu.vector_load %arg5[%get3A_290] {strides = array<i32>} : memref<8736xf32, #tpu.memory_space<vmem>>, vector<16xf32>,
      %max3A_292 = arith.maximumf %max3A_285, %get3A_291 : vector<16xf32>
      %scan3A_293 = arith.constant 2 : i32
      %scan3A_294 = arith.addi %scan3A_279, %scan3A_293 : i32
      %mul3A_295 = arith.constant 16 : i32
      %mul3A_296 = arith.muli %scan3A_294, %mul3A_295 : i32
      %get3A_297 = arith.index_cast %mul3A_296 : i32 to index
      %get3A_298 = tpu.vector_load %arg5[%get3A_297] {strides = array<i32>} : memref<8736xf32, #tpu.memory_space<vmem>>, vector<16xf32>,
      %max3A_299 = arith.maximumf %max3A_292, %get3A_298 : vector<16xf32>
      %scan3A_300 = arith.constant 3 : i32
      %scan3A_301 = arith.addi %scan3A_279, %scan3A_300 : i32
      %mul3A_302 = arith.constant 16 : i32
      %mul3A_303 = arith.muli %scan3A_301, %mul3A_302 : i32
      %get3A_304 = arith.index_cast %mul3A_303 : i32 to index
      %get3A_305 = tpu.vector_load %arg5[%get3A_304] {strides = array<i32>} : memref<8736xf32, #tpu.memory_space<vmem>>, vector<16xf32>,
      %max3A_306 = arith.maximumf %max3A_299, %get3A_305 : vector<16xf32>
      %scan3A_307 = arith.constant 4 : i32
      %scan3A_308 = arith.addi %scan3A_279, %scan3A_307 : i32
      %mul3A_309 = arith.constant 16 : i32
      %mul3A_310 = arith.muli %scan3A_308, %mul3A_309 : i32
      %get3A_311 = arith.index_cast %mul3A_310 : i32 to index
      %get3A_312 = tpu.vector_load %arg5[%get3A_311] {strides = array<i32>} : memref<8736xf32, #tpu.memory_space<vmem>>, vector<16xf32>,
      %max3A_313 = arith.maximumf %max3A_306, %get3A_312 : vector<16xf32>
      %scan3A_314 = arith.constant 5 : i32
      %scan3A_315 = arith.addi %scan3A_279, %scan3A_314 : i32
      %mul3A_316 = arith.constant 16 : i32
      %mul3A_317 = arith.muli %scan3A_315, %mul3A_316 : i32
      %get3A_318 = arith.index_cast %mul3A_317 : i32 to index
      %get3A_319 = tpu.vector_load %arg5[%get3A_318] {strides = array<i32>} : memref<8736xf32, #tpu.memory_space<vmem>>, vector<16xf32>,
      %max3A_320 = arith.maximumf %max3A_313, %get3A_319 : vector<16xf32>
      %scan3A_321 = arith.constant 6 : i32
      %scan3A_322 = arith.addi %scan3A_279, %scan3A_321 : i32
      %mul3A_323 = arith.constant 16 : i32
      %mul3A_324 = arith.muli %scan3A_322, %mul3A_323 : i32
      %get3A_325 = arith.index_cast %mul3A_324 : i32 to index
      %get3A_326 = tpu.vector_load %arg5[%get3A_325] {strides = array<i32>} : memref<8736xf32, #tpu.memory_space<vmem>>, vector<16xf32>,
      %max3A_327 = arith.maximumf %max3A_320, %get3A_326 : vector<16xf32>
      %scan3A_328 = arith.constant 7 : i32
      %scan3A_329 = arith.addi %scan3A_279, %scan3A_328 : i32
      %mul3A_330 = arith.constant 16 : i32
      %mul3A_331 = arith.muli %scan3A_329, %mul3A_330 : i32
      %get3A_332 = arith.index_cast %mul3A_331 : i32 to index
      %get3A_333 = tpu.vector_load %arg5[%get3A_332] {strides = array<i32>} : memref<8736xf32, #tpu.memory_space<vmem>>, vector<16xf32>,
      %max3A_334 = arith.maximumf %max3A_327, %get3A_333 : vector<16xf32>
      scf.yield %max3A_334 : vector<16xf32>
    }
    %scan3A_108 = arith.constant 544 : i32
    %scan3A_109 = arith.addi %scan3A_103, %scan3A_108 : i32
    %mul3A_110 = arith.constant 16 : i32
    %mul3A_111 = arith.muli %scan3A_109, %mul3A_110 : i32
    %get3A_112 = arith.index_cast %mul3A_111 : i32 to index
    %get3A_113 = tpu.vector_load %arg5[%get3A_112] {strides = array<i32>} : memref<8736xf32, #tpu.memory_space<vmem>>, vector<16xf32>,
    %max3A_114 = arith.maximumf %scan3A_107, %get3A_113 : vector<16xf32>
    %scan3A_115 = arith.constant 545 : i32
    %scan3A_116 = arith.addi %scan3A_103, %scan3A_115 : i32
    %mul3A_117 = arith.constant 16 : i32
    %mul3A_118 = arith.muli %scan3A_116, %mul3A_117 : i32
    %get3A_119 = arith.index_cast %mul3A_118 : i32 to index
    %get3A_120 = tpu.vector_load %arg5[%get3A_119] {strides = array<i32>} : memref<8736xf32, #tpu.memory_space<vmem>>, vector<16xf32>,
    %max3A_121 = arith.maximumf %max3A_114, %get3A_120 : vector<16xf32>
    %scan3A_122 = arith.constant 546 : i32
    %reduce_max3A_123 = arith.constant true
    %reduce_max3A_124 = vector.broadcast %reduce_max3A_123 : i1 to vector<16xi1>
    %reduce_max3A_125 = tpu.scan <max>, %max3A_121 masked %reduce_max3A_124 : vector<16xf32>, vector<16xi1> -> vector<16xf32>
    %reduce_max3A_126 = vector.extract %reduce_max3A_125[15] : f32 from vector<16xf32>
    %broadcast_in_dim3A_127 = vector.broadcast %reduce_max3A_126 : f32 to vector<16xf32>
    %broadcast_in_dim3A_128 = arith.constant 0.000000e+00 : f32
    %broadcast_in_dim3A_129 = vector.broadcast %broadcast_in_dim3A_128 : f32 to vector<16xf32>
    %add3A_130 = arith.constant 1.000000e+00 : f32
    %add3A_131 = vector.broadcast %add3A_130 : f32 to vector<16xf32>
    %add3A_132 = arith.addf %broadcast_in_dim3A_127, %add3A_131 : vector<16xf32>
    %scan3A_133 = arith.constant 0 : i32
    %scan3A_134 = arith.constant 20 : i32
    %scan3A_135 = arith.addi %scan3A_133, %scan3A_134 : i32
    %scan3A_136 = arith.constant 1 : i32
    %scan3A_137:2 = scf.for %scan3A_279 = %scan3A_133 to %scan3A_135 step %scan3A_136 iter_args(%scan3A_280 = %broadcast_in_dim3A_129, %scan3A_281 = %add3A_132) -> (vector<16xf32>, vector<16xf32>)  : i32 {
      %add3A_282 = arith.addf %scan3A_280, %scan3A_281 : vector<16xf32>
      %mul3A_283 = arith.constant 5.000000e-01 : f32
      %mul3A_284 = vector.broadcast %mul3A_283 : f32 to vector<16xf32>
      %mul3A_285 = arith.mulf %add3A_282, %mul3A_284 : vector<16xf32>
      %broadcast_in_dim3A_286 = arith.constant 0 : i32
      %broadcast_in_dim3A_287 = vector.broadcast %broadcast_in_dim3A_286 : i32 to vector<16xi32>
      %scan3A_288 = arith.constant 0 : i32
      %scan3A_289 = arith.constant 544 : i32
      %scan3A_290 = arith.addi %scan3A_288, %scan3A_289 : i32
      %scan3A_291 = arith.constant 16 : i32
      %scan3A_292 = scf.for %scan3A_314 = %scan3A_288 to %scan3A_290 step %scan3A_291 iter_args(%scan3A_315 = %broadcast_in_dim3A_287) -> (vector<16xi32>)  : i32 {
        %mul3A_316 = arith.constant 16 : i32
        %mul3A_317 = arith.muli %scan3A_314, %mul3A_316 : i32
        %get3A_318 = arith.index_cast %mul3A_317 : i32 to index
        %get3A_319 = tpu.vector_load %arg5[%get3A_318] {strides = array<i32>} : memref<8736xf32, #tpu.memory_space<vmem>>, vector<16xf32>,
        %ge3A_320 = arith.cmpf oge, %get3A_319, %mul3A_285 : vector<16xf32>
        %all_reduce_population_count3A_321 = tpu.all_reduce %ge3A_320 {dim = 0 : i64, kind = #tpu.reduction_kind<sum>} : vector<16xi1> -> vector<16xi32>
        %add3A_322 = arith.addi %scan3A_315, %all_reduce_population_count3A_321 : vector<16xi32>
        %scan3A_323 = arith.constant 1 : i32
        %scan3A_324 = arith.addi %scan3A_314, %scan3A_323 : i32
        %mul3A_325 = arith.constant 16 : i32
        %mul3A_326 = arith.muli %scan3A_324, %mul3A_325 : i32
        %get3A_327 = arith.index_cast %mul3A_326 : i32 to index
        %get3A_328 = tpu.vector_load %arg5[%get3A_327] {strides = array<i32>} : memref<8736xf32, #tpu.memory_space<vmem>>, vector<16xf32>,
        %ge3A_329 = arith.cmpf oge, %get3A_328, %mul3A_285 : vector<16xf32>
        %all_reduce_population_count3A_330 = tpu.all_reduce %ge3A_329 {dim = 0 : i64, kind = #tpu.reduction_kind<sum>} : vector<16xi1> -> vector<16xi32>
        %add3A_331 = arith.addi %add3A_322, %all_reduce_population_count3A_330 : vector<16xi32>
        %scan3A_332 = arith.constant 2 : i32
        %scan3A_333 = arith.addi %scan3A_314, %scan3A_332 : i32
        %mul3A_334 = arith.constant 16 : i32
        %mul3A_335 = arith.muli %scan3A_333, %mul3A_334 : i32
        %get3A_336 = arith.index_cast %mul3A_335 : i32 to index
        %get3A_337 = tpu.vector_load %arg5[%get3A_336] {strides = array<i32>} : memref<8736xf32, #tpu.memory_space<vmem>>, vector<16xf32>,
        %ge3A_338 = arith.cmpf oge, %get3A_337, %mul3A_285 : vector<16xf32>
        %all_reduce_population_count3A_339 = tpu.all_reduce %ge3A_338 {dim = 0 : i64, kind = #tpu.reduction_kind<sum>} : vector<16xi1> -> vector<16xi32>
        %add3A_340 = arith.addi %add3A_331, %all_reduce_population_count3A_339 : vector<16xi32>
        %scan3A_341 = arith.constant 3 : i32
        %scan3A_342 = arith.addi %scan3A_314, %scan3A_341 : i32
        %mul3A_343 = arith.constant 16 : i32
        %mul3A_344 = arith.muli %scan3A_342, %mul3A_343 : i32
        %get3A_345 = arith.index_cast %mul3A_344 : i32 to index
        %get3A_346 = tpu.vector_load %arg5[%get3A_345] {strides = array<i32>} : memref<8736xf32, #tpu.memory_space<vmem>>, vector<16xf32>,
        %ge3A_347 = arith.cmpf oge, %get3A_346, %mul3A_285 : vector<16xf32>
        %all_reduce_population_count3A_348 = tpu.all_reduce %ge3A_347 {dim = 0 : i64, kind = #tpu.reduction_kind<sum>} : vector<16xi1> -> vector<16xi32>
        %add3A_349 = arith.addi %add3A_340, %all_reduce_population_count3A_348 : vector<16xi32>
        %scan3A_350 = arith.constant 4 : i32
        %scan3A_351 = arith.addi %scan3A_314, %scan3A_350 : i32
        %mul3A_352 = arith.constant 16 : i32
        %mul3A_353 = arith.muli %scan3A_351, %mul3A_352 : i32
        %get3A_354 = arith.index_cast %mul3A_353 : i32 to index
        %get3A_355 = tpu.vector_load %arg5[%get3A_354] {strides = array<i32>} : memref<8736xf32, #tpu.memory_space<vmem>>, vector<16xf32>,
        %ge3A_356 = arith.cmpf oge, %get3A_355, %mul3A_285 : vector<16xf32>
        %all_reduce_population_count3A_357 = tpu.all_reduce %ge3A_356 {dim = 0 : i64, kind = #tpu.reduction_kind<sum>} : vector<16xi1> -> vector<16xi32>
        %add3A_358 = arith.addi %add3A_349, %all_reduce_population_count3A_357 : vector<16xi32>
        %scan3A_359 = arith.constant 5 : i32
        %scan3A_360 = arith.addi %scan3A_314, %scan3A_359 : i32
        %mul3A_361 = arith.constant 16 : i32
        %mul3A_362 = arith.muli %scan3A_360, %mul3A_361 : i32
        %get3A_363 = arith.index_cast %mul3A_362 : i32 to index
        %get3A_364 = tpu.vector_load %arg5[%get3A_363] {strides = array<i32>} : memref<8736xf32, #tpu.memory_space<vmem>>, vector<16xf32>,
        %ge3A_365 = arith.cmpf oge, %get3A_364, %mul3A_285 : vector<16xf32>
        %all_reduce_population_count3A_366 = tpu.all_reduce %ge3A_365 {dim = 0 : i64, kind = #tpu.reduction_kind<sum>} : vector<16xi1> -> vector<16xi32>
        %add3A_367 = arith.addi %add3A_358, %all_reduce_population_count3A_366 : vector<16xi32>
        %scan3A_368 = arith.constant 6 : i32
        %scan3A_369 = arith.addi %scan3A_314, %scan3A_368 : i32
        %mul3A_370 = arith.constant 16 : i32
        %mul3A_371 = arith.muli %scan3A_369, %mul3A_370 : i32
        %get3A_372 = arith.index_cast %mul3A_371 : i32 to index
        %get3A_373 = tpu.vector_load %arg5[%get3A_372] {strides = array<i32>} : memref<8736xf32, #tpu.memory_space<vmem>>, vector<16xf32>,
        %ge3A_374 = arith.cmpf oge, %get3A_373, %mul3A_285 : vector<16xf32>
        %all_reduce_population_count3A_375 = tpu.all_reduce %ge3A_374 {dim = 0 : i64, kind = #tpu.reduction_kind<sum>} : vector<16xi1> -> vector<16xi32>
        %add3A_376 = arith.addi %add3A_367, %all_reduce_population_count3A_375 : vector<16xi32>
        %scan3A_377 = arith.constant 7 : i32
        %scan3A_378 = arith.addi %scan3A_314, %scan3A_377 : i32
        %mul3A_379 = arith.constant 16 : i32
        %mul3A_380 = arith.muli %scan3A_378, %mul3A_379 : i32
        %get3A_381 = arith.index_cast %mul3A_380 : i32 to index
        %get3A_382 = tpu.vector_load %arg5[%get3A_381] {strides = array<i32>} : memref<8736xf32, #tpu.memory_space<vmem>>, vector<16xf32>,
        %ge3A_383 = arith.cmpf oge, %get3A_382, %mul3A_285 : vector<16xf32>
        %all_reduce_population_count3A_384 = tpu.all_reduce %ge3A_383 {dim = 0 : i64, kind = #tpu.reduction_kind<sum>} : vector<16xi1> -> vector<16xi32>
        %add3A_385 = arith.addi %add3A_376, %all_reduce_population_count3A_384 : vector<16xi32>
        %scan3A_386 = arith.constant 8 : i32
        %scan3A_387 = arith.addi %scan3A_314, %scan3A_386 : i32
        %mul3A_388 = arith.constant 16 : i32
        %mul3A_389 = arith.muli %scan3A_387, %mul3A_388 : i32
        %get3A_390 = arith.index_cast %mul3A_389 : i32 to index
        %get3A_391 = tpu.vector_load %arg5[%get3A_390] {strides = array<i32>} : memref<8736xf32, #tpu.memory_space<vmem>>, vector<16xf32>,
        %ge3A_392 = arith.cmpf oge, %get3A_391, %mul3A_285 : vector<16xf32>
        %all_reduce_population_count3A_393 = tpu.all_reduce %ge3A_392 {dim = 0 : i64, kind = #tpu.reduction_kind<sum>} : vector<16xi1> -> vector<16xi32>
        %add3A_394 = arith.addi %add3A_385, %all_reduce_population_count3A_393 : vector<16xi32>
        %scan3A_395 = arith.constant 9 : i32
        %scan3A_396 = arith.addi %scan3A_314, %scan3A_395 : i32
        %mul3A_397 = arith.constant 16 : i32
        %mul3A_398 = arith.muli %scan3A_396, %mul3A_397 : i32
        %get3A_399 = arith.index_cast %mul3A_398 : i32 to index
        %get3A_400 = tpu.vector_load %arg5[%get3A_399] {strides = array<i32>} : memref<8736xf32, #tpu.memory_space<vmem>>, vector<16xf32>,
        %ge3A_401 = arith.cmpf oge, %get3A_400, %mul3A_285 : vector<16xf32>
        %all_reduce_population_count3A_402 = tpu.all_reduce %ge3A_401 {dim = 0 : i64, kind = #tpu.reduction_kind<sum>} : vector<16xi1> -> vector<16xi32>
        %add3A_403 = arith.addi %add3A_394, %all_reduce_population_count3A_402 : vector<16xi32>
        %scan3A_404 = arith.constant 10 : i32
        %scan3A_405 = arith.addi %scan3A_314, %scan3A_404 : i32
        %mul3A_406 = arith.constant 16 : i32
        %mul3A_407 = arith.muli %scan3A_405, %mul3A_406 : i32
        %get3A_408 = arith.index_cast %mul3A_407 : i32 to index
        %get3A_409 = tpu.vector_load %arg5[%get3A_408] {strides = array<i32>} : memref<8736xf32, #tpu.memory_space<vmem>>, vector<16xf32>,
        %ge3A_410 = arith.cmpf oge, %get3A_409, %mul3A_285 : vector<16xf32>
        %all_reduce_population_count3A_411 = tpu.all_reduce %ge3A_410 {dim = 0 : i64, kind = #tpu.reduction_kind<sum>} : vector<16xi1> -> vector<16xi32>
        %add3A_412 = arith.addi %add3A_403, %all_reduce_population_count3A_411 : vector<16xi32>
        %scan3A_413 = arith.constant 11 : i32
        %scan3A_414 = arith.addi %scan3A_314, %scan3A_413 : i32
        %mul3A_415 = arith.constant 16 : i32
        %mul3A_416 = arith.muli %scan3A_414, %mul3A_415 : i32
        %get3A_417 = arith.index_cast %mul3A_416 : i32 to index
        %get3A_418 = tpu.vector_load %arg5[%get3A_417] {strides = array<i32>} : memref<8736xf32, #tpu.memory_space<vmem>>, vector<16xf32>,
        %ge3A_419 = arith.cmpf oge, %get3A_418, %mul3A_285 : vector<16xf32>
        %all_reduce_population_count3A_420 = tpu.all_reduce %ge3A_419 {dim = 0 : i64, kind = #tpu.reduction_kind<sum>} : vector<16xi1> -> vector<16xi32>
        %add3A_421 = arith.addi %add3A_412, %all_reduce_population_count3A_420 : vector<16xi32>
        %scan3A_422 = arith.constant 12 : i32
        %scan3A_423 = arith.addi %scan3A_314, %scan3A_422 : i32
        %mul3A_424 = arith.constant 16 : i32
        %mul3A_425 = arith.muli %scan3A_423, %mul3A_424 : i32
        %get3A_426 = arith.index_cast %mul3A_425 : i32 to index
        %get3A_427 = tpu.vector_load %arg5[%get3A_426] {strides = array<i32>} : memref<8736xf32, #tpu.memory_space<vmem>>, vector<16xf32>,
        %ge3A_428 = arith.cmpf oge, %get3A_427, %mul3A_285 : vector<16xf32>
        %all_reduce_population_count3A_429 = tpu.all_reduce %ge3A_428 {dim = 0 : i64, kind = #tpu.reduction_kind<sum>} : vector<16xi1> -> vector<16xi32>
        %add3A_430 = arith.addi %add3A_421, %all_reduce_population_count3A_429 : vector<16xi32>
        %scan3A_431 = arith.constant 13 : i32
        %scan3A_432 = arith.addi %scan3A_314, %scan3A_431 : i32
        %mul3A_433 = arith.constant 16 : i32
        %mul3A_434 = arith.muli %scan3A_432, %mul3A_433 : i32
        %get3A_435 = arith.index_cast %mul3A_434 : i32 to index
        %get3A_436 = tpu.vector_load %arg5[%get3A_435] {strides = array<i32>} : memref<8736xf32, #tpu.memory_space<vmem>>, vector<16xf32>,
        %ge3A_437 = arith.cmpf oge, %get3A_436, %mul3A_285 : vector<16xf32>
        %all_reduce_population_count3A_438 = tpu.all_reduce %ge3A_437 {dim = 0 : i64, kind = #tpu.reduction_kind<sum>} : vector<16xi1> -> vector<16xi32>
        %add3A_439 = arith.addi %add3A_430, %all_reduce_population_count3A_438 : vector<16xi32>
        %scan3A_440 = arith.constant 14 : i32
        %scan3A_441 = arith.addi %scan3A_314, %scan3A_440 : i32
        %mul3A_442 = arith.constant 16 : i32
        %mul3A_443 = arith.muli %scan3A_441, %mul3A_442 : i32
        %get3A_444 = arith.index_cast %mul3A_443 : i32 to index
        %get3A_445 = tpu.vector_load %arg5[%get3A_444] {strides = array<i32>} : memref<8736xf32, #tpu.memory_space<vmem>>, vector<16xf32>,
        %ge3A_446 = arith.cmpf oge, %get3A_445, %mul3A_285 : vector<16xf32>
        %all_reduce_population_count3A_447 = tpu.all_reduce %ge3A_446 {dim = 0 : i64, kind = #tpu.reduction_kind<sum>} : vector<16xi1> -> vector<16xi32>
        %add3A_448 = arith.addi %add3A_439, %all_reduce_population_count3A_447 : vector<16xi32>
        %scan3A_449 = arith.constant 15 : i32
        %scan3A_450 = arith.addi %scan3A_314, %scan3A_449 : i32
        %mul3A_451 = arith.constant 16 : i32
        %mul3A_452 = arith.muli %scan3A_450, %mul3A_451 : i32
        %get3A_453 = arith.index_cast %mul3A_452 : i32 to index
        %get3A_454 = tpu.vector_load %arg5[%get3A_453] {strides = array<i32>} : memref<8736xf32, #tpu.memory_space<vmem>>, vector<16xf32>,
        %ge3A_455 = arith.cmpf oge, %get3A_454, %mul3A_285 : vector<16xf32>
        %all_reduce_population_count3A_456 = tpu.all_reduce %ge3A_455 {dim = 0 : i64, kind = #tpu.reduction_kind<sum>} : vector<16xi1> -> vector<16xi32>
        %add3A_457 = arith.addi %add3A_448, %all_reduce_population_count3A_456 : vector<16xi32>
        scf.yield %add3A_457 : vector<16xi32>
      }
      %scan3A_293 = arith.constant 544 : i32
      %scan3A_294 = arith.addi %scan3A_288, %scan3A_293 : i32
      %mul3A_295 = arith.constant 16 : i32
      %mul3A_296 = arith.muli %scan3A_294, %mul3A_295 : i32
      %get3A_297 = arith.index_cast %mul3A_296 : i32 to index
      %get3A_298 = tpu.vector_load %arg5[%get3A_297] {strides = array<i32>} : memref<8736xf32, #tpu.memory_space<vmem>>, vector<16xf32>,
      %ge3A = arith.cmpf oge, %get3A_298, %mul3A_285 : vector<16xf32>
      %all_reduce_population_count3A_299 = tpu.all_reduce %ge3A {dim = 0 : i64, kind = #tpu.reduction_kind<sum>} : vector<16xi1> -> vector<16xi32>
      %add3A_300 = arith.addi %scan3A_292, %all_reduce_population_count3A_299 : vector<16xi32>
      %scan3A_301 = arith.constant 545 : i32
      %scan3A_302 = arith.addi %scan3A_288, %scan3A_301 : i32
      %mul3A_303 = arith.constant 16 : i32
      %mul3A_304 = arith.muli %scan3A_302, %mul3A_303 : i32
      %get3A_305 = arith.index_cast %mul3A_304 : i32 to index
      %get3A_306 = tpu.vector_load %arg5[%get3A_305] {strides = array<i32>} : memref<8736xf32, #tpu.memory_space<vmem>>, vector<16xf32>,
      %ge3A_307 = arith.cmpf oge, %get3A_306, %mul3A_285 : vector<16xf32>
      %all_reduce_population_count3A_308 = tpu.all_reduce %ge3A_307 {dim = 0 : i64, kind = #tpu.reduction_kind<sum>} : vector<16xi1> -> vector<16xi32>
      %add3A_309 = arith.addi %add3A_300, %all_reduce_population_count3A_308 : vector<16xi32>
      %scan3A_310 = arith.constant 546 : i32
      %ge3A_311 = arith.cmpi sge, %add3A_309, %min3A_100 : vector<16xi32>
      %select_n3A_312 = arith.select %ge3A_311, %mul3A_285, %scan3A_280 : vector<16xi1>, vector<16xf32>
      %select_n3A_313 = arith.select %ge3A_311, %scan3A_281, %mul3A_285 : vector<16xi1>, vector<16xf32>
      scf.yield %select_n3A_312, %select_n3A_313 : vector<16xf32>, vector<16xf32>
    }
    %scan3A_138 = arith.constant 20 : i32
    %broadcast_in_dim3A_139 = arith.constant 0 : i32
    %broadcast_in_dim3A_140 = vector.broadcast %broadcast_in_dim3A_139 : i32 to vector<16xi32>
    %broadcast_in_dim3A_141 = arith.constant 0.000000e+00 : f32
    %broadcast_in_dim3A_142 = vector.broadcast %broadcast_in_dim3A_141 : f32 to vector<16xf32>
    %scan3A_143 = arith.constant 0 : i32
    %scan3A_144 = arith.constant 544 : i32
    %scan3A_145 = arith.addi %scan3A_143, %scan3A_144 : i32
    %scan3A_146 = arith.constant 8 : i32
    %scan3A_147:2 = scf.for %scan3A_279 = %scan3A_143 to %scan3A_145 step %scan3A_146 iter_args(%scan3A_280 = %broadcast_in_dim3A_140, %scan3A_281 = %broadcast_in_dim3A_142) -> (vector<16xi32>, vector<16xf32>)  : i32 {
      %mul3A_282 = arith.constant 16 : i32
      %mul3A_283 = arith.muli %scan3A_279, %mul3A_282 : i32
      %get3A_284 = arith.index_cast %mul3A_283 : i32 to index
      %get3A_285 = tpu.vector_load %arg5[%get3A_284] {strides = array<i32>} : memref<8736xf32, #tpu.memory_space<vmem>>, vector<16xf32>,
      %gt3A_286 = arith.cmpf ogt, %get3A_285, %scan3A_137#0 : vector<16xf32>
      %all_reduce_population_count3A_287 = tpu.all_reduce %gt3A_286 {dim = 0 : i64, kind = #tpu.reduction_kind<sum>} : vector<16xi1> -> vector<16xi32>
      %add3A_288 = arith.addi %scan3A_280, %all_reduce_population_count3A_287 : vector<16xi32>
      %jit3A_289 = arith.constant 0.000000e+00 : f32
      %broadcast_in_dim3A_290 = vector.broadcast %jit3A_289 : f32 to vector<16xf32>
      %select_n3A_291 = arith.select %gt3A_286, %get3A_285, %broadcast_in_dim3A_290 : vector<16xi1>, vector<16xf32>
      %add3A_292 = arith.addf %scan3A_281, %select_n3A_291 : vector<16xf32>
      %scan3A_293 = arith.constant 1 : i32
      %scan3A_294 = arith.addi %scan3A_279, %scan3A_293 : i32
      %mul3A_295 = arith.constant 16 : i32
      %mul3A_296 = arith.muli %scan3A_294, %mul3A_295 : i32
      %get3A_297 = arith.index_cast %mul3A_296 : i32 to index
      %get3A_298 = tpu.vector_load %arg5[%get3A_297] {strides = array<i32>} : memref<8736xf32, #tpu.memory_space<vmem>>, vector<16xf32>,
      %gt3A_299 = arith.cmpf ogt, %get3A_298, %scan3A_137#0 : vector<16xf32>
      %all_reduce_population_count3A_300 = tpu.all_reduce %gt3A_299 {dim = 0 : i64, kind = #tpu.reduction_kind<sum>} : vector<16xi1> -> vector<16xi32>
      %add3A_301 = arith.addi %add3A_288, %all_reduce_population_count3A_300 : vector<16xi32>
      %jit3A_302 = arith.constant 0.000000e+00 : f32
      %broadcast_in_dim3A_303 = vector.broadcast %jit3A_302 : f32 to vector<16xf32>
      %select_n3A_304 = arith.select %gt3A_299, %get3A_298, %broadcast_in_dim3A_303 : vector<16xi1>, vector<16xf32>
      %add3A_305 = arith.addf %add3A_292, %select_n3A_304 : vector<16xf32>
      %scan3A_306 = arith.constant 2 : i32
      %scan3A_307 = arith.addi %scan3A_279, %scan3A_306 : i32
      %mul3A_308 = arith.constant 16 : i32
      %mul3A_309 = arith.muli %scan3A_307, %mul3A_308 : i32
      %get3A_310 = arith.index_cast %mul3A_309 : i32 to index
      %get3A_311 = tpu.vector_load %arg5[%get3A_310] {strides = array<i32>} : memref<8736xf32, #tpu.memory_space<vmem>>, vector<16xf32>,
      %gt3A_312 = arith.cmpf ogt, %get3A_311, %scan3A_137#0 : vector<16xf32>
      %all_reduce_population_count3A_313 = tpu.all_reduce %gt3A_312 {dim = 0 : i64, kind = #tpu.reduction_kind<sum>} : vector<16xi1> -> vector<16xi32>
      %add3A_314 = arith.addi %add3A_301, %all_reduce_population_count3A_313 : vector<16xi32>
      %jit3A_315 = arith.constant 0.000000e+00 : f32
      %broadcast_in_dim3A_316 = vector.broadcast %jit3A_315 : f32 to vector<16xf32>
      %select_n3A_317 = arith.select %gt3A_312, %get3A_311, %broadcast_in_dim3A_316 : vector<16xi1>, vector<16xf32>
      %add3A_318 = arith.addf %add3A_305, %select_n3A_317 : vector<16xf32>
      %scan3A_319 = arith.constant 3 : i32
      %scan3A_320 = arith.addi %scan3A_279, %scan3A_319 : i32
      %mul3A_321 = arith.constant 16 : i32
      %mul3A_322 = arith.muli %scan3A_320, %mul3A_321 : i32
      %get3A_323 = arith.index_cast %mul3A_322 : i32 to index
      %get3A_324 = tpu.vector_load %arg5[%get3A_323] {strides = array<i32>} : memref<8736xf32, #tpu.memory_space<vmem>>, vector<16xf32>,
      %gt3A_325 = arith.cmpf ogt, %get3A_324, %scan3A_137#0 : vector<16xf32>
      %all_reduce_population_count3A_326 = tpu.all_reduce %gt3A_325 {dim = 0 : i64, kind = #tpu.reduction_kind<sum>} : vector<16xi1> -> vector<16xi32>
      %add3A_327 = arith.addi %add3A_314, %all_reduce_population_count3A_326 : vector<16xi32>
      %jit3A_328 = arith.constant 0.000000e+00 : f32
      %broadcast_in_dim3A_329 = vector.broadcast %jit3A_328 : f32 to vector<16xf32>
      %select_n3A_330 = arith.select %gt3A_325, %get3A_324, %broadcast_in_dim3A_329 : vector<16xi1>, vector<16xf32>
      %add3A_331 = arith.addf %add3A_318, %select_n3A_330 : vector<16xf32>
      %scan3A_332 = arith.constant 4 : i32
      %scan3A_333 = arith.addi %scan3A_279, %scan3A_332 : i32
      %mul3A_334 = arith.constant 16 : i32
      %mul3A_335 = arith.muli %scan3A_333, %mul3A_334 : i32
      %get3A_336 = arith.index_cast %mul3A_335 : i32 to index
      %get3A_337 = tpu.vector_load %arg5[%get3A_336] {strides = array<i32>} : memref<8736xf32, #tpu.memory_space<vmem>>, vector<16xf32>,
      %gt3A_338 = arith.cmpf ogt, %get3A_337, %scan3A_137#0 : vector<16xf32>
      %all_reduce_population_count3A_339 = tpu.all_reduce %gt3A_338 {dim = 0 : i64, kind = #tpu.reduction_kind<sum>} : vector<16xi1> -> vector<16xi32>
      %add3A_340 = arith.addi %add3A_327, %all_reduce_population_count3A_339 : vector<16xi32>
      %jit3A_341 = arith.constant 0.000000e+00 : f32
      %broadcast_in_dim3A_342 = vector.broadcast %jit3A_341 : f32 to vector<16xf32>
      %select_n3A_343 = arith.select %gt3A_338, %get3A_337, %broadcast_in_dim3A_342 : vector<16xi1>, vector<16xf32>
      %add3A_344 = arith.addf %add3A_331, %select_n3A_343 : vector<16xf32>
      %scan3A_345 = arith.constant 5 : i32
      %scan3A_346 = arith.addi %scan3A_279, %scan3A_345 : i32
      %mul3A_347 = arith.constant 16 : i32
      %mul3A_348 = arith.muli %scan3A_346, %mul3A_347 : i32
      %get3A_349 = arith.index_cast %mul3A_348 : i32 to index
      %get3A_350 = tpu.vector_load %arg5[%get3A_349] {strides = array<i32>} : memref<8736xf32, #tpu.memory_space<vmem>>, vector<16xf32>,
      %gt3A_351 = arith.cmpf ogt, %get3A_350, %scan3A_137#0 : vector<16xf32>
      %all_reduce_population_count3A_352 = tpu.all_reduce %gt3A_351 {dim = 0 : i64, kind = #tpu.reduction_kind<sum>} : vector<16xi1> -> vector<16xi32>
      %add3A_353 = arith.addi %add3A_340, %all_reduce_population_count3A_352 : vector<16xi32>
      %jit3A_354 = arith.constant 0.000000e+00 : f32
      %broadcast_in_dim3A_355 = vector.broadcast %jit3A_354 : f32 to vector<16xf32>
      %select_n3A_356 = arith.select %gt3A_351, %get3A_350, %broadcast_in_dim3A_355 : vector<16xi1>, vector<16xf32>
      %add3A_357 = arith.addf %add3A_344, %select_n3A_356 : vector<16xf32>
      %scan3A_358 = arith.constant 6 : i32
      %scan3A_359 = arith.addi %scan3A_279, %scan3A_358 : i32
      %mul3A_360 = arith.constant 16 : i32
      %mul3A_361 = arith.muli %scan3A_359, %mul3A_360 : i32
      %get3A_362 = arith.index_cast %mul3A_361 : i32 to index
      %get3A_363 = tpu.vector_load %arg5[%get3A_362] {strides = array<i32>} : memref<8736xf32, #tpu.memory_space<vmem>>, vector<16xf32>,
      %gt3A_364 = arith.cmpf ogt, %get3A_363, %scan3A_137#0 : vector<16xf32>
      %all_reduce_population_count3A_365 = tpu.all_reduce %gt3A_364 {dim = 0 : i64, kind = #tpu.reduction_kind<sum>} : vector<16xi1> -> vector<16xi32>
      %add3A_366 = arith.addi %add3A_353, %all_reduce_population_count3A_365 : vector<16xi32>
      %jit3A_367 = arith.constant 0.000000e+00 : f32
      %broadcast_in_dim3A_368 = vector.broadcast %jit3A_367 : f32 to vector<16xf32>
      %select_n3A_369 = arith.select %gt3A_364, %get3A_363, %broadcast_in_dim3A_368 : vector<16xi1>, vector<16xf32>
      %add3A_370 = arith.addf %add3A_357, %select_n3A_369 : vector<16xf32>
      %scan3A_371 = arith.constant 7 : i32
      %scan3A_372 = arith.addi %scan3A_279, %scan3A_371 : i32
      %mul3A_373 = arith.constant 16 : i32
      %mul3A_374 = arith.muli %scan3A_372, %mul3A_373 : i32
      %get3A_375 = arith.index_cast %mul3A_374 : i32 to index
      %get3A_376 = tpu.vector_load %arg5[%get3A_375] {strides = array<i32>} : memref<8736xf32, #tpu.memory_space<vmem>>, vector<16xf32>,
      %gt3A_377 = arith.cmpf ogt, %get3A_376, %scan3A_137#0 : vector<16xf32>
      %all_reduce_population_count3A_378 = tpu.all_reduce %gt3A_377 {dim = 0 : i64, kind = #tpu.reduction_kind<sum>} : vector<16xi1> -> vector<16xi32>
      %add3A_379 = arith.addi %add3A_366, %all_reduce_population_count3A_378 : vector<16xi32>
      %jit3A_380 = arith.constant 0.000000e+00 : f32
      %broadcast_in_dim3A_381 = vector.broadcast %jit3A_380 : f32 to vector<16xf32>
      %select_n3A_382 = arith.select %gt3A_377, %get3A_376, %broadcast_in_dim3A_381 : vector<16xi1>, vector<16xf32>
      %add3A_383 = arith.addf %add3A_370, %select_n3A_382 : vector<16xf32>
      scf.yield %add3A_379, %add3A_383 : vector<16xi32>, vector<16xf32>
    }
    %scan3A_148 = arith.constant 544 : i32
    %scan3A_149 = arith.addi %scan3A_143, %scan3A_148 : i32
    %mul3A_150 = arith.constant 16 : i32
    %mul3A_151 = arith.muli %scan3A_149, %mul3A_150 : i32
    %get3A_152 = arith.index_cast %mul3A_151 : i32 to index
    %get3A_153 = tpu.vector_load %arg5[%get3A_152] {strides = array<i32>} : memref<8736xf32, #tpu.memory_space<vmem>>, vector<16xf32>,
    %gt3A_154 = arith.cmpf ogt, %get3A_153, %scan3A_137#0 : vector<16xf32>
    %all_reduce_population_count3A_155 = tpu.all_reduce %gt3A_154 {dim = 0 : i64, kind = #tpu.reduction_kind<sum>} : vector<16xi1> -> vector<16xi32>
    %add3A_156 = arith.addi %scan3A_147#0, %all_reduce_population_count3A_155 : vector<16xi32>
    %jit3A_157 = arith.constant 0.000000e+00 : f32
    %broadcast_in_dim3A_158 = vector.broadcast %jit3A_157 : f32 to vector<16xf32>
    %select_n3A_159 = arith.select %gt3A_154, %get3A_153, %broadcast_in_dim3A_158 : vector<16xi1>, vector<16xf32>
    %add3A_160 = arith.addf %scan3A_147#1, %select_n3A_159 : vector<16xf32>
    %scan3A_161 = arith.constant 545 : i32
    %scan3A_162 = arith.addi %scan3A_143, %scan3A_161 : i32
    %mul3A_163 = arith.constant 16 : i32
    %mul3A_164 = arith.muli %scan3A_162, %mul3A_163 : i32
    %get3A_165 = arith.index_cast %mul3A_164 : i32 to index
    %get3A_166 = tpu.vector_load %arg5[%get3A_165] {strides = array<i32>} : memref<8736xf32, #tpu.memory_space<vmem>>, vector<16xf32>,
    %gt3A_167 = arith.cmpf ogt, %get3A_166, %scan3A_137#0 : vector<16xf32>
    %all_reduce_population_count3A_168 = tpu.all_reduce %gt3A_167 {dim = 0 : i64, kind = #tpu.reduction_kind<sum>} : vector<16xi1> -> vector<16xi32>
    %add3A_169 = arith.addi %add3A_156, %all_reduce_population_count3A_168 : vector<16xi32>
    %jit3A_170 = arith.constant 0.000000e+00 : f32
    %broadcast_in_dim3A_171 = vector.broadcast %jit3A_170 : f32 to vector<16xf32>
    %select_n3A_172 = arith.select %gt3A_167, %get3A_166, %broadcast_in_dim3A_171 : vector<16xi1>, vector<16xf32>
    %add3A_173 = arith.addf %add3A_160, %select_n3A_172 : vector<16xf32>
    %scan3A_174 = arith.constant 546 : i32
    %sub3A_175 = arith.subi %min3A_100, %add3A_169 : vector<16xi32>
    %convert_element_type3A_176 = arith.sitofp %sub3A_175 : vector<16xi32> to vector<16xf32>
    %mul3A_177 = arith.mulf %convert_element_type3A_176, %scan3A_137#0 : vector<16xf32>
    %add3A_178 = arith.addf %add3A_87, %add3A_173 : vector<16xf32>
    %jit3A_179 = arith.constant 0.000000e+00 : f32
    %broadcast_in_dim3A_180 = vector.broadcast %jit3A_179 : f32 to vector<16xf32>
    %select_n3A_181 = arith.select %eq3A_3, %mul3A_177, %broadcast_in_dim3A_180 : vector<16xi1>, vector<16xf32>
    %add3A_182 = arith.addf %add3A_178, %select_n3A_181 : vector<16xf32>
    %mul3A_183 = arith.constant 3 : i32
    %mul3A_184 = arith.muli %add3A, %mul3A_183 : i32
    %add3A_185 = arith.constant 2 : i32
    %add3A_186 = arith.addi %mul3A_184, %add3A_185 : i32
    "tpu.region"() ({
      %run_scoped3A = tpu.sem_alloc : memref<!tpu.dma_semaphore, #tpu.memory_space<semaphore_mem>>
      %dma_start3A = arith.constant 0 : i32
      %dma_start3A_279 = tpu.memref_slice %arg2[%add3A_186, %dma_start3A] : memref<96x8736xf32, #tpu.memory_space<hbm>> -> memref<1x8736xf32, #tpu.memory_space<hbm>>
      %dma_start3A_280 = tpu.memref_squeeze %dma_start3A_279 : memref<1x8736xf32, #tpu.memory_space<hbm>> -> memref<8736xf32, #tpu.memory_space<hbm>>
      %dma_start3A_281 = arith.constant 0 : i32
      %dma_start3A_282 = tpu.memref_slice %arg2[%add3A_186, %dma_start3A_281] : memref<96x8736xf32, #tpu.memory_space<hbm>> -> memref<1x8736xf32, #tpu.memory_space<hbm>>
      %dma_start3A_283 = tpu.memref_squeeze %dma_start3A_282 : memref<1x8736xf32, #tpu.memory_space<hbm>> -> memref<8736xf32, #tpu.memory_space<hbm>>
      tpu.enqueue_dma source(%dma_start3A_283 : memref<8736xf32, #tpu.memory_space<hbm>>) target(%arg5 : memref<8736xf32, #tpu.memory_space<vmem>>) target_semaphore(%run_scoped3A : memref<!tpu.dma_semaphore, #tpu.memory_space<semaphore_mem>>)
      %dma_wait3A = arith.constant 0 : i32
      %dma_wait3A_284 = tpu.memref_slice %arg2[%add3A_186, %dma_wait3A] : memref<96x8736xf32, #tpu.memory_space<hbm>> -> memref<1x8736xf32, #tpu.memory_space<hbm>>
      %dma_wait3A_285 = tpu.memref_squeeze %dma_wait3A_284 : memref<1x8736xf32, #tpu.memory_space<hbm>> -> memref<8736xf32, #tpu.memory_space<hbm>>
      %dma_wait3A_286 = arith.constant 0 : i32
      %dma_wait3A_287 = tpu.memref_slice %arg2[%add3A_186, %dma_wait3A_286] : memref<96x8736xf32, #tpu.memory_space<hbm>> -> memref<1x8736xf32, #tpu.memory_space<hbm>>
      %dma_wait3A_288 = tpu.memref_squeeze %dma_wait3A_287 : memref<1x8736xf32, #tpu.memory_space<hbm>> -> memref<8736xf32, #tpu.memory_space<hbm>>
      tpu.wait_dma2 semaphore(%run_scoped3A : memref<!tpu.dma_semaphore, #tpu.memory_space<semaphore_mem>>) src(%dma_wait3A_288 : memref<8736xf32, #tpu.memory_space<hbm>>) dst(%arg5 : memref<8736xf32, #tpu.memory_space<vmem>>)
      tpu.yield
    }) : () -> ()
    "tpu.region"() ({
      %run_scoped3A = tpu.sem_alloc : memref<!tpu.dma_semaphore, #tpu.memory_space<semaphore_mem>>
      %dma_start3A = arith.constant 0 : i32
      %dma_start3A_279 = tpu.memref_slice %arg3[%add3A_186, %dma_start3A] : memref<96x128xf32, #tpu.memory_space<hbm>> -> memref<1x128xf32, #tpu.memory_space<hbm>>
      %dma_start3A_280 = tpu.memref_squeeze %dma_start3A_279 : memref<1x128xf32, #tpu.memory_space<hbm>> -> memref<128xf32, #tpu.memory_space<hbm>>
      %dma_start3A_281 = arith.constant 0 : i32
      %dma_start3A_282 = tpu.memref_slice %arg3[%add3A_186, %dma_start3A_281] : memref<96x128xf32, #tpu.memory_space<hbm>> -> memref<1x128xf32, #tpu.memory_space<hbm>>
      %dma_start3A_283 = tpu.memref_squeeze %dma_start3A_282 : memref<1x128xf32, #tpu.memory_space<hbm>> -> memref<128xf32, #tpu.memory_space<hbm>>
      tpu.enqueue_dma source(%dma_start3A_283 : memref<128xf32, #tpu.memory_space<hbm>>) target(%arg6 : memref<128xf32, #tpu.memory_space<vmem>>) target_semaphore(%run_scoped3A : memref<!tpu.dma_semaphore, #tpu.memory_space<semaphore_mem>>)
      %dma_wait3A = arith.constant 0 : i32
      %dma_wait3A_284 = tpu.memref_slice %arg3[%add3A_186, %dma_wait3A] : memref<96x128xf32, #tpu.memory_space<hbm>> -> memref<1x128xf32, #tpu.memory_space<hbm>>
      %dma_wait3A_285 = tpu.memref_squeeze %dma_wait3A_284 : memref<1x128xf32, #tpu.memory_space<hbm>> -> memref<128xf32, #tpu.memory_space<hbm>>
      %dma_wait3A_286 = arith.constant 0 : i32
      %dma_wait3A_287 = tpu.memref_slice %arg3[%add3A_186, %dma_wait3A_286] : memref<96x128xf32, #tpu.memory_space<hbm>> -> memref<1x128xf32, #tpu.memory_space<hbm>>
      %dma_wait3A_288 = tpu.memref_squeeze %dma_wait3A_287 : memref<1x128xf32, #tpu.memory_space<hbm>> -> memref<128xf32, #tpu.memory_space<hbm>>
      tpu.wait_dma2 semaphore(%run_scoped3A : memref<!tpu.dma_semaphore, #tpu.memory_space<semaphore_mem>>) src(%dma_wait3A_288 : memref<128xf32, #tpu.memory_space<hbm>>) dst(%arg6 : memref<128xf32, #tpu.memory_space<vmem>>)
      tpu.yield
    }) : () -> ()
    %get3A_187 = arith.constant 0 : index
    %get3A_188 = tpu.vector_load %arg6[%get3A_187] {strides = array<i32>} : memref<128xf32, #tpu.memory_space<vmem>>, vector<16xf32>,
    %convert_element_type3A_189 = arith.fptosi %get3A_188 : vector<16xf32> to vector<16xi32>
    %mul3A_190 = arith.constant 3 : i32
    %mul3A_191 = vector.broadcast %mul3A_190 : i32 to vector<16xi32>
    %mul3A_192 = arith.muli %convert_element_type3A_189, %mul3A_191 : vector<16xi32>
    %min3A_193 = arith.constant 8731 : i32
    %min3A_194 = vector.broadcast %min3A_193 : i32 to vector<16xi32>
    %min3A_195 = arith.minsi %mul3A_192, %min3A_194 : vector<16xi32>
    %broadcast_in_dim3A_196 = arith.constant 0.000000e+00 : f32
    %broadcast_in_dim3A_197 = vector.broadcast %broadcast_in_dim3A_196 : f32 to vector<16xf32>
    %scan3A_198 = arith.constant 0 : i32
    %scan3A_199 = arith.constant 544 : i32
    %scan3A_200 = arith.addi %scan3A_198, %scan3A_199 : i32
    %scan3A_201 = arith.constant 8 : i32
    %scan3A_202 = scf.for %scan3A_279 = %scan3A_198 to %scan3A_200 step %scan3A_201 iter_args(%scan3A_280 = %broadcast_in_dim3A_197) -> (vector<16xf32>)  : i32 {
      %mul3A_281 = arith.constant 16 : i32
      %mul3A_282 = arith.muli %scan3A_279, %mul3A_281 : i32
      %get3A_283 = arith.index_cast %mul3A_282 : i32 to index
      %get3A_284 = tpu.vector_load %arg5[%get3A_283] {strides = array<i32>} : memref<8736xf32, #tpu.memory_space<vmem>>, vector<16xf32>,
      %max3A_285 = arith.maximumf %scan3A_280, %get3A_284 : vector<16xf32>
      %scan3A_286 = arith.constant 1 : i32
      %scan3A_287 = arith.addi %scan3A_279, %scan3A_286 : i32
      %mul3A_288 = arith.constant 16 : i32
      %mul3A_289 = arith.muli %scan3A_287, %mul3A_288 : i32
      %get3A_290 = arith.index_cast %mul3A_289 : i32 to index
      %get3A_291 = tpu.vector_load %arg5[%get3A_290] {strides = array<i32>} : memref<8736xf32, #tpu.memory_space<vmem>>, vector<16xf32>,
      %max3A_292 = arith.maximumf %max3A_285, %get3A_291 : vector<16xf32>
      %scan3A_293 = arith.constant 2 : i32
      %scan3A_294 = arith.addi %scan3A_279, %scan3A_293 : i32
      %mul3A_295 = arith.constant 16 : i32
      %mul3A_296 = arith.muli %scan3A_294, %mul3A_295 : i32
      %get3A_297 = arith.index_cast %mul3A_296 : i32 to index
      %get3A_298 = tpu.vector_load %arg5[%get3A_297] {strides = array<i32>} : memref<8736xf32, #tpu.memory_space<vmem>>, vector<16xf32>,
      %max3A_299 = arith.maximumf %max3A_292, %get3A_298 : vector<16xf32>
      %scan3A_300 = arith.constant 3 : i32
      %scan3A_301 = arith.addi %scan3A_279, %scan3A_300 : i32
      %mul3A_302 = arith.constant 16 : i32
      %mul3A_303 = arith.muli %scan3A_301, %mul3A_302 : i32
      %get3A_304 = arith.index_cast %mul3A_303 : i32 to index
      %get3A_305 = tpu.vector_load %arg5[%get3A_304] {strides = array<i32>} : memref<8736xf32, #tpu.memory_space<vmem>>, vector<16xf32>,
      %max3A_306 = arith.maximumf %max3A_299, %get3A_305 : vector<16xf32>
      %scan3A_307 = arith.constant 4 : i32
      %scan3A_308 = arith.addi %scan3A_279, %scan3A_307 : i32
      %mul3A_309 = arith.constant 16 : i32
      %mul3A_310 = arith.muli %scan3A_308, %mul3A_309 : i32
      %get3A_311 = arith.index_cast %mul3A_310 : i32 to index
      %get3A_312 = tpu.vector_load %arg5[%get3A_311] {strides = array<i32>} : memref<8736xf32, #tpu.memory_space<vmem>>, vector<16xf32>,
      %max3A_313 = arith.maximumf %max3A_306, %get3A_312 : vector<16xf32>
      %scan3A_314 = arith.constant 5 : i32
      %scan3A_315 = arith.addi %scan3A_279, %scan3A_314 : i32
      %mul3A_316 = arith.constant 16 : i32
      %mul3A_317 = arith.muli %scan3A_315, %mul3A_316 : i32
      %get3A_318 = arith.index_cast %mul3A_317 : i32 to index
      %get3A_319 = tpu.vector_load %arg5[%get3A_318] {strides = array<i32>} : memref<8736xf32, #tpu.memory_space<vmem>>, vector<16xf32>,
      %max3A_320 = arith.maximumf %max3A_313, %get3A_319 : vector<16xf32>
      %scan3A_321 = arith.constant 6 : i32
      %scan3A_322 = arith.addi %scan3A_279, %scan3A_321 : i32
      %mul3A_323 = arith.constant 16 : i32
      %mul3A_324 = arith.muli %scan3A_322, %mul3A_323 : i32
      %get3A_325 = arith.index_cast %mul3A_324 : i32 to index
      %get3A_326 = tpu.vector_load %arg5[%get3A_325] {strides = array<i32>} : memref<8736xf32, #tpu.memory_space<vmem>>, vector<16xf32>,
      %max3A_327 = arith.maximumf %max3A_320, %get3A_326 : vector<16xf32>
      %scan3A_328 = arith.constant 7 : i32
      %scan3A_329 = arith.addi %scan3A_279, %scan3A_328 : i32
      %mul3A_330 = arith.constant 16 : i32
      %mul3A_331 = arith.muli %scan3A_329, %mul3A_330 : i32
      %get3A_332 = arith.index_cast %mul3A_331 : i32 to index
      %get3A_333 = tpu.vector_load %arg5[%get3A_332] {strides = array<i32>} : memref<8736xf32, #tpu.memory_space<vmem>>, vector<16xf32>,
      %max3A_334 = arith.maximumf %max3A_327, %get3A_333 : vector<16xf32>
      scf.yield %max3A_334 : vector<16xf32>
    }
    %scan3A_203 = arith.constant 544 : i32
    %scan3A_204 = arith.addi %scan3A_198, %scan3A_203 : i32
    %mul3A_205 = arith.constant 16 : i32
    %mul3A_206 = arith.muli %scan3A_204, %mul3A_205 : i32
    %get3A_207 = arith.index_cast %mul3A_206 : i32 to index
    %get3A_208 = tpu.vector_load %arg5[%get3A_207] {strides = array<i32>} : memref<8736xf32, #tpu.memory_space<vmem>>, vector<16xf32>,
    %max3A_209 = arith.maximumf %scan3A_202, %get3A_208 : vector<16xf32>
    %scan3A_210 = arith.constant 545 : i32
    %scan3A_211 = arith.addi %scan3A_198, %scan3A_210 : i32
    %mul3A_212 = arith.constant 16 : i32
    %mul3A_213 = arith.muli %scan3A_211, %mul3A_212 : i32
    %get3A_214 = arith.index_cast %mul3A_213 : i32 to index
    %get3A_215 = tpu.vector_load %arg5[%get3A_214] {strides = array<i32>} : memref<8736xf32, #tpu.memory_space<vmem>>, vector<16xf32>,
    %max3A_216 = arith.maximumf %max3A_209, %get3A_215 : vector<16xf32>
    %scan3A_217 = arith.constant 546 : i32
    %reduce_max3A_218 = arith.constant true
    %reduce_max3A_219 = vector.broadcast %reduce_max3A_218 : i1 to vector<16xi1>
    %reduce_max3A_220 = tpu.scan <max>, %max3A_216 masked %reduce_max3A_219 : vector<16xf32>, vector<16xi1> -> vector<16xf32>
    %reduce_max3A_221 = vector.extract %reduce_max3A_220[15] : f32 from vector<16xf32>
    %broadcast_in_dim3A_222 = vector.broadcast %reduce_max3A_221 : f32 to vector<16xf32>
    %broadcast_in_dim3A_223 = arith.constant 0.000000e+00 : f32
    %broadcast_in_dim3A_224 = vector.broadcast %broadcast_in_dim3A_223 : f32 to vector<16xf32>
    %add3A_225 = arith.constant 1.000000e+00 : f32
    %add3A_226 = vector.broadcast %add3A_225 : f32 to vector<16xf32>
    %add3A_227 = arith.addf %broadcast_in_dim3A_222, %add3A_226 : vector<16xf32>
    %scan3A_228 = arith.constant 0 : i32
    %scan3A_229 = arith.constant 20 : i32
    %scan3A_230 = arith.addi %scan3A_228, %scan3A_229 : i32
    %scan3A_231 = arith.constant 1 : i32
    %scan3A_232:2 = scf.for %scan3A_279 = %scan3A_228 to %scan3A_230 step %scan3A_231 iter_args(%scan3A_280 = %broadcast_in_dim3A_224, %scan3A_281 = %add3A_227) -> (vector<16xf32>, vector<16xf32>)  : i32 {
      %add3A_282 = arith.addf %scan3A_280, %scan3A_281 : vector<16xf32>
      %mul3A_283 = arith.constant 5.000000e-01 : f32
      %mul3A_284 = vector.broadcast %mul3A_283 : f32 to vector<16xf32>
      %mul3A_285 = arith.mulf %add3A_282, %mul3A_284 : vector<16xf32>
      %broadcast_in_dim3A_286 = arith.constant 0 : i32
      %broadcast_in_dim3A_287 = vector.broadcast %broadcast_in_dim3A_286 : i32 to vector<16xi32>
      %scan3A_288 = arith.constant 0 : i32
      %scan3A_289 = arith.constant 544 : i32
      %scan3A_290 = arith.addi %scan3A_288, %scan3A_289 : i32
      %scan3A_291 = arith.constant 16 : i32
      %scan3A_292 = scf.for %scan3A_314 = %scan3A_288 to %scan3A_290 step %scan3A_291 iter_args(%scan3A_315 = %broadcast_in_dim3A_287) -> (vector<16xi32>)  : i32 {
        %mul3A_316 = arith.constant 16 : i32
        %mul3A_317 = arith.muli %scan3A_314, %mul3A_316 : i32
        %get3A_318 = arith.index_cast %mul3A_317 : i32 to index
        %get3A_319 = tpu.vector_load %arg5[%get3A_318] {strides = array<i32>} : memref<8736xf32, #tpu.memory_space<vmem>>, vector<16xf32>,
        %ge3A_320 = arith.cmpf oge, %get3A_319, %mul3A_285 : vector<16xf32>
        %all_reduce_population_count3A_321 = tpu.all_reduce %ge3A_320 {dim = 0 : i64, kind = #tpu.reduction_kind<sum>} : vector<16xi1> -> vector<16xi32>
        %add3A_322 = arith.addi %scan3A_315, %all_reduce_population_count3A_321 : vector<16xi32>
        %scan3A_323 = arith.constant 1 : i32
        %scan3A_324 = arith.addi %scan3A_314, %scan3A_323 : i32
        %mul3A_325 = arith.constant 16 : i32
        %mul3A_326 = arith.muli %scan3A_324, %mul3A_325 : i32
        %get3A_327 = arith.index_cast %mul3A_326 : i32 to index
        %get3A_328 = tpu.vector_load %arg5[%get3A_327] {strides = array<i32>} : memref<8736xf32, #tpu.memory_space<vmem>>, vector<16xf32>,
        %ge3A_329 = arith.cmpf oge, %get3A_328, %mul3A_285 : vector<16xf32>
        %all_reduce_population_count3A_330 = tpu.all_reduce %ge3A_329 {dim = 0 : i64, kind = #tpu.reduction_kind<sum>} : vector<16xi1> -> vector<16xi32>
        %add3A_331 = arith.addi %add3A_322, %all_reduce_population_count3A_330 : vector<16xi32>
        %scan3A_332 = arith.constant 2 : i32
        %scan3A_333 = arith.addi %scan3A_314, %scan3A_332 : i32
        %mul3A_334 = arith.constant 16 : i32
        %mul3A_335 = arith.muli %scan3A_333, %mul3A_334 : i32
        %get3A_336 = arith.index_cast %mul3A_335 : i32 to index
        %get3A_337 = tpu.vector_load %arg5[%get3A_336] {strides = array<i32>} : memref<8736xf32, #tpu.memory_space<vmem>>, vector<16xf32>,
        %ge3A_338 = arith.cmpf oge, %get3A_337, %mul3A_285 : vector<16xf32>
        %all_reduce_population_count3A_339 = tpu.all_reduce %ge3A_338 {dim = 0 : i64, kind = #tpu.reduction_kind<sum>} : vector<16xi1> -> vector<16xi32>
        %add3A_340 = arith.addi %add3A_331, %all_reduce_population_count3A_339 : vector<16xi32>
        %scan3A_341 = arith.constant 3 : i32
        %scan3A_342 = arith.addi %scan3A_314, %scan3A_341 : i32
        %mul3A_343 = arith.constant 16 : i32
        %mul3A_344 = arith.muli %scan3A_342, %mul3A_343 : i32
        %get3A_345 = arith.index_cast %mul3A_344 : i32 to index
        %get3A_346 = tpu.vector_load %arg5[%get3A_345] {strides = array<i32>} : memref<8736xf32, #tpu.memory_space<vmem>>, vector<16xf32>,
        %ge3A_347 = arith.cmpf oge, %get3A_346, %mul3A_285 : vector<16xf32>
        %all_reduce_population_count3A_348 = tpu.all_reduce %ge3A_347 {dim = 0 : i64, kind = #tpu.reduction_kind<sum>} : vector<16xi1> -> vector<16xi32>
        %add3A_349 = arith.addi %add3A_340, %all_reduce_population_count3A_348 : vector<16xi32>
        %scan3A_350 = arith.constant 4 : i32
        %scan3A_351 = arith.addi %scan3A_314, %scan3A_350 : i32
        %mul3A_352 = arith.constant 16 : i32
        %mul3A_353 = arith.muli %scan3A_351, %mul3A_352 : i32
        %get3A_354 = arith.index_cast %mul3A_353 : i32 to index
        %get3A_355 = tpu.vector_load %arg5[%get3A_354] {strides = array<i32>} : memref<8736xf32, #tpu.memory_space<vmem>>, vector<16xf32>,
        %ge3A_356 = arith.cmpf oge, %get3A_355, %mul3A_285 : vector<16xf32>
        %all_reduce_population_count3A_357 = tpu.all_reduce %ge3A_356 {dim = 0 : i64, kind = #tpu.reduction_kind<sum>} : vector<16xi1> -> vector<16xi32>
        %add3A_358 = arith.addi %add3A_349, %all_reduce_population_count3A_357 : vector<16xi32>
        %scan3A_359 = arith.constant 5 : i32
        %scan3A_360 = arith.addi %scan3A_314, %scan3A_359 : i32
        %mul3A_361 = arith.constant 16 : i32
        %mul3A_362 = arith.muli %scan3A_360, %mul3A_361 : i32
        %get3A_363 = arith.index_cast %mul3A_362 : i32 to index
        %get3A_364 = tpu.vector_load %arg5[%get3A_363] {strides = array<i32>} : memref<8736xf32, #tpu.memory_space<vmem>>, vector<16xf32>,
        %ge3A_365 = arith.cmpf oge, %get3A_364, %mul3A_285 : vector<16xf32>
        %all_reduce_population_count3A_366 = tpu.all_reduce %ge3A_365 {dim = 0 : i64, kind = #tpu.reduction_kind<sum>} : vector<16xi1> -> vector<16xi32>
        %add3A_367 = arith.addi %add3A_358, %all_reduce_population_count3A_366 : vector<16xi32>
        %scan3A_368 = arith.constant 6 : i32
        %scan3A_369 = arith.addi %scan3A_314, %scan3A_368 : i32
        %mul3A_370 = arith.constant 16 : i32
        %mul3A_371 = arith.muli %scan3A_369, %mul3A_370 : i32
        %get3A_372 = arith.index_cast %mul3A_371 : i32 to index
        %get3A_373 = tpu.vector_load %arg5[%get3A_372] {strides = array<i32>} : memref<8736xf32, #tpu.memory_space<vmem>>, vector<16xf32>,
        %ge3A_374 = arith.cmpf oge, %get3A_373, %mul3A_285 : vector<16xf32>
        %all_reduce_population_count3A_375 = tpu.all_reduce %ge3A_374 {dim = 0 : i64, kind = #tpu.reduction_kind<sum>} : vector<16xi1> -> vector<16xi32>
        %add3A_376 = arith.addi %add3A_367, %all_reduce_population_count3A_375 : vector<16xi32>
        %scan3A_377 = arith.constant 7 : i32
        %scan3A_378 = arith.addi %scan3A_314, %scan3A_377 : i32
        %mul3A_379 = arith.constant 16 : i32
        %mul3A_380 = arith.muli %scan3A_378, %mul3A_379 : i32
        %get3A_381 = arith.index_cast %mul3A_380 : i32 to index
        %get3A_382 = tpu.vector_load %arg5[%get3A_381] {strides = array<i32>} : memref<8736xf32, #tpu.memory_space<vmem>>, vector<16xf32>,
        %ge3A_383 = arith.cmpf oge, %get3A_382, %mul3A_285 : vector<16xf32>
        %all_reduce_population_count3A_384 = tpu.all_reduce %ge3A_383 {dim = 0 : i64, kind = #tpu.reduction_kind<sum>} : vector<16xi1> -> vector<16xi32>
        %add3A_385 = arith.addi %add3A_376, %all_reduce_population_count3A_384 : vector<16xi32>
        %scan3A_386 = arith.constant 8 : i32
        %scan3A_387 = arith.addi %scan3A_314, %scan3A_386 : i32
        %mul3A_388 = arith.constant 16 : i32
        %mul3A_389 = arith.muli %scan3A_387, %mul3A_388 : i32
        %get3A_390 = arith.index_cast %mul3A_389 : i32 to index
        %get3A_391 = tpu.vector_load %arg5[%get3A_390] {strides = array<i32>} : memref<8736xf32, #tpu.memory_space<vmem>>, vector<16xf32>,
        %ge3A_392 = arith.cmpf oge, %get3A_391, %mul3A_285 : vector<16xf32>
        %all_reduce_population_count3A_393 = tpu.all_reduce %ge3A_392 {dim = 0 : i64, kind = #tpu.reduction_kind<sum>} : vector<16xi1> -> vector<16xi32>
        %add3A_394 = arith.addi %add3A_385, %all_reduce_population_count3A_393 : vector<16xi32>
        %scan3A_395 = arith.constant 9 : i32
        %scan3A_396 = arith.addi %scan3A_314, %scan3A_395 : i32
        %mul3A_397 = arith.constant 16 : i32
        %mul3A_398 = arith.muli %scan3A_396, %mul3A_397 : i32
        %get3A_399 = arith.index_cast %mul3A_398 : i32 to index
        %get3A_400 = tpu.vector_load %arg5[%get3A_399] {strides = array<i32>} : memref<8736xf32, #tpu.memory_space<vmem>>, vector<16xf32>,
        %ge3A_401 = arith.cmpf oge, %get3A_400, %mul3A_285 : vector<16xf32>
        %all_reduce_population_count3A_402 = tpu.all_reduce %ge3A_401 {dim = 0 : i64, kind = #tpu.reduction_kind<sum>} : vector<16xi1> -> vector<16xi32>
        %add3A_403 = arith.addi %add3A_394, %all_reduce_population_count3A_402 : vector<16xi32>
        %scan3A_404 = arith.constant 10 : i32
        %scan3A_405 = arith.addi %scan3A_314, %scan3A_404 : i32
        %mul3A_406 = arith.constant 16 : i32
        %mul3A_407 = arith.muli %scan3A_405, %mul3A_406 : i32
        %get3A_408 = arith.index_cast %mul3A_407 : i32 to index
        %get3A_409 = tpu.vector_load %arg5[%get3A_408] {strides = array<i32>} : memref<8736xf32, #tpu.memory_space<vmem>>, vector<16xf32>,
        %ge3A_410 = arith.cmpf oge, %get3A_409, %mul3A_285 : vector<16xf32>
        %all_reduce_population_count3A_411 = tpu.all_reduce %ge3A_410 {dim = 0 : i64, kind = #tpu.reduction_kind<sum>} : vector<16xi1> -> vector<16xi32>
        %add3A_412 = arith.addi %add3A_403, %all_reduce_population_count3A_411 : vector<16xi32>
        %scan3A_413 = arith.constant 11 : i32
        %scan3A_414 = arith.addi %scan3A_314, %scan3A_413 : i32
        %mul3A_415 = arith.constant 16 : i32
        %mul3A_416 = arith.muli %scan3A_414, %mul3A_415 : i32
        %get3A_417 = arith.index_cast %mul3A_416 : i32 to index
        %get3A_418 = tpu.vector_load %arg5[%get3A_417] {strides = array<i32>} : memref<8736xf32, #tpu.memory_space<vmem>>, vector<16xf32>,
        %ge3A_419 = arith.cmpf oge, %get3A_418, %mul3A_285 : vector<16xf32>
        %all_reduce_population_count3A_420 = tpu.all_reduce %ge3A_419 {dim = 0 : i64, kind = #tpu.reduction_kind<sum>} : vector<16xi1> -> vector<16xi32>
        %add3A_421 = arith.addi %add3A_412, %all_reduce_population_count3A_420 : vector<16xi32>
        %scan3A_422 = arith.constant 12 : i32
        %scan3A_423 = arith.addi %scan3A_314, %scan3A_422 : i32
        %mul3A_424 = arith.constant 16 : i32
        %mul3A_425 = arith.muli %scan3A_423, %mul3A_424 : i32
        %get3A_426 = arith.index_cast %mul3A_425 : i32 to index
        %get3A_427 = tpu.vector_load %arg5[%get3A_426] {strides = array<i32>} : memref<8736xf32, #tpu.memory_space<vmem>>, vector<16xf32>,
        %ge3A_428 = arith.cmpf oge, %get3A_427, %mul3A_285 : vector<16xf32>
        %all_reduce_population_count3A_429 = tpu.all_reduce %ge3A_428 {dim = 0 : i64, kind = #tpu.reduction_kind<sum>} : vector<16xi1> -> vector<16xi32>
        %add3A_430 = arith.addi %add3A_421, %all_reduce_population_count3A_429 : vector<16xi32>
        %scan3A_431 = arith.constant 13 : i32
        %scan3A_432 = arith.addi %scan3A_314, %scan3A_431 : i32
        %mul3A_433 = arith.constant 16 : i32
        %mul3A_434 = arith.muli %scan3A_432, %mul3A_433 : i32
        %get3A_435 = arith.index_cast %mul3A_434 : i32 to index
        %get3A_436 = tpu.vector_load %arg5[%get3A_435] {strides = array<i32>} : memref<8736xf32, #tpu.memory_space<vmem>>, vector<16xf32>,
        %ge3A_437 = arith.cmpf oge, %get3A_436, %mul3A_285 : vector<16xf32>
        %all_reduce_population_count3A_438 = tpu.all_reduce %ge3A_437 {dim = 0 : i64, kind = #tpu.reduction_kind<sum>} : vector<16xi1> -> vector<16xi32>
        %add3A_439 = arith.addi %add3A_430, %all_reduce_population_count3A_438 : vector<16xi32>
        %scan3A_440 = arith.constant 14 : i32
        %scan3A_441 = arith.addi %scan3A_314, %scan3A_440 : i32
        %mul3A_442 = arith.constant 16 : i32
        %mul3A_443 = arith.muli %scan3A_441, %mul3A_442 : i32
        %get3A_444 = arith.index_cast %mul3A_443 : i32 to index
        %get3A_445 = tpu.vector_load %arg5[%get3A_444] {strides = array<i32>} : memref<8736xf32, #tpu.memory_space<vmem>>, vector<16xf32>,
        %ge3A_446 = arith.cmpf oge, %get3A_445, %mul3A_285 : vector<16xf32>
        %all_reduce_population_count3A_447 = tpu.all_reduce %ge3A_446 {dim = 0 : i64, kind = #tpu.reduction_kind<sum>} : vector<16xi1> -> vector<16xi32>
        %add3A_448 = arith.addi %add3A_439, %all_reduce_population_count3A_447 : vector<16xi32>
        %scan3A_449 = arith.constant 15 : i32
        %scan3A_450 = arith.addi %scan3A_314, %scan3A_449 : i32
        %mul3A_451 = arith.constant 16 : i32
        %mul3A_452 = arith.muli %scan3A_450, %mul3A_451 : i32
        %get3A_453 = arith.index_cast %mul3A_452 : i32 to index
        %get3A_454 = tpu.vector_load %arg5[%get3A_453] {strides = array<i32>} : memref<8736xf32, #tpu.memory_space<vmem>>, vector<16xf32>,
        %ge3A_455 = arith.cmpf oge, %get3A_454, %mul3A_285 : vector<16xf32>
        %all_reduce_population_count3A_456 = tpu.all_reduce %ge3A_455 {dim = 0 : i64, kind = #tpu.reduction_kind<sum>} : vector<16xi1> -> vector<16xi32>
        %add3A_457 = arith.addi %add3A_448, %all_reduce_population_count3A_456 : vector<16xi32>
        scf.yield %add3A_457 : vector<16xi32>
      }
      %scan3A_293 = arith.constant 544 : i32
      %scan3A_294 = arith.addi %scan3A_288, %scan3A_293 : i32
      %mul3A_295 = arith.constant 16 : i32
      %mul3A_296 = arith.muli %scan3A_294, %mul3A_295 : i32
      %get3A_297 = arith.index_cast %mul3A_296 : i32 to index
      %get3A_298 = tpu.vector_load %arg5[%get3A_297] {strides = array<i32>} : memref<8736xf32, #tpu.memory_space<vmem>>, vector<16xf32>,
      %ge3A = arith.cmpf oge, %get3A_298, %mul3A_285 : vector<16xf32>
      %all_reduce_population_count3A_299 = tpu.all_reduce %ge3A {dim = 0 : i64, kind = #tpu.reduction_kind<sum>} : vector<16xi1> -> vector<16xi32>
      %add3A_300 = arith.addi %scan3A_292, %all_reduce_population_count3A_299 : vector<16xi32>
      %scan3A_301 = arith.constant 545 : i32
      %scan3A_302 = arith.addi %scan3A_288, %scan3A_301 : i32
      %mul3A_303 = arith.constant 16 : i32
      %mul3A_304 = arith.muli %scan3A_302, %mul3A_303 : i32
      %get3A_305 = arith.index_cast %mul3A_304 : i32 to index
      %get3A_306 = tpu.vector_load %arg5[%get3A_305] {strides = array<i32>} : memref<8736xf32, #tpu.memory_space<vmem>>, vector<16xf32>,
      %ge3A_307 = arith.cmpf oge, %get3A_306, %mul3A_285 : vector<16xf32>
      %all_reduce_population_count3A_308 = tpu.all_reduce %ge3A_307 {dim = 0 : i64, kind = #tpu.reduction_kind<sum>} : vector<16xi1> -> vector<16xi32>
      %add3A_309 = arith.addi %add3A_300, %all_reduce_population_count3A_308 : vector<16xi32>
      %scan3A_310 = arith.constant 546 : i32
      %ge3A_311 = arith.cmpi sge, %add3A_309, %min3A_195 : vector<16xi32>
      %select_n3A_312 = arith.select %ge3A_311, %mul3A_285, %scan3A_280 : vector<16xi1>, vector<16xf32>
      %select_n3A_313 = arith.select %ge3A_311, %scan3A_281, %mul3A_285 : vector<16xi1>, vector<16xf32>
      scf.yield %select_n3A_312, %select_n3A_313 : vector<16xf32>, vector<16xf32>
    }
    %scan3A_233 = arith.constant 20 : i32
    %broadcast_in_dim3A_234 = arith.constant 0 : i32
    %broadcast_in_dim3A_235 = vector.broadcast %broadcast_in_dim3A_234 : i32 to vector<16xi32>
    %broadcast_in_dim3A_236 = arith.constant 0.000000e+00 : f32
    %broadcast_in_dim3A_237 = vector.broadcast %broadcast_in_dim3A_236 : f32 to vector<16xf32>
    %scan3A_238 = arith.constant 0 : i32
    %scan3A_239 = arith.constant 544 : i32
    %scan3A_240 = arith.addi %scan3A_238, %scan3A_239 : i32
    %scan3A_241 = arith.constant 8 : i32
    %scan3A_242:2 = scf.for %scan3A_279 = %scan3A_238 to %scan3A_240 step %scan3A_241 iter_args(%scan3A_280 = %broadcast_in_dim3A_235, %scan3A_281 = %broadcast_in_dim3A_237) -> (vector<16xi32>, vector<16xf32>)  : i32 {
      %mul3A_282 = arith.constant 16 : i32
      %mul3A_283 = arith.muli %scan3A_279, %mul3A_282 : i32
      %get3A_284 = arith.index_cast %mul3A_283 : i32 to index
      %get3A_285 = tpu.vector_load %arg5[%get3A_284] {strides = array<i32>} : memref<8736xf32, #tpu.memory_space<vmem>>, vector<16xf32>,
      %gt3A_286 = arith.cmpf ogt, %get3A_285, %scan3A_232#0 : vector<16xf32>
      %all_reduce_population_count3A_287 = tpu.all_reduce %gt3A_286 {dim = 0 : i64, kind = #tpu.reduction_kind<sum>} : vector<16xi1> -> vector<16xi32>
      %add3A_288 = arith.addi %scan3A_280, %all_reduce_population_count3A_287 : vector<16xi32>
      %jit3A_289 = arith.constant 0.000000e+00 : f32
      %broadcast_in_dim3A_290 = vector.broadcast %jit3A_289 : f32 to vector<16xf32>
      %select_n3A_291 = arith.select %gt3A_286, %get3A_285, %broadcast_in_dim3A_290 : vector<16xi1>, vector<16xf32>
      %add3A_292 = arith.addf %scan3A_281, %select_n3A_291 : vector<16xf32>
      %scan3A_293 = arith.constant 1 : i32
      %scan3A_294 = arith.addi %scan3A_279, %scan3A_293 : i32
      %mul3A_295 = arith.constant 16 : i32
      %mul3A_296 = arith.muli %scan3A_294, %mul3A_295 : i32
      %get3A_297 = arith.index_cast %mul3A_296 : i32 to index
      %get3A_298 = tpu.vector_load %arg5[%get3A_297] {strides = array<i32>} : memref<8736xf32, #tpu.memory_space<vmem>>, vector<16xf32>,
      %gt3A_299 = arith.cmpf ogt, %get3A_298, %scan3A_232#0 : vector<16xf32>
      %all_reduce_population_count3A_300 = tpu.all_reduce %gt3A_299 {dim = 0 : i64, kind = #tpu.reduction_kind<sum>} : vector<16xi1> -> vector<16xi32>
      %add3A_301 = arith.addi %add3A_288, %all_reduce_population_count3A_300 : vector<16xi32>
      %jit3A_302 = arith.constant 0.000000e+00 : f32
      %broadcast_in_dim3A_303 = vector.broadcast %jit3A_302 : f32 to vector<16xf32>
      %select_n3A_304 = arith.select %gt3A_299, %get3A_298, %broadcast_in_dim3A_303 : vector<16xi1>, vector<16xf32>
      %add3A_305 = arith.addf %add3A_292, %select_n3A_304 : vector<16xf32>
      %scan3A_306 = arith.constant 2 : i32
      %scan3A_307 = arith.addi %scan3A_279, %scan3A_306 : i32
      %mul3A_308 = arith.constant 16 : i32
      %mul3A_309 = arith.muli %scan3A_307, %mul3A_308 : i32
      %get3A_310 = arith.index_cast %mul3A_309 : i32 to index
      %get3A_311 = tpu.vector_load %arg5[%get3A_310] {strides = array<i32>} : memref<8736xf32, #tpu.memory_space<vmem>>, vector<16xf32>,
      %gt3A_312 = arith.cmpf ogt, %get3A_311, %scan3A_232#0 : vector<16xf32>
      %all_reduce_population_count3A_313 = tpu.all_reduce %gt3A_312 {dim = 0 : i64, kind = #tpu.reduction_kind<sum>} : vector<16xi1> -> vector<16xi32>
      %add3A_314 = arith.addi %add3A_301, %all_reduce_population_count3A_313 : vector<16xi32>
      %jit3A_315 = arith.constant 0.000000e+00 : f32
      %broadcast_in_dim3A_316 = vector.broadcast %jit3A_315 : f32 to vector<16xf32>
      %select_n3A_317 = arith.select %gt3A_312, %get3A_311, %broadcast_in_dim3A_316 : vector<16xi1>, vector<16xf32>
      %add3A_318 = arith.addf %add3A_305, %select_n3A_317 : vector<16xf32>
      %scan3A_319 = arith.constant 3 : i32
      %scan3A_320 = arith.addi %scan3A_279, %scan3A_319 : i32
      %mul3A_321 = arith.constant 16 : i32
      %mul3A_322 = arith.muli %scan3A_320, %mul3A_321 : i32
      %get3A_323 = arith.index_cast %mul3A_322 : i32 to index
      %get3A_324 = tpu.vector_load %arg5[%get3A_323] {strides = array<i32>} : memref<8736xf32, #tpu.memory_space<vmem>>, vector<16xf32>,
      %gt3A_325 = arith.cmpf ogt, %get3A_324, %scan3A_232#0 : vector<16xf32>
      %all_reduce_population_count3A_326 = tpu.all_reduce %gt3A_325 {dim = 0 : i64, kind = #tpu.reduction_kind<sum>} : vector<16xi1> -> vector<16xi32>
      %add3A_327 = arith.addi %add3A_314, %all_reduce_population_count3A_326 : vector<16xi32>
      %jit3A_328 = arith.constant 0.000000e+00 : f32
      %broadcast_in_dim3A_329 = vector.broadcast %jit3A_328 : f32 to vector<16xf32>
      %select_n3A_330 = arith.select %gt3A_325, %get3A_324, %broadcast_in_dim3A_329 : vector<16xi1>, vector<16xf32>
      %add3A_331 = arith.addf %add3A_318, %select_n3A_330 : vector<16xf32>
      %scan3A_332 = arith.constant 4 : i32
      %scan3A_333 = arith.addi %scan3A_279, %scan3A_332 : i32
      %mul3A_334 = arith.constant 16 : i32
      %mul3A_335 = arith.muli %scan3A_333, %mul3A_334 : i32
      %get3A_336 = arith.index_cast %mul3A_335 : i32 to index
      %get3A_337 = tpu.vector_load %arg5[%get3A_336] {strides = array<i32>} : memref<8736xf32, #tpu.memory_space<vmem>>, vector<16xf32>,
      %gt3A_338 = arith.cmpf ogt, %get3A_337, %scan3A_232#0 : vector<16xf32>
      %all_reduce_population_count3A_339 = tpu.all_reduce %gt3A_338 {dim = 0 : i64, kind = #tpu.reduction_kind<sum>} : vector<16xi1> -> vector<16xi32>
      %add3A_340 = arith.addi %add3A_327, %all_reduce_population_count3A_339 : vector<16xi32>
      %jit3A_341 = arith.constant 0.000000e+00 : f32
      %broadcast_in_dim3A_342 = vector.broadcast %jit3A_341 : f32 to vector<16xf32>
      %select_n3A_343 = arith.select %gt3A_338, %get3A_337, %broadcast_in_dim3A_342 : vector<16xi1>, vector<16xf32>
      %add3A_344 = arith.addf %add3A_331, %select_n3A_343 : vector<16xf32>
      %scan3A_345 = arith.constant 5 : i32
      %scan3A_346 = arith.addi %scan3A_279, %scan3A_345 : i32
      %mul3A_347 = arith.constant 16 : i32
      %mul3A_348 = arith.muli %scan3A_346, %mul3A_347 : i32
      %get3A_349 = arith.index_cast %mul3A_348 : i32 to index
      %get3A_350 = tpu.vector_load %arg5[%get3A_349] {strides = array<i32>} : memref<8736xf32, #tpu.memory_space<vmem>>, vector<16xf32>,
      %gt3A_351 = arith.cmpf ogt, %get3A_350, %scan3A_232#0 : vector<16xf32>
      %all_reduce_population_count3A_352 = tpu.all_reduce %gt3A_351 {dim = 0 : i64, kind = #tpu.reduction_kind<sum>} : vector<16xi1> -> vector<16xi32>
      %add3A_353 = arith.addi %add3A_340, %all_reduce_population_count3A_352 : vector<16xi32>
      %jit3A_354 = arith.constant 0.000000e+00 : f32
      %broadcast_in_dim3A_355 = vector.broadcast %jit3A_354 : f32 to vector<16xf32>
      %select_n3A_356 = arith.select %gt3A_351, %get3A_350, %broadcast_in_dim3A_355 : vector<16xi1>, vector<16xf32>
      %add3A_357 = arith.addf %add3A_344, %select_n3A_356 : vector<16xf32>
      %scan3A_358 = arith.constant 6 : i32
      %scan3A_359 = arith.addi %scan3A_279, %scan3A_358 : i32
      %mul3A_360 = arith.constant 16 : i32
      %mul3A_361 = arith.muli %scan3A_359, %mul3A_360 : i32
      %get3A_362 = arith.index_cast %mul3A_361 : i32 to index
      %get3A_363 = tpu.vector_load %arg5[%get3A_362] {strides = array<i32>} : memref<8736xf32, #tpu.memory_space<vmem>>, vector<16xf32>,
      %gt3A_364 = arith.cmpf ogt, %get3A_363, %scan3A_232#0 : vector<16xf32>
      %all_reduce_population_count3A_365 = tpu.all_reduce %gt3A_364 {dim = 0 : i64, kind = #tpu.reduction_kind<sum>} : vector<16xi1> -> vector<16xi32>
      %add3A_366 = arith.addi %add3A_353, %all_reduce_population_count3A_365 : vector<16xi32>
      %jit3A_367 = arith.constant 0.000000e+00 : f32
      %broadcast_in_dim3A_368 = vector.broadcast %jit3A_367 : f32 to vector<16xf32>
      %select_n3A_369 = arith.select %gt3A_364, %get3A_363, %broadcast_in_dim3A_368 : vector<16xi1>, vector<16xf32>
      %add3A_370 = arith.addf %add3A_357, %select_n3A_369 : vector<16xf32>
      %scan3A_371 = arith.constant 7 : i32
      %scan3A_372 = arith.addi %scan3A_279, %scan3A_371 : i32
      %mul3A_373 = arith.constant 16 : i32
      %mul3A_374 = arith.muli %scan3A_372, %mul3A_373 : i32
      %get3A_375 = arith.index_cast %mul3A_374 : i32 to index
      %get3A_376 = tpu.vector_load %arg5[%get3A_375] {strides = array<i32>} : memref<8736xf32, #tpu.memory_space<vmem>>, vector<16xf32>,
      %gt3A_377 = arith.cmpf ogt, %get3A_376, %scan3A_232#0 : vector<16xf32>
      %all_reduce_population_count3A_378 = tpu.all_reduce %gt3A_377 {dim = 0 : i64, kind = #tpu.reduction_kind<sum>} : vector<16xi1> -> vector<16xi32>
      %add3A_379 = arith.addi %add3A_366, %all_reduce_population_count3A_378 : vector<16xi32>
      %jit3A_380 = arith.constant 0.000000e+00 : f32
      %broadcast_in_dim3A_381 = vector.broadcast %jit3A_380 : f32 to vector<16xf32>
      %select_n3A_382 = arith.select %gt3A_377, %get3A_376, %broadcast_in_dim3A_381 : vector<16xi1>, vector<16xf32>
      %add3A_383 = arith.addf %add3A_370, %select_n3A_382 : vector<16xf32>
      scf.yield %add3A_379, %add3A_383 : vector<16xi32>, vector<16xf32>
    }
    %scan3A_243 = arith.constant 544 : i32
    %scan3A_244 = arith.addi %scan3A_238, %scan3A_243 : i32
    %mul3A_245 = arith.constant 16 : i32
    %mul3A_246 = arith.muli %scan3A_244, %mul3A_245 : i32
    %get3A_247 = arith.index_cast %mul3A_246 : i32 to index
    %get3A_248 = tpu.vector_load %arg5[%get3A_247] {strides = array<i32>} : memref<8736xf32, #tpu.memory_space<vmem>>, vector<16xf32>,
    %gt3A_249 = arith.cmpf ogt, %get3A_248, %scan3A_232#0 : vector<16xf32>
    %all_reduce_population_count3A_250 = tpu.all_reduce %gt3A_249 {dim = 0 : i64, kind = #tpu.reduction_kind<sum>} : vector<16xi1> -> vector<16xi32>
    %add3A_251 = arith.addi %scan3A_242#0, %all_reduce_population_count3A_250 : vector<16xi32>
    %jit3A_252 = arith.constant 0.000000e+00 : f32
    %broadcast_in_dim3A_253 = vector.broadcast %jit3A_252 : f32 to vector<16xf32>
    %select_n3A_254 = arith.select %gt3A_249, %get3A_248, %broadcast_in_dim3A_253 : vector<16xi1>, vector<16xf32>
    %add3A_255 = arith.addf %scan3A_242#1, %select_n3A_254 : vector<16xf32>
    %scan3A_256 = arith.constant 545 : i32
    %scan3A_257 = arith.addi %scan3A_238, %scan3A_256 : i32
    %mul3A_258 = arith.constant 16 : i32
    %mul3A_259 = arith.muli %scan3A_257, %mul3A_258 : i32
    %get3A_260 = arith.index_cast %mul3A_259 : i32 to index
    %get3A_261 = tpu.vector_load %arg5[%get3A_260] {strides = array<i32>} : memref<8736xf32, #tpu.memory_space<vmem>>, vector<16xf32>,
    %gt3A_262 = arith.cmpf ogt, %get3A_261, %scan3A_232#0 : vector<16xf32>
    %all_reduce_population_count3A_263 = tpu.all_reduce %gt3A_262 {dim = 0 : i64, kind = #tpu.reduction_kind<sum>} : vector<16xi1> -> vector<16xi32>
    %add3A_264 = arith.addi %add3A_251, %all_reduce_population_count3A_263 : vector<16xi32>
    %jit3A_265 = arith.constant 0.000000e+00 : f32
    %broadcast_in_dim3A_266 = vector.broadcast %jit3A_265 : f32 to vector<16xf32>
    %select_n3A_267 = arith.select %gt3A_262, %get3A_261, %broadcast_in_dim3A_266 : vector<16xi1>, vector<16xf32>
    %add3A_268 = arith.addf %add3A_255, %select_n3A_267 : vector<16xf32>
    %scan3A_269 = arith.constant 546 : i32
    %sub3A_270 = arith.subi %min3A_195, %add3A_264 : vector<16xi32>
    %convert_element_type3A_271 = arith.sitofp %sub3A_270 : vector<16xi32> to vector<16xf32>
    %mul3A_272 = arith.mulf %convert_element_type3A_271, %scan3A_232#0 : vector<16xf32>
    %add3A_273 = arith.addf %add3A_182, %add3A_268 : vector<16xf32>
    %jit3A_274 = arith.constant 0.000000e+00 : f32
    %broadcast_in_dim3A_275 = vector.broadcast %jit3A_274 : f32 to vector<16xf32>
    %select_n3A_276 = arith.select %eq3A_3, %mul3A_272, %broadcast_in_dim3A_275 : vector<16xi1>, vector<16xf32>
    %add3A_277 = arith.addf %add3A_273, %select_n3A_276 : vector<16xf32>
    %swap3A = arith.constant 0 : index
    %swap3A_278 = tpu.vector_load %arg7[%swap3A] {strides = array<i32>} : memref<16xf32, #tpu.memory_space<vmem>>, vector<16xf32>,
    tpu.vector_store %arg7[%swap3A], %add3A_277 {strides = array<i32>} : memref<16xf32, #tpu.memory_space<vmem>>, vector<16xf32>,
    "tpu.region"() ({
      %run_scoped3A = tpu.sem_alloc : memref<!tpu.dma_semaphore, #tpu.memory_space<semaphore_mem>>
      %dma_start3A = arith.constant 0 : i32
      %dma_start3A_279 = tpu.memref_slice %arg4[%add3A, %dma_start3A] : memref<32x16xf32, #tpu.memory_space<hbm>> -> memref<1x16xf32, #tpu.memory_space<hbm>>
      %dma_start3A_280 = tpu.memref_squeeze %dma_start3A_279 : memref<1x16xf32, #tpu.memory_space<hbm>> -> memref<16xf32, #tpu.memory_space<hbm>>
      %dma_start3A_281 = arith.constant 0 : i32
      %dma_start3A_282 = tpu.memref_slice %arg4[%add3A, %dma_start3A_281] : memref<32x16xf32, #tpu.memory_space<hbm>> -> memref<1x16xf32, #tpu.memory_space<hbm>>
      %dma_start3A_283 = tpu.memref_squeeze %dma_start3A_282 : memref<1x16xf32, #tpu.memory_space<hbm>> -> memref<16xf32, #tpu.memory_space<hbm>>
      tpu.enqueue_dma source(%arg7 : memref<16xf32, #tpu.memory_space<vmem>>) target(%dma_start3A_283 : memref<16xf32, #tpu.memory_space<hbm>>) target_semaphore(%run_scoped3A : memref<!tpu.dma_semaphore, #tpu.memory_space<semaphore_mem>>)
      %dma_wait3A = arith.constant 0 : i32
      %dma_wait3A_284 = tpu.memref_slice %arg4[%add3A, %dma_wait3A] : memref<32x16xf32, #tpu.memory_space<hbm>> -> memref<1x16xf32, #tpu.memory_space<hbm>>
      %dma_wait3A_285 = tpu.memref_squeeze %dma_wait3A_284 : memref<1x16xf32, #tpu.memory_space<hbm>> -> memref<16xf32, #tpu.memory_space<hbm>>
      %dma_wait3A_286 = arith.constant 0 : i32
      %dma_wait3A_287 = tpu.memref_slice %arg4[%add3A, %dma_wait3A_286] : memref<32x16xf32, #tpu.memory_space<hbm>> -> memref<1x16xf32, #tpu.memory_space<hbm>>
      %dma_wait3A_288 = tpu.memref_squeeze %dma_wait3A_287 : memref<1x16xf32, #tpu.memory_space<hbm>> -> memref<16xf32, #tpu.memory_space<hbm>>
      tpu.wait_dma2 semaphore(%run_scoped3A : memref<!tpu.dma_semaphore, #tpu.memory_space<semaphore_mem>>) src(%arg7 : memref<16xf32, #tpu.memory_space<vmem>>) dst(%dma_wait3A_288 : memref<16xf32, #tpu.memory_space<hbm>>)
      tpu.yield
    }) : () -> ()
    return
  }
}

module attributes {stable_mosaic.version = 14 : i64} {
  func.func @_tc_body(%arg0: i32, %arg1: memref<1x16x4xf32, #tpu.memory_space<vmem>>, %arg2: memref<4x8732xf32, #tpu.memory_space<vmem>>, %arg3: memref<1x4x8732xf32, #tpu.memory_space<vmem>>, %arg4: memref<1x2x8732xf32, #tpu.memory_space<vmem>>, %arg5: memref<1x1xf32, #tpu.memory_space<vmem>>, %arg6: memref<1x1xf32, #tpu.memory_space<vmem>>, %arg7: memref<1x1x8736xf32, #tpu.memory_space<vmem>>, %arg8: memref<1x1x128xf32, #tpu.memory_space<vmem>>, %arg9: memref<9x8732xf32, #tpu.memory_space<vmem>>) attributes {dimension_semantics = [#tpu.dimension_semantics<arbitrary>], iteration_bounds = array<i64: 96>, scalar_prefetch = 0 : i64, scratch_operands = 1 : i64, tpu.core_type = #tpu.core_type<tc>, window_params = [{transform_indices = @transform_0, window_bounds = array<i64: 1, 16, 4>}, {pipeline_mode = #tpu.pipeline_mode<synchronous>, transform_indices = @transform_1, window_bounds = array<i64: 4, 8732>}, {transform_indices = @transform_2, window_bounds = array<i64: 1, 4, 8732>}, {transform_indices = @transform_3, window_bounds = array<i64: 1, 2, 8732>}, {pipeline_mode = #tpu.pipeline_mode<synchronous>, transform_indices = @transform_4, window_bounds = array<i64: 1, 1>}, {pipeline_mode = #tpu.pipeline_mode<synchronous>, transform_indices = @transform_5, window_bounds = array<i64: 1, 1>}, {transform_indices = @transform_6, window_bounds = array<i64: 1, 1, 8736>}, {transform_indices = @transform_7, window_bounds = array<i64: 1, 1, 128>}]} {
    %eq3A = arith.constant 0 : i32
    %eq3A_0 = arith.cmpi eq, %arg0, %eq3A : i32
    %convert_element_type3A = arith.extui %eq3A_0 : i1 to i32
    %cond3A = arith.constant 0 : i32
    %cond3A_1 = arith.cmpi ne, %convert_element_type3A, %cond3A : i32
    scf.if %cond3A_1 {
      %broadcast_in_dim3A_242 = arith.constant 0.000000e+00 : f32
      %broadcast_in_dim3A_243 = vector.broadcast %broadcast_in_dim3A_242 : f32 to vector<1x1xf32>
      %swap3A_244 = arith.constant 0 : index
      %swap3A_245 = arith.constant 0 : index
      %swap3A_246 = vector.load %arg5[%swap3A_244, %swap3A_245] : memref<1x1xf32, #tpu.memory_space<vmem>>, vector<1x1xf32>
      tpu.vector_store %arg5[%swap3A_244, %swap3A_245], %broadcast_in_dim3A_243 {strides = array<i32>} : memref<1x1xf32, #tpu.memory_space<vmem>>, vector<1x1xf32>,
      %broadcast_in_dim3A_247 = arith.constant 0.000000e+00 : f32
      %broadcast_in_dim3A_248 = vector.broadcast %broadcast_in_dim3A_247 : f32 to vector<1x1xf32>
      %swap3A_249 = arith.constant 0 : index
      %swap3A_250 = arith.constant 0 : index
      %swap3A_251 = vector.load %arg6[%swap3A_249, %swap3A_250] : memref<1x1xf32, #tpu.memory_space<vmem>>, vector<1x1xf32>
      tpu.vector_store %arg6[%swap3A_249, %swap3A_250], %broadcast_in_dim3A_248 {strides = array<i32>} : memref<1x1xf32, #tpu.memory_space<vmem>>, vector<1x1xf32>,
      %get3A_252 = arith.constant 0 : index
      %get3A_253 = arith.constant 0 : index
      %get3A_254 = vector.load %arg2[%get3A_252, %get3A_253] : memref<4x8732xf32, #tpu.memory_space<vmem>>, vector<1x8732xf32>
      %get3A_255 = arith.constant 1 : index
      %get3A_256 = arith.constant 0 : index
      %get3A_257 = vector.load %arg2[%get3A_255, %get3A_256] : memref<4x8732xf32, #tpu.memory_space<vmem>>, vector<1x8732xf32>
      %get3A_258 = arith.constant 2 : index
      %get3A_259 = arith.constant 0 : index
      %get3A_260 = vector.load %arg2[%get3A_258, %get3A_259] : memref<4x8732xf32, #tpu.memory_space<vmem>>, vector<1x8732xf32>
      %get3A_261 = arith.constant 3 : index
      %get3A_262 = arith.constant 0 : index
      %get3A_263 = vector.load %arg2[%get3A_261, %get3A_262] : memref<4x8732xf32, #tpu.memory_space<vmem>>, vector<1x8732xf32>
      %mul3A_264 = arith.constant 5.000000e-01 : f32
      %mul3A_265 = vector.broadcast %mul3A_264 : f32 to vector<1x8732xf32>
      %mul3A_266 = arith.mulf %get3A_260, %mul3A_265 : vector<1x8732xf32>
      %sub3A_267 = arith.subf %get3A_254, %mul3A_266 : vector<1x8732xf32>
      %swap3A_268 = arith.constant 0 : index
      %swap3A_269 = arith.constant 0 : index
      %swap3A_270 = vector.load %arg9[%swap3A_268, %swap3A_269] : memref<9x8732xf32, #tpu.memory_space<vmem>>, vector<1x8732xf32>
      tpu.vector_store %arg9[%swap3A_268, %swap3A_269], %sub3A_267 {strides = array<i32>} : memref<9x8732xf32, #tpu.memory_space<vmem>>, vector<1x8732xf32>,
      %mul3A_271 = arith.constant 5.000000e-01 : f32
      %mul3A_272 = vector.broadcast %mul3A_271 : f32 to vector<1x8732xf32>
      %mul3A_273 = arith.mulf %get3A_263, %mul3A_272 : vector<1x8732xf32>
      %sub3A_274 = arith.subf %get3A_257, %mul3A_273 : vector<1x8732xf32>
      %swap3A_275 = arith.constant 1 : index
      %swap3A_276 = arith.constant 0 : index
      %swap3A_277 = vector.load %arg9[%swap3A_275, %swap3A_276] : memref<9x8732xf32, #tpu.memory_space<vmem>>, vector<1x8732xf32>
      tpu.vector_store %arg9[%swap3A_275, %swap3A_276], %sub3A_274 {strides = array<i32>} : memref<9x8732xf32, #tpu.memory_space<vmem>>, vector<1x8732xf32>,
      %mul3A_278 = arith.constant 5.000000e-01 : f32
      %mul3A_279 = vector.broadcast %mul3A_278 : f32 to vector<1x8732xf32>
      %mul3A_280 = arith.mulf %get3A_260, %mul3A_279 : vector<1x8732xf32>
      %add3A_281 = arith.addf %get3A_254, %mul3A_280 : vector<1x8732xf32>
      %swap3A_282 = arith.constant 2 : index
      %swap3A_283 = arith.constant 0 : index
      %swap3A_284 = vector.load %arg9[%swap3A_282, %swap3A_283] : memref<9x8732xf32, #tpu.memory_space<vmem>>, vector<1x8732xf32>
      tpu.vector_store %arg9[%swap3A_282, %swap3A_283], %add3A_281 {strides = array<i32>} : memref<9x8732xf32, #tpu.memory_space<vmem>>, vector<1x8732xf32>,
      %mul3A_285 = arith.constant 5.000000e-01 : f32
      %mul3A_286 = vector.broadcast %mul3A_285 : f32 to vector<1x8732xf32>
      %mul3A_287 = arith.mulf %get3A_263, %mul3A_286 : vector<1x8732xf32>
      %add3A_288 = arith.addf %get3A_257, %mul3A_287 : vector<1x8732xf32>
      %swap3A_289 = arith.constant 3 : index
      %swap3A_290 = arith.constant 0 : index
      %swap3A_291 = vector.load %arg9[%swap3A_289, %swap3A_290] : memref<9x8732xf32, #tpu.memory_space<vmem>>, vector<1x8732xf32>
      tpu.vector_store %arg9[%swap3A_289, %swap3A_290], %add3A_288 {strides = array<i32>} : memref<9x8732xf32, #tpu.memory_space<vmem>>, vector<1x8732xf32>,
      %mul3A_292 = arith.mulf %get3A_260, %get3A_263 : vector<1x8732xf32>
      %swap3A_293 = arith.constant 4 : index
      %swap3A_294 = arith.constant 0 : index
      %swap3A_295 = vector.load %arg9[%swap3A_293, %swap3A_294] : memref<9x8732xf32, #tpu.memory_space<vmem>>, vector<1x8732xf32>
      tpu.vector_store %arg9[%swap3A_293, %swap3A_294], %mul3A_292 {strides = array<i32>} : memref<9x8732xf32, #tpu.memory_space<vmem>>, vector<1x8732xf32>,
      %mul3A_296 = arith.constant 1.000000e-01 : f32
      %mul3A_297 = vector.broadcast %mul3A_296 : f32 to vector<1x8732xf32>
      %mul3A_298 = arith.mulf %mul3A_297, %get3A_260 : vector<1x8732xf32>
      %div3A_299 = arith.constant 1.000000e+00 : f32
      %div3A_300 = vector.broadcast %div3A_299 : f32 to vector<1x8732xf32>
      %div3A_301 = arith.divf %div3A_300, %mul3A_298 : vector<1x8732xf32>
      %swap3A_302 = arith.constant 5 : index
      %swap3A_303 = arith.constant 0 : index
      %swap3A_304 = vector.load %arg9[%swap3A_302, %swap3A_303] : memref<9x8732xf32, #tpu.memory_space<vmem>>, vector<1x8732xf32>
      tpu.vector_store %arg9[%swap3A_302, %swap3A_303], %div3A_301 {strides = array<i32>} : memref<9x8732xf32, #tpu.memory_space<vmem>>, vector<1x8732xf32>,
      %mul3A_305 = arith.constant 1.000000e-01 : f32
      %mul3A_306 = vector.broadcast %mul3A_305 : f32 to vector<1x8732xf32>
      %mul3A_307 = arith.mulf %mul3A_306, %get3A_263 : vector<1x8732xf32>
      %div3A_308 = arith.constant 1.000000e+00 : f32
      %div3A_309 = vector.broadcast %div3A_308 : f32 to vector<1x8732xf32>
      %div3A_310 = arith.divf %div3A_309, %mul3A_307 : vector<1x8732xf32>
      %swap3A_311 = arith.constant 6 : index
      %swap3A_312 = arith.constant 0 : index
      %swap3A_313 = vector.load %arg9[%swap3A_311, %swap3A_312] : memref<9x8732xf32, #tpu.memory_space<vmem>>, vector<1x8732xf32>
      tpu.vector_store %arg9[%swap3A_311, %swap3A_312], %div3A_310 {strides = array<i32>} : memref<9x8732xf32, #tpu.memory_space<vmem>>, vector<1x8732xf32>,
      %div3A_314 = arith.constant 1.000000e+00 : f32
      %div3A_315 = vector.broadcast %div3A_314 : f32 to vector<1x8732xf32>
      %div3A_316 = arith.divf %div3A_315, %get3A_260 : vector<1x8732xf32>
      %swap3A_317 = arith.constant 7 : index
      %swap3A_318 = arith.constant 0 : index
      %swap3A_319 = vector.load %arg9[%swap3A_317, %swap3A_318] : memref<9x8732xf32, #tpu.memory_space<vmem>>, vector<1x8732xf32>
      tpu.vector_store %arg9[%swap3A_317, %swap3A_318], %div3A_316 {strides = array<i32>} : memref<9x8732xf32, #tpu.memory_space<vmem>>, vector<1x8732xf32>,
      %div3A_320 = arith.constant 1.000000e+00 : f32
      %div3A_321 = vector.broadcast %div3A_320 : f32 to vector<1x8732xf32>
      %div3A_322 = arith.divf %div3A_321, %get3A_263 : vector<1x8732xf32>
      %swap3A_323 = arith.constant 8 : index
      %swap3A_324 = arith.constant 0 : index
      %swap3A_325 = vector.load %arg9[%swap3A_323, %swap3A_324] : memref<9x8732xf32, #tpu.memory_space<vmem>>, vector<1x8732xf32>
      tpu.vector_store %arg9[%swap3A_323, %swap3A_324], %div3A_322 {strides = array<i32>} : memref<9x8732xf32, #tpu.memory_space<vmem>>, vector<1x8732xf32>,
    } else {
    }
    %get3A = arith.constant 0 : index
    %get3A_2 = arith.constant 0 : index
    %get3A_3 = arith.constant 0 : index
    %get3A_4 = vector.load %arg1[%get3A, %get3A_2, %get3A_3] : memref<1x16x4xf32, #tpu.memory_space<vmem>>, vector<1x16x4xf32>
    %reshape3A = vector.shape_cast %get3A_4 : vector<1x16x4xf32> to vector<16x4xf32>
    %slice3A = vector.extract_strided_slice %reshape3A {offsets = [0, 0], sizes = [16, 1], strides = [1, 1]} : vector<16x4xf32> to vector<16x1xf32>
    %slice3A_5 = vector.extract_strided_slice %reshape3A {offsets = [0, 1], sizes = [16, 1], strides = [1, 1]} : vector<16x4xf32> to vector<16x1xf32>
    %slice3A_6 = vector.extract_strided_slice %reshape3A {offsets = [0, 2], sizes = [16, 1], strides = [1, 1]} : vector<16x4xf32> to vector<16x1xf32>
    %slice3A_7 = vector.extract_strided_slice %reshape3A {offsets = [0, 3], sizes = [16, 1], strides = [1, 1]} : vector<16x4xf32> to vector<16x1xf32>
    %get3A_8 = arith.constant 0 : index
    %get3A_9 = arith.constant 0 : index
    %get3A_10 = vector.load %arg2[%get3A_8, %get3A_9] : memref<4x8732xf32, #tpu.memory_space<vmem>>, vector<1x8732xf32>
    %get3A_11 = arith.constant 1 : index
    %get3A_12 = arith.constant 0 : index
    %get3A_13 = vector.load %arg2[%get3A_11, %get3A_12] : memref<4x8732xf32, #tpu.memory_space<vmem>>, vector<1x8732xf32>
    %get3A_14 = arith.constant 0 : index
    %get3A_15 = arith.constant 0 : index
    %get3A_16 = vector.load %arg9[%get3A_14, %get3A_15] : memref<9x8732xf32, #tpu.memory_space<vmem>>, vector<1x8732xf32>
    %get3A_17 = arith.constant 1 : index
    %get3A_18 = arith.constant 0 : index
    %get3A_19 = vector.load %arg9[%get3A_17, %get3A_18] : memref<9x8732xf32, #tpu.memory_space<vmem>>, vector<1x8732xf32>
    %get3A_20 = arith.constant 2 : index
    %get3A_21 = arith.constant 0 : index
    %get3A_22 = vector.load %arg9[%get3A_20, %get3A_21] : memref<9x8732xf32, #tpu.memory_space<vmem>>, vector<1x8732xf32>
    %get3A_23 = arith.constant 3 : index
    %get3A_24 = arith.constant 0 : index
    %get3A_25 = vector.load %arg9[%get3A_23, %get3A_24] : memref<9x8732xf32, #tpu.memory_space<vmem>>, vector<1x8732xf32>
    %get3A_26 = arith.constant 4 : index
    %get3A_27 = arith.constant 0 : index
    %get3A_28 = vector.load %arg9[%get3A_26, %get3A_27] : memref<9x8732xf32, #tpu.memory_space<vmem>>, vector<1x8732xf32>
    %get3A_29 = arith.constant 5 : index
    %get3A_30 = arith.constant 0 : index
    %get3A_31 = vector.load %arg9[%get3A_29, %get3A_30] : memref<9x8732xf32, #tpu.memory_space<vmem>>, vector<1x8732xf32>
    %get3A_32 = arith.constant 6 : index
    %get3A_33 = arith.constant 0 : index
    %get3A_34 = vector.load %arg9[%get3A_32, %get3A_33] : memref<9x8732xf32, #tpu.memory_space<vmem>>, vector<1x8732xf32>
    %get3A_35 = arith.constant 7 : index
    %get3A_36 = arith.constant 0 : index
    %get3A_37 = vector.load %arg9[%get3A_35, %get3A_36] : memref<9x8732xf32, #tpu.memory_space<vmem>>, vector<1x8732xf32>
    %get3A_38 = arith.constant 8 : index
    %get3A_39 = arith.constant 0 : index
    %get3A_40 = vector.load %arg9[%get3A_38, %get3A_39] : memref<9x8732xf32, #tpu.memory_space<vmem>>, vector<1x8732xf32>
    %min3A = vector.broadcast %slice3A_6 : vector<16x1xf32> to vector<16x8732xf32>
    %min3A_41 = vector.broadcast %get3A_22 : vector<1x8732xf32> to vector<16x8732xf32>
    %min3A_42 = arith.minimumf %min3A, %min3A_41 : vector<16x8732xf32>
    %max3A = vector.broadcast %slice3A : vector<16x1xf32> to vector<16x8732xf32>
    %max3A_43 = vector.broadcast %get3A_16 : vector<1x8732xf32> to vector<16x8732xf32>
    %max3A_44 = arith.maximumf %max3A, %max3A_43 : vector<16x8732xf32>
    %sub3A = arith.subf %min3A_42, %max3A_44 : vector<16x8732xf32>
    %max3A_45 = arith.constant 0.000000e+00 : f32
    %max3A_46 = vector.broadcast %max3A_45 : f32 to vector<16x8732xf32>
    %max3A_47 = arith.maximumf %sub3A, %max3A_46 : vector<16x8732xf32>
    %min3A_48 = vector.broadcast %slice3A_7 : vector<16x1xf32> to vector<16x8732xf32>
    %min3A_49 = vector.broadcast %get3A_25 : vector<1x8732xf32> to vector<16x8732xf32>
    %min3A_50 = arith.minimumf %min3A_48, %min3A_49 : vector<16x8732xf32>
    %max3A_51 = vector.broadcast %slice3A_5 : vector<16x1xf32> to vector<16x8732xf32>
    %max3A_52 = vector.broadcast %get3A_19 : vector<1x8732xf32> to vector<16x8732xf32>
    %max3A_53 = arith.maximumf %max3A_51, %max3A_52 : vector<16x8732xf32>
    %sub3A_54 = arith.subf %min3A_50, %max3A_53 : vector<16x8732xf32>
    %max3A_55 = arith.constant 0.000000e+00 : f32
    %max3A_56 = vector.broadcast %max3A_55 : f32 to vector<16x8732xf32>
    %max3A_57 = arith.maximumf %sub3A_54, %max3A_56 : vector<16x8732xf32>
    %mul3A = arith.mulf %max3A_47, %max3A_57 : vector<16x8732xf32>
    %sub3A_58 = arith.subf %slice3A_6, %slice3A : vector<16x1xf32>
    %sub3A_59 = arith.subf %slice3A_7, %slice3A_5 : vector<16x1xf32>
    %mul3A_60 = arith.mulf %sub3A_58, %sub3A_59 : vector<16x1xf32>
    %add3A = vector.broadcast %mul3A_60 : vector<16x1xf32> to vector<16x8732xf32>
    %add3A_61 = vector.broadcast %get3A_28 : vector<1x8732xf32> to vector<16x8732xf32>
    %add3A_62 = arith.addf %add3A, %add3A_61 : vector<16x8732xf32>
    %sub3A_63 = arith.subf %add3A_62, %mul3A : vector<16x8732xf32>
    %div3A = arith.divf %mul3A, %sub3A_63 : vector<16x8732xf32>
    %reduce_max3A = arith.constant dense<0xFF800000> : vector<8732xf32>
    %reduce_max3A_64 = vector.multi_reduction <maximumf>, %div3A, %reduce_max3A [0] : vector<16x8732xf32> to vector<8732xf32>
    %broadcast_in_dim3A = vector.shape_cast %reduce_max3A_64 : vector<8732xf32> to vector<1x8732xf32>
    %argmax3A = tpu.reduce_index %div3A {axis = 0 : i32, kind = #tpu.reduction_kind<arg_max>} : vector<16x8732xf32> -> vector<8732xi32>
    %reshape3A_65 = vector.shape_cast %argmax3A : vector<8732xi32> to vector<1x8732xi32>
    %reduce_max3A_66 = arith.constant dense<0xFF800000> : vector<16xf32>
    %reduce_max3A_67 = vector.multi_reduction <maximumf>, %div3A, %reduce_max3A_66 [1] : vector<16x8732xf32> to vector<16xf32>
    %broadcast_in_dim3A_68 = vector.shape_cast %reduce_max3A_67 : vector<16xf32> to vector<16x1xf32>
    %iota3A = tpu.iota {dimensions = array<i32: 0>} : vector<16x1xi32>
    %eq3A_69 = vector.broadcast %broadcast_in_dim3A_68 : vector<16x1xf32> to vector<16x8732xf32>
    %eq3A_70 = arith.cmpf oeq, %div3A, %eq3A_69 : vector<16x8732xf32>
    %jit3A = arith.constant -1 : i32
    %broadcast_in_dim3A_71 = vector.shape_cast %iota3A : vector<16x1xi32> to vector<16x1xi32>
    %broadcast_in_dim3A_72 = vector.broadcast %broadcast_in_dim3A_71 : vector<16x1xi32> to vector<16x8732xi32>
    %broadcast_in_dim3A_73 = vector.broadcast %jit3A : i32 to vector<16x8732xi32>
    %select_n3A = arith.select %eq3A_70, %broadcast_in_dim3A_72, %broadcast_in_dim3A_73 : vector<16x8732xi1>, vector<16x8732xi32>
    %reduce_max3A_74 = arith.constant dense<-2147483648> : vector<8732xi32>
    %reduce_max3A_75 = vector.multi_reduction <maxsi>, %select_n3A, %reduce_max3A_74 [0] : vector<16x8732xi32> to vector<8732xi32>
    %broadcast_in_dim3A_76 = vector.shape_cast %reduce_max3A_75 : vector<8732xi32> to vector<1x8732xi32>
    %ge3A = arith.constant 0 : i32
    %ge3A_77 = vector.broadcast %ge3A : i32 to vector<1x8732xi32>
    %ge3A_78 = arith.cmpi sge, %broadcast_in_dim3A_76, %ge3A_77 : vector<1x8732xi32>
    %jit3A_79 = arith.constant 2.000000e+00 : f32
    %broadcast_in_dim3A_80 = vector.broadcast %jit3A_79 : f32 to vector<1x8732xf32>
    %select_n3A_81 = arith.select %ge3A_78, %broadcast_in_dim3A_80, %broadcast_in_dim3A : vector<1x8732xi1>, vector<1x8732xf32>
    %select_n3A_82 = arith.select %ge3A_78, %broadcast_in_dim3A_76, %reshape3A_65 : vector<1x8732xi1>, vector<1x8732xi32>
    %ge3A_83 = arith.constant 5.000000e-01 : f32
    %ge3A_84 = vector.broadcast %ge3A_83 : f32 to vector<1x8732xf32>
    %ge3A_85 = arith.cmpf oge, %select_n3A_81, %ge3A_84 : vector<1x8732xf32>
    %convert_element_type3A_86 = arith.extui %ge3A_85 : vector<1x8732xi1> to vector<1x8732xi32>
    %convert_element_type3A_87 = arith.sitofp %convert_element_type3A_86 : vector<1x8732xi32> to vector<1x8732xf32>
    %eq3A_88 = vector.broadcast %select_n3A_82 : vector<1x8732xi32> to vector<16x8732xi32>
    %eq3A_89 = vector.broadcast %iota3A : vector<16x1xi32> to vector<16x8732xi32>
    %eq3A_90 = arith.cmpi eq, %eq3A_88, %eq3A_89 : vector<16x8732xi32>
    %convert_element_type3A_91 = arith.extui %eq3A_90 : vector<16x8732xi1> to vector<16x8732xi32>
    %convert_element_type3A_92 = arith.sitofp %convert_element_type3A_91 : vector<16x8732xi32> to vector<16x8732xf32>
    %dot_general3A = arith.constant dense<0.000000e+00> : vector<4x8732xf32>
    %dot_general3A_93 = tpu.matmul %reshape3A, %convert_element_type3A_92, %dot_general3A {dimension_numbers = #tpu.dot_dimension_numbers<[0], [0], [1], [1], [0, 1, 1, 1], [], []>, transpose_lhs_hint = false} : vector<16x4xf32>, vector<16x8732xf32>, vector<4x8732xf32> -> vector<4x8732xf32>
    %slice3A_94 = vector.extract_strided_slice %dot_general3A_93 {offsets = [0, 0], sizes = [1, 8732], strides = [1, 1]} : vector<4x8732xf32> to vector<1x8732xf32>
    %slice3A_95 = vector.extract_strided_slice %dot_general3A_93 {offsets = [1, 0], sizes = [1, 8732], strides = [1, 1]} : vector<4x8732xf32> to vector<1x8732xf32>
    %slice3A_96 = vector.extract_strided_slice %dot_general3A_93 {offsets = [2, 0], sizes = [1, 8732], strides = [1, 1]} : vector<4x8732xf32> to vector<1x8732xf32>
    %slice3A_97 = vector.extract_strided_slice %dot_general3A_93 {offsets = [3, 0], sizes = [1, 8732], strides = [1, 1]} : vector<4x8732xf32> to vector<1x8732xf32>
    %add3A_98 = arith.addf %slice3A_94, %slice3A_96 : vector<1x8732xf32>
    %mul3A_99 = arith.constant 5.000000e-01 : f32
    %mul3A_100 = vector.broadcast %mul3A_99 : f32 to vector<1x8732xf32>
    %mul3A_101 = arith.mulf %add3A_98, %mul3A_100 : vector<1x8732xf32>
    %sub3A_102 = arith.subf %mul3A_101, %get3A_10 : vector<1x8732xf32>
    %mul3A_103 = arith.mulf %sub3A_102, %get3A_31 : vector<1x8732xf32>
    %add3A_104 = arith.addf %slice3A_95, %slice3A_97 : vector<1x8732xf32>
    %mul3A_105 = arith.constant 5.000000e-01 : f32
    %mul3A_106 = vector.broadcast %mul3A_105 : f32 to vector<1x8732xf32>
    %mul3A_107 = arith.mulf %add3A_104, %mul3A_106 : vector<1x8732xf32>
    %sub3A_108 = arith.subf %mul3A_107, %get3A_13 : vector<1x8732xf32>
    %mul3A_109 = arith.mulf %sub3A_108, %get3A_34 : vector<1x8732xf32>
    %sub3A_110 = arith.subf %slice3A_96, %slice3A_94 : vector<1x8732xf32>
    %mul3A_111 = arith.mulf %sub3A_110, %get3A_37 : vector<1x8732xf32>
    %log3A = math.log %mul3A_111 : vector<1x8732xf32>
    %mul3A_112 = arith.constant 5.000000e+00 : f32
    %mul3A_113 = vector.broadcast %mul3A_112 : f32 to vector<1x8732xf32>
    %mul3A_114 = arith.mulf %log3A, %mul3A_113 : vector<1x8732xf32>
    %sub3A_115 = arith.subf %slice3A_97, %slice3A_95 : vector<1x8732xf32>
    %mul3A_116 = arith.mulf %sub3A_115, %get3A_40 : vector<1x8732xf32>
    %log3A_117 = math.log %mul3A_116 : vector<1x8732xf32>
    %mul3A_118 = arith.constant 5.000000e+00 : f32
    %mul3A_119 = vector.broadcast %mul3A_118 : f32 to vector<1x8732xf32>
    %mul3A_120 = arith.mulf %log3A_117, %mul3A_119 : vector<1x8732xf32>
    %get3A_121 = arith.constant 0 : index
    %get3A_122 = arith.constant 0 : index
    %get3A_123 = arith.constant 0 : index
    %get3A_124 = vector.load %arg3[%get3A_121, %get3A_122, %get3A_123] : memref<1x4x8732xf32, #tpu.memory_space<vmem>>, vector<1x4x8732xf32>
    %reshape3A_125 = vector.shape_cast %get3A_124 : vector<1x4x8732xf32> to vector<4x8732xf32>
    %slice3A_126 = vector.extract_strided_slice %reshape3A_125 {offsets = [0, 0], sizes = [1, 8732], strides = [1, 1]} : vector<4x8732xf32> to vector<1x8732xf32>
    %sub3A_127 = arith.subf %slice3A_126, %mul3A_103 : vector<1x8732xf32>
    %abs3A = math.absf %sub3A_127 : vector<1x8732xf32>
    %lt3A = arith.constant 1.000000e+00 : f32
    %lt3A_128 = vector.broadcast %lt3A : f32 to vector<1x8732xf32>
    %lt3A_129 = arith.cmpf olt, %abs3A, %lt3A_128 : vector<1x8732xf32>
    %mul3A_130 = arith.constant 5.000000e-01 : f32
    %mul3A_131 = vector.broadcast %mul3A_130 : f32 to vector<1x8732xf32>
    %mul3A_132 = arith.mulf %mul3A_131, %sub3A_127 : vector<1x8732xf32>
    %mul3A_133 = arith.mulf %mul3A_132, %sub3A_127 : vector<1x8732xf32>
    %sub3A_134 = arith.constant 5.000000e-01 : f32
    %sub3A_135 = vector.broadcast %sub3A_134 : f32 to vector<1x8732xf32>
    %sub3A_136 = arith.subf %abs3A, %sub3A_135 : vector<1x8732xf32>
    %select_n3A_137 = arith.select %lt3A_129, %mul3A_133, %sub3A_136 : vector<1x8732xi1>, vector<1x8732xf32>
    %slice3A_138 = vector.extract_strided_slice %reshape3A_125 {offsets = [1, 0], sizes = [1, 8732], strides = [1, 1]} : vector<4x8732xf32> to vector<1x8732xf32>
    %sub3A_139 = arith.subf %slice3A_138, %mul3A_109 : vector<1x8732xf32>
    %abs3A_140 = math.absf %sub3A_139 : vector<1x8732xf32>
    %lt3A_141 = arith.constant 1.000000e+00 : f32
    %lt3A_142 = vector.broadcast %lt3A_141 : f32 to vector<1x8732xf32>
    %lt3A_143 = arith.cmpf olt, %abs3A_140, %lt3A_142 : vector<1x8732xf32>
    %mul3A_144 = arith.constant 5.000000e-01 : f32
    %mul3A_145 = vector.broadcast %mul3A_144 : f32 to vector<1x8732xf32>
    %mul3A_146 = arith.mulf %mul3A_145, %sub3A_139 : vector<1x8732xf32>
    %mul3A_147 = arith.mulf %mul3A_146, %sub3A_139 : vector<1x8732xf32>
    %sub3A_148 = arith.constant 5.000000e-01 : f32
    %sub3A_149 = vector.broadcast %sub3A_148 : f32 to vector<1x8732xf32>
    %sub3A_150 = arith.subf %abs3A_140, %sub3A_149 : vector<1x8732xf32>
    %select_n3A_151 = arith.select %lt3A_143, %mul3A_147, %sub3A_150 : vector<1x8732xi1>, vector<1x8732xf32>
    %add3A_152 = arith.addf %select_n3A_137, %select_n3A_151 : vector<1x8732xf32>
    %slice3A_153 = vector.extract_strided_slice %reshape3A_125 {offsets = [2, 0], sizes = [1, 8732], strides = [1, 1]} : vector<4x8732xf32> to vector<1x8732xf32>
    %sub3A_154 = arith.subf %slice3A_153, %mul3A_114 : vector<1x8732xf32>
    %abs3A_155 = math.absf %sub3A_154 : vector<1x8732xf32>
    %lt3A_156 = arith.constant 1.000000e+00 : f32
    %lt3A_157 = vector.broadcast %lt3A_156 : f32 to vector<1x8732xf32>
    %lt3A_158 = arith.cmpf olt, %abs3A_155, %lt3A_157 : vector<1x8732xf32>
    %mul3A_159 = arith.constant 5.000000e-01 : f32
    %mul3A_160 = vector.broadcast %mul3A_159 : f32 to vector<1x8732xf32>
    %mul3A_161 = arith.mulf %mul3A_160, %sub3A_154 : vector<1x8732xf32>
    %mul3A_162 = arith.mulf %mul3A_161, %sub3A_154 : vector<1x8732xf32>
    %sub3A_163 = arith.constant 5.000000e-01 : f32
    %sub3A_164 = vector.broadcast %sub3A_163 : f32 to vector<1x8732xf32>
    %sub3A_165 = arith.subf %abs3A_155, %sub3A_164 : vector<1x8732xf32>
    %select_n3A_166 = arith.select %lt3A_158, %mul3A_162, %sub3A_165 : vector<1x8732xi1>, vector<1x8732xf32>
    %add3A_167 = arith.addf %add3A_152, %select_n3A_166 : vector<1x8732xf32>
    %slice3A_168 = vector.extract_strided_slice %reshape3A_125 {offsets = [3, 0], sizes = [1, 8732], strides = [1, 1]} : vector<4x8732xf32> to vector<1x8732xf32>
    %sub3A_169 = arith.subf %slice3A_168, %mul3A_120 : vector<1x8732xf32>
    %abs3A_170 = math.absf %sub3A_169 : vector<1x8732xf32>
    %lt3A_171 = arith.constant 1.000000e+00 : f32
    %lt3A_172 = vector.broadcast %lt3A_171 : f32 to vector<1x8732xf32>
    %lt3A_173 = arith.cmpf olt, %abs3A_170, %lt3A_172 : vector<1x8732xf32>
    %mul3A_174 = arith.constant 5.000000e-01 : f32
    %mul3A_175 = vector.broadcast %mul3A_174 : f32 to vector<1x8732xf32>
    %mul3A_176 = arith.mulf %mul3A_175, %sub3A_169 : vector<1x8732xf32>
    %mul3A_177 = arith.mulf %mul3A_176, %sub3A_169 : vector<1x8732xf32>
    %sub3A_178 = arith.constant 5.000000e-01 : f32
    %sub3A_179 = vector.broadcast %sub3A_178 : f32 to vector<1x8732xf32>
    %sub3A_180 = arith.subf %abs3A_170, %sub3A_179 : vector<1x8732xf32>
    %select_n3A_181 = arith.select %lt3A_173, %mul3A_177, %sub3A_180 : vector<1x8732xi1>, vector<1x8732xf32>
    %add3A_182 = arith.addf %add3A_167, %select_n3A_181 : vector<1x8732xf32>
    %get3A_183 = arith.constant 0 : index
    %get3A_184 = arith.constant 0 : index
    %get3A_185 = vector.load %arg5[%get3A_183, %get3A_184] : memref<1x1xf32, #tpu.memory_space<vmem>>, vector<1x1xf32>
    %mul3A_186 = arith.mulf %add3A_182, %convert_element_type3A_87 : vector<1x8732xf32>
    %reduce_sum3A = arith.constant dense<0.000000e+00> : vector<1xf32>
    %reduce_sum3A_187 = vector.multi_reduction <add>, %mul3A_186, %reduce_sum3A [1] : vector<1x8732xf32> to vector<1xf32>
    %broadcast_in_dim3A_188 = vector.shape_cast %reduce_sum3A_187 : vector<1xf32> to vector<1x1xf32>
    %add3A_189 = arith.addf %get3A_185, %broadcast_in_dim3A_188 : vector<1x1xf32>
    %swap3A = arith.constant 0 : index
    %swap3A_190 = arith.constant 0 : index
    %swap3A_191 = vector.load %arg5[%swap3A, %swap3A_190] : memref<1x1xf32, #tpu.memory_space<vmem>>, vector<1x1xf32>
    tpu.vector_store %arg5[%swap3A, %swap3A_190], %add3A_189 {strides = array<i32>} : memref<1x1xf32, #tpu.memory_space<vmem>>, vector<1x1xf32>,
    %get3A_192 = arith.constant 0 : index
    %get3A_193 = arith.constant 0 : index
    %get3A_194 = arith.constant 0 : index
    %get3A_195 = vector.load %arg4[%get3A_192, %get3A_193, %get3A_194] : memref<1x2x8732xf32, #tpu.memory_space<vmem>>, vector<1x2x8732xf32>
    %reshape3A_196 = vector.shape_cast %get3A_195 : vector<1x2x8732xf32> to vector<2x8732xf32>
    %slice3A_197 = vector.extract_strided_slice %reshape3A_196 {offsets = [0, 0], sizes = [1, 8732], strides = [1, 1]} : vector<2x8732xf32> to vector<1x8732xf32>
    %slice3A_198 = vector.extract_strided_slice %reshape3A_196 {offsets = [1, 0], sizes = [1, 8732], strides = [1, 1]} : vector<2x8732xf32> to vector<1x8732xf32>
    %max3A_199 = arith.maximumf %slice3A_197, %slice3A_198 : vector<1x8732xf32>
    %sub3A_200 = arith.subf %slice3A_197, %slice3A_198 : vector<1x8732xf32>
    %abs3A_201 = math.absf %sub3A_200 : vector<1x8732xf32>
    %neg3A = arith.constant 0.000000e+00 : f32
    %neg3A_202 = vector.broadcast %neg3A : f32 to vector<1x8732xf32>
    %neg3A_203 = arith.subf %neg3A_202, %abs3A_201 : vector<1x8732xf32>
    %exp3A = math.exp %neg3A_203 : vector<1x8732xf32>
    %add3A_204 = arith.constant 1.000000e+00 : f32
    %add3A_205 = vector.broadcast %add3A_204 : f32 to vector<1x8732xf32>
    %add3A_206 = arith.addf %add3A_205, %exp3A : vector<1x8732xf32>
    %log3A_207 = math.log %add3A_206 : vector<1x8732xf32>
    %add3A_208 = arith.addf %max3A_199, %log3A_207 : vector<1x8732xf32>
    %select_n3A_209 = arith.select %ge3A_85, %slice3A_198, %slice3A_197 : vector<1x8732xi1>, vector<1x8732xf32>
    %sub3A_210 = arith.subf %add3A_208, %select_n3A_209 : vector<1x8732xf32>
    %get3A_211 = arith.constant 0 : index
    %get3A_212 = arith.constant 0 : index
    %get3A_213 = vector.load %arg6[%get3A_211, %get3A_212] : memref<1x1xf32, #tpu.memory_space<vmem>>, vector<1x1xf32>
    %mul3A_214 = arith.mulf %sub3A_210, %convert_element_type3A_87 : vector<1x8732xf32>
    %reduce_sum3A_215 = arith.constant dense<0.000000e+00> : vector<1xf32>
    %reduce_sum3A_216 = vector.multi_reduction <add>, %mul3A_214, %reduce_sum3A_215 [1] : vector<1x8732xf32> to vector<1xf32>
    %broadcast_in_dim3A_217 = vector.shape_cast %reduce_sum3A_216 : vector<1xf32> to vector<1x1xf32>
    %add3A_218 = arith.addf %get3A_213, %broadcast_in_dim3A_217 : vector<1x1xf32>
    %swap3A_219 = arith.constant 0 : index
    %swap3A_220 = arith.constant 0 : index
    %swap3A_221 = vector.load %arg6[%swap3A_219, %swap3A_220] : memref<1x1xf32, #tpu.memory_space<vmem>>, vector<1x1xf32>
    tpu.vector_store %arg6[%swap3A_219, %swap3A_220], %add3A_218 {strides = array<i32>} : memref<1x1xf32, #tpu.memory_space<vmem>>, vector<1x1xf32>,
    %jit3A_222 = arith.constant 0.000000e+00 : f32
    %broadcast_in_dim3A_223 = vector.broadcast %jit3A_222 : f32 to vector<1x8732xf32>
    %select_n3A_224 = arith.select %ge3A_85, %broadcast_in_dim3A_223, %sub3A_210 : vector<1x8732xi1>, vector<1x8732xf32>
    %broadcast_in_dim3A_225 = arith.constant 0.000000e+00 : f32
    %broadcast_in_dim3A_226 = vector.broadcast %broadcast_in_dim3A_225 : f32 to vector<1x4xf32>
    %concatenate3A = tpu.concatenate %select_n3A_224, %broadcast_in_dim3A_226 in 1 : vector<1x8732xf32>, vector<1x4xf32> -> vector<1x8736xf32>
    %reshape3A_227 = vector.shape_cast %concatenate3A : vector<1x8736xf32> to vector<1x1x8736xf32>
    %swap3A_228 = arith.constant 0 : index
    %swap3A_229 = arith.constant 0 : index
    %swap3A_230 = arith.constant 0 : index
    %swap3A_231 = vector.load %arg7[%swap3A_228, %swap3A_229, %swap3A_230] : memref<1x1x8736xf32, #tpu.memory_space<vmem>>, vector<1x1x8736xf32>
    tpu.vector_store %arg7[%swap3A_228, %swap3A_229, %swap3A_230], %reshape3A_227 {strides = array<i32>} : memref<1x1x8736xf32, #tpu.memory_space<vmem>>, vector<1x1x8736xf32>,
    %reduce_sum3A_232 = arith.constant dense<0.000000e+00> : vector<1xf32>
    %reduce_sum3A_233 = vector.multi_reduction <add>, %convert_element_type3A_87, %reduce_sum3A_232 [1] : vector<1x8732xf32> to vector<1xf32>
    %broadcast_in_dim3A_234 = vector.shape_cast %reduce_sum3A_233 : vector<1xf32> to vector<1x1xf32>
    %broadcast_in_dim3A_235 = vector.shape_cast %broadcast_in_dim3A_234 : vector<1x1xf32> to vector<1x1xf32>
    %broadcast_in_dim3A_236 = vector.broadcast %broadcast_in_dim3A_235 : vector<1x1xf32> to vector<1x128xf32>
    %reshape3A_237 = vector.shape_cast %broadcast_in_dim3A_236 : vector<1x128xf32> to vector<1x1x128xf32>
    %swap3A_238 = arith.constant 0 : index
    %swap3A_239 = arith.constant 0 : index
    %swap3A_240 = arith.constant 0 : index
    %swap3A_241 = vector.load %arg8[%swap3A_238, %swap3A_239, %swap3A_240] : memref<1x1x128xf32, #tpu.memory_space<vmem>>, vector<1x1x128xf32>
    tpu.vector_store %arg8[%swap3A_238, %swap3A_239, %swap3A_240], %reshape3A_237 {strides = array<i32>} : memref<1x1x128xf32, #tpu.memory_space<vmem>>, vector<1x1x128xf32>,
    return
  }
  func.func @transform_0(%arg0: i32) -> (i32, i32, i32) {
    %c0_i32 = arith.constant 0 : i32
    %c0_i32_0 = arith.constant 0 : i32
    %c0_i32_1 = arith.constant 0 : i32
    return %arg0, %c0_i32, %c0_i32_0 : i32, i32, i32
  }
  func.func @transform_1(%arg0: i32) -> (i32, i32) {
    %c0_i32 = arith.constant 0 : i32
    %c0_i32_0 = arith.constant 0 : i32
    %c0_i32_1 = arith.constant 0 : i32
    return %c0_i32, %c0_i32_0 : i32, i32
  }
  func.func @transform_2(%arg0: i32) -> (i32, i32, i32) {
    %c0_i32 = arith.constant 0 : i32
    %c0_i32_0 = arith.constant 0 : i32
    %c0_i32_1 = arith.constant 0 : i32
    return %arg0, %c0_i32, %c0_i32_0 : i32, i32, i32
  }
  func.func @transform_3(%arg0: i32) -> (i32, i32, i32) {
    %c0_i32 = arith.constant 0 : i32
    %c0_i32_0 = arith.constant 0 : i32
    %c0_i32_1 = arith.constant 0 : i32
    return %arg0, %c0_i32, %c0_i32_0 : i32, i32, i32
  }
  func.func @transform_4(%arg0: i32) -> (i32, i32) {
    %c0_i32 = arith.constant 0 : i32
    %c0_i32_0 = arith.constant 0 : i32
    %c0_i32_1 = arith.constant 0 : i32
    return %c0_i32, %c0_i32_0 : i32, i32
  }
  func.func @transform_5(%arg0: i32) -> (i32, i32) {
    %c0_i32 = arith.constant 0 : i32
    %c0_i32_0 = arith.constant 0 : i32
    %c0_i32_1 = arith.constant 0 : i32
    return %c0_i32, %c0_i32_0 : i32, i32
  }
  func.func @transform_6(%arg0: i32) -> (i32, i32, i32) {
    %c0_i32 = arith.constant 0 : i32
    %c0_i32_0 = arith.constant 0 : i32
    %c0_i32_1 = arith.constant 0 : i32
    return %arg0, %c0_i32, %c0_i32_0 : i32, i32, i32
  }
  func.func @transform_7(%arg0: i32) -> (i32, i32, i32) {
    %c0_i32 = arith.constant 0 : i32
    %c0_i32_0 = arith.constant 0 : i32
    %c0_i32_1 = arith.constant 0 : i32
    return %arg0, %c0_i32, %c0_i32_0 : i32, i32, i32
  }
}

</mosaic_0001>

<sc_bundles>
// kernel: kernel.4.cloned.1.call-start
scs
__scs_entry_jumppad:
0x0: {  	(pc) =	sbr.rel $0x88, $3  }
0x1: {  	(tag) =	ssettag $0x0;
	lr =	simm.s32 $0x1  }
0x2: {  	[smem:$0x3F9D] =	sst lr;
	_ =	strace $0xD0000000  }
0x3: {  	_ = 	snop  }
0x4: {  	_ = 	snop  }
0x5: {  	_ = 	snop  }
0x6: {  	_ = 	snop  }
0x7: {  	_ = 	snop  }
__scs_overlays_trampoline_lowered:
0x8: {  	[smem:$0x3FAC] =	sst s0  }
0x9: {  	[smem:$0x3FAD] =	sst s1  }
0xa: {  	[smem:$0x3FAE] =	sst s2  }
0xb: {  	[smem:$0x3FAF] =	sst s3  }
0xc: {  	[smem:$0x3FB0] =	sst s4  }
0xd: {  	[smem:$0x3FB1] =	sst s5  }
0xe: {  	[smem:$0x3FB2] =	sst s6  }
0xf: {  	[smem:$0x3FB3] =	sst s7  }
0x10: {  	[smem:$0x3FB4] =	sst s8  }
0x11: {  	[smem:$0x3FB5] =	sst s9;
	s0 =	simm.s32 @!p0 $0x0  }
0x12: {  	s1 =	sld [smem:$0x3F9B];
	s0 =	simm.s32 @p0 $0x1  }
0x13: {  	[smem:$0x3FB6] =	sst s0;
	s0 =	simm.s32 @!p1 $0x0  }
0x14: {  	s2 =	sld [smem:$0x3F9A];
	s0 =	simm.s32 @p1 $0x1  }
0x15: {  	[smem:$0x3FB7] =	sst s0;
	s0 =	simm.s32 @!p2 $0x0  }
0x16: {  	s3 =	sld [smem:$0x3FDB];
	s0 =	simm.s32 @p2 $0x1  }
0x17: {  	s4 =	simm.s32 $0x1BF5;
	[smem:$0x3FB9] =	sst s0  }
0x18: {  	s0 =	sld [smem:$0x3F9C];
	_ =	swait.ge [sflag:s4], $0x0  }
0x19: {  	s7 =	sld [smem:$0x3F9D]  }
0x1a: {  	s8 =	sadd.s32 $0xFFFFE003, lr  }
0x1b: {  	s9 =	sadd.s32 $0xFFFFFEF7, lr;
	s5 =	simm.s32 $0xFFFFFFFF;
	p2 =	slt.u32 s8, $0xFFFFF086  }
0x1c: {  	p1 =	slt.u32 s9, $0xF7A;
	s5 =	simm.s32 @!p2 $0x0  }
0x1d: {  	s5 =	simm.s32 @p1 $0x1;
	p0 =	seq.s32 s7, s2  }
0x1e: {  	s7 =	smul.u32 @!p0 $0xF7A, s2;
	p2 =	seq.s32 @!p0 s5, $0x0  }
0x1f: {  	s9 =	smul.u32 $0xF7A, s1;
	s8 =	simm.s32 @!p0 $0x1BF5;
	p2 =	por !p2, p0  }
0x20: {  	[sflag:s8] =	ssyncset.s32 @!p0 $0xFFFFF086;
	s6 =	sadd.s32 @!p0 s3, s7;
	s7 =	simm.s32 @!p0 $0x108  }
0x21: {  	s3 =	sadd.s32 s3, s9;
	s6 =	sadd.s32 @!p0 $0x88, s6;
	s7 =	simm.s32 @p2 $0x1082  }
0x22: {  	[simem:s7], [sflag:s8] =	dma.local @!p0 [hbm:s6], $0xF7A  }
0x23: {  	s9 =	sor.u32 $0xD0000000, s2;
	s6 =	simm.s32 $0x108;
	_ =	swait.ge @!p0 [sflag:s8], $0x0  }
0x24: {  	s3 =	sadd.s32 $0x88, s3;
	s6 =	simm.s32 @!p1 $0x1082;
	[sflag:s4] =	ssyncset.s32 $0xFFFFF086  }
0x25: {  	[simem:s6], [sflag:s4] =	dma.local [hbm:s3], $0xF7A  }
0x26: {  	[smem:$0x3F9D] =	sst s1;
	(tag) =	ssettag s2;
	_ =	strace s9  }
0x27: {  	s1 =	sld [smem:$0x3FAD]  }
0x28: {  	s2 =	sld [smem:$0x3FAE]  }
0x29: {  	s4 =	sld [smem:$0x3FB0]  }
0x2a: {  	p0 =	seq.s32 s5, $0x0;
	s5 =	sld [smem:$0x3FB1]  }
0x2b: {  	s6 =	sld [smem:$0x3FB2]  }
0x2c: {  	s7 =	sld [smem:$0x3FB3]  }
0x2d: {  	s3 =	simm.s32 $0x108;
	s8 =	sld [smem:$0x3FB4]  }
0x2e: {  	s3 =	simm.s32 @!p0 $0x1082;
	s9 =	sld [smem:$0x3FB5]  }
0x2f: {  	lr =	sadd.s32 s0, s3;
	s0 =	sld [smem:$0x3FAC]  }
0x30: {  	s3 =	sld [smem:$0x3FAF]  }
0x31: {  	[smem:$0x3FB8] =	sst s10  }
0x32: {  	s10 =	sld [smem:$0x3FB6];
	_ =	sdelay $0x3  }
0x33: {  	p0 =	seq.s32 s10, $0x1;
	s10 =	sld [smem:$0x3FB8];
	_ =	sdelay $0x3  }
0x34: {  	[smem:$0x3FB8] =	sst s10  }
0x35: {  	s10 =	sld [smem:$0x3FB7];
	_ =	sdelay $0x3  }
0x36: {  	p1 =	seq.s32 s10, $0x1;
	s10 =	sld [smem:$0x3FB8];
	_ =	sdelay $0x3  }
0x37: {  	[smem:$0x3FB8] =	sst s10  }
0x38: {  	s10 =	sld [smem:$0x3FB9]  }
0x39: {  	_ = 	snop;
	(pc) =	sbr.ind lr, $3  }
0x3a: {  	_ = 	snop  }
0x3b: {  	_ = 	snop  }
0x3c: {  	p2 =	seq.s32 s10, $0x1;
	s10 =	sld [smem:$0x3FB8]  }
0x3d: {  	_ =	shalt  }
0x3e: {  	_ =	shalt  }
0x3f: {  	_ =	shalt  }
0x40: {  	_ =	shalt  }
0x41: {  	_ =	shalt  }
0x42: {  	_ =	shalt  }
0x43: {  	_ =	shalt  }
0x44: {  	_ =	shalt  }
0x45: {  	_ =	shalt  }
0x46: {  	_ =	shalt  }
0x47: {  	_ =	shalt  }
0x48: {  	_ =	shalt  }
0x49: {  	_ =	shalt  }
0x4a: {  	_ =	shalt  }
0x4b: {  	_ =	shalt  }
0x4c: {  	_ =	shalt  }
0x4d: {  	_ =	shalt  }
0x4e: {  	_ =	shalt  }
0x4f: {  	_ =	shalt  }
0x50: {  	_ =	shalt  }
0x51: {  	_ =	shalt  }
0x52: {  	_ =	shalt  }
0x53: {  	_ =	shalt  }
0x54: {  	_ =	shalt  }
0x55: {  	_ =	shalt  }
0x56: {  	_ =	shalt  }
0x57: {  	_ =	shalt  }
0x58: {  	_ =	shalt  }
0x59: {  	_ =	shalt  }
0x5a: {  	_ =	shalt  }
0x5b: {  	_ =	shalt  }
0x5c: {  	_ =	shalt  }
0x5d: {  	_ =	shalt  }
0x5e: {  	_ =	shalt  }
0x5f: {  	_ =	shalt  }
0x60: {  	_ =	shalt  }
0x61: {  	_ =	shalt  }
0x62: {  	_ =	shalt  }
0x63: {  	_ =	shalt  }
0x64: {  	_ =	shalt  }
0x65: {  	_ =	shalt  }
0x66: {  	_ =	shalt  }
0x67: {  	_ =	shalt  }
0x68: {  	_ =	shalt  }
0x69: {  	_ =	shalt  }
0x6a: {  	_ =	shalt  }
0x6b: {  	_ =	shalt  }
0x6c: {  	_ =	shalt  }
0x6d: {  	_ =	shalt  }
0x6e: {  	_ =	shalt  }
0x6f: {  	_ =	shalt  }
0x70: {  	_ =	shalt  }
0x71: {  	_ =	shalt  }
0x72: {  	_ =	shalt  }
0x73: {  	_ =	shalt  }
0x74: {  	_ =	shalt  }
0x75: {  	_ =	shalt  }
0x76: {  	_ =	shalt  }
0x77: {  	_ =	shalt  }
0x78: {  	_ =	shalt  }
0x79: {  	_ =	shalt  }
0x7a: {  	_ =	shalt  }
0x7b: {  	_ =	shalt  }
0x7c: {  	_ =	shalt  }
0x7d: {  	_ =	shalt  }
0x7e: {  	_ =	shalt  }
0x7f: {  	_ =	shalt  }
0x80: {  	_ =	shalt  }
0x81: {  	_ =	shalt  }
0x82: {  	_ =	shalt  }
0x83: {  	_ =	shalt  }
0x84: {  	_ =	shalt  }
0x85: {  	_ =	shalt  }
0x86: {  	_ =	shalt  }
0x87: {  	_ =	shalt  }
.Lfunc_end0:
.L_simem_size_0:
called_computation_lowered:
.L_overlay_start_0:
0x88: {  	s2 =	sld [smem:$0x3FD9]  }
0x89: {  	s3 =	sld [smem:$0x3FFE];
	_ =	sdelay $0x1  }
0x8a: {  	s1 =	srdreg.scid  }
0x8b: {  	s0 =	sand.u32 $0x1, s1  }
0x8c: {  	s16 =	sshll.u32 s0, $0xA;
	s2 =	sadd.s32 s3, s2  }
0x8d: {  	s2 =	sadd.s32 s2, s16  }
0x8e: {  	[smem:$0x3FC4] =	sst s2  }
0x8f: {  	_ = 	snop  }
0x90: {  	(tm) =	ssettm $0x1  }
0x91: {  	s17 =	sld [smem:$0x3FFB];
	_ =	sdelay $0x3  }
0x92: {  	_ =	strace s17  }
0x93: {  	s2 =	sld [smem:$0x3FFC];
	_ =	sdelay $0x3  }
0x94: {  	_ =	strace s2  }
0x95: {  	s2 =	sld [smem:$0x3FFD];
	_ =	sdelay $0x3  }
0x96: {  	_ =	strace s2  }
0x97: {  	_ =	strace $0x8FFFFFFF  }
0x98: {  	s18 =	sld [smem:$0x3FDB];
	_ =	sdelay $0x1  }
0x99: {  	s19 =	simm.s32 $_scs_section_size  }
0x9a: {  	s4 =	simm.s32 $_size__tile_overlayer_lowered;
	s5 =	simm.s32 $_tile_overlayer_lowered  }
0x9b: {  	s22 =	simm.s32 $0x1BFF;
	s21 =	sshll.u32 s5, $0x1;
	s2 =	sadd.s32 s19, s18  }
0x9c: {  	s6 =	simm.s32 $0x0;
	s20 =	sshll.u32 s4, $0x1;
	s4 =	sadd.s32 s21, s2  }
0x9d: {  	[timem:s6], [sflag:s22] =	dma.local [hbm:s4], s20  }
0x9e: {  	_ =	swait.ge [sflag:s22], s20  }
0x9f: {  	s3 =	ssub.s32 $0x0, s20;
	[sflag:s22] =	ssyncset.done $0x0  }
0xa0: {  	[sflag:s22] =	ssyncadd.s32 s3;
	_ =	sdelay $0x1  }
0xa1: {  	s23 =	simm.s32 $0x1B8B  }
0xa2: {  	_ =	swait.ge [sflag:s23], $0x1  }
0xa3: {  	[sflag:s23] =	ssyncset.done $0x0  }
0xa4: {  	s25 =	simm.s32 $0x1B8E;
	s24 =	sld [smem:$0x3FFE];
	[sflag:s23] =	ssyncadd.s32 $0xFFFFFFFF  }
0xa5: {  	s26 =	simm.s32 $execute0_lowered;
	[smem:$0x3FD2] =	sst s25  }
0xa6: {  	s4 =	sshll.u32 s26, $0x1;
	_ =	strace $0x80000046;
	[dreg:$0x1] =	wrdreg $0xFFFFFFFF  }
0xa7: {  	s28 =	simm.s32 $_size_execute0_lowered;
	s2 =	sadd.s32 s2, s4;
	[dreg:$0x0] =	wrdreg $0x0  }
0xa8: {  	s4 =	sshll.u32 s28, $0x1;
	[dreg:$0x2] =	wrdreg s2  }
0xa9: {  	[dreg:$0x3] =	wrdreg s4  }
0xaa: {  	[dreg:$0x4] =	wrdreg $0xC0  }
0xab: {  	_ =	task [dreg:s6], $0x5FFFF  }
0xac: {  	[dreg:$0x1] =	wrdreg $0xFFFFFFFF  }
0xad: {  	[dreg:$0x0] =	wrdreg $0x60  }
0xae: {  	[dreg:$0x2] =	wrdreg s24  }
0xaf: {  	[dreg:$0x3] =	wrdreg $0x9  }
0xb0: {  	_ =	task.clear_ibuf [dreg:s6], $0x4FFFF;
	_ =	strace $0x90000046  }
0xb1: {  	s29 =	simm.s32 $0x9;
	_ =	strace $0x80000048  }
0xb2: {  	_ =	swait.ge [sflag:s29], $0x1  }
0xb3: {  	[sflag:s29] =	ssyncadd.s32 $0xFFFFFFFF  }
0xb4: {  	_ =	strace $0x90000048  }
0xb5: {  	_ =	sfence  }
0xb6: {  	s30 =	sld [smem:$0x0];
	_ =	sdelay $0x2  }
0xb7: {  	s31 =	sshll.u32 s1, $0xD;
	s1 =	sshrl.u32 s1, $0x2  }
0xb8: {  	s3 =	sand.u32 $0x4000, s31;
	s1 =	sadd.s32 s1, s30  }
0xb9: {  	s0 =	sor.u32 s3, s0;
	s1 =	sshll.u32 s1, $0x11  }
0xba: {  	s0 =	sor.u32 s1, s0  }
0xbb: {  	s0 =	sadd.s32 $0x8F2B, s0  }
0xbc: {  	[sflag:s0] =	ssyncadd.remote.s32 $0x1  }
0xbd: {  	_ =	sfence.sel $0xFFFF  }
0xbe: {  	[dreg:$0x0] =	wrdreg $0xFFFFFFFF;
	(pc) =	sbr.abs _section_cstart, $3  }
0xbf: {  	[dreg:$0x1] =	wrdreg $0xFFFFFFFF  }
0xc0: {  	_ =	task.clear_ibuf [dreg:s6], $0x2FFFF;
	_ =	strace $0x9FFFFFFF  }
0xc1: {  	(tm) =	ssettm $0x7FFFFFFF  }
tec
execute0_lowered:
.L_overlay_start_1:
0x0: {  	(tag) =	ssettag $0x1  }
0x1: {  	s1 =	srdreg.scid  }
0x2: {  	s0 =	stileid.u32;
	s4 =	rddreg [dreg:$0x0];
	s2 =	simm.s32 $0x0  }
0x3: {  	s15 =	simm.s32 $0x2300;
	s3 =	sand.u32 $0x1, s1;
	s1 =	rddreg [dreg:$0x1]  }
0x4: {  	s16 =	simm.s32 $0x0;
	s19 =	sshll.u32 s0, $0x1;
	[smem:$0x7FF] =	sst s2  }
0x5: {  	s9 =	sadd.s32 $0x1800, s4;
	s10 =	sadd.s32 $0x1200, s4;
	s5 =	sor.u32 s3, s19  }
0x6: {  	_ =	strace $0x80000047;
	s3 =	ssub.s32 $0x2, s3;
	s6 =	smul.u32 $0x3, s5  }
0x7: {  	s8 =	smul.u32 $0x180, s5;
	s5 =	sshll.u32 s5, $0x4;
	s20 =	sshrl.u32 s3, $0x1  }
0x8: {  	s12 =	sadd.s32 s5, s4;
	s22 =	ssub.s32 s3, s20;
	s7 =	sshrl.u32 s6, $0x3  }
0x9: {  	s8 =	sand.u32 $0x380, s8;
	s24 =	sadd.s32 $0x1, s6;
	s6 =	sadd.s32 $0x2, s6  }
0xa: {  	s11 =	smul.u32 $0x11400, s7;
	s25 =	sshll.u32 s7, $0xA;
	s26 =	sshrl.u32 s24, $0x3  }
0xb: {  	s4 =	sshll.u32 s24, $0x7;
	s30 =	sshrl.u32 s6, $0x3;
	s6 =	sshll.u32 s6, $0x7  }
0xc: {  	s5 =	sor.u32 s8, s25;
	s28 =	smul.u32 $0x11400, s26;
	s13 =	sand.u32 $0x380, s4  }
0xd: {  	s14 =	smul.u32 $0x11400, s30;
	s7 =	sshll.u32 s26, $0xA;
	s6 =	sand.u32 $0x380, s6  }
0xe: {  	s21 =	sor.u32 s8, s11;
	s5 =	sshrl.u32 s5, $0x3;
	s7 =	sor.u32 s13, s7  }
0xf: {  	s8 =	sshll.u32 s30, $0xA;
	s11 =	simm.s32 $0x80;
	s23 =	sshrl.u32 s21, $0x3  }
0x10: {  	s4 =	sadd.s32 s10, s5;
	s29 =	sor.u32 s13, s28;
	s31 =	sor.u32 s6, s14  }
0x11: {  	s7 =	sshrl.u32 s7, $0x3;
	s8 =	sor.u32 s6, s8;
	s14 =	simm.s32 $0x2280  }
0x12: {  	s3 =	sadd.s32 s9, s23;
	s5 =	sshrl.u32 s29, $0x3;
	s13 =	sshrl.u32 s31, $0x3  }
0x13: {  	s6 =	sadd.s32 s10, s7;
	s8 =	sshrl.u32 s8, $0x3;
	s5 =	sadd.s32 s9, s5  }
0x14: {  	s7 =	sadd.s32 s9, s13;
	s8 =	sadd.s32 s10, s8;
	s9 =	sadd.s32 $0x1B600, s12  }
0x15: {  	s10 =	smax.u32 s22, $0x1;
	s12 =	simm.s32 $0x400;
	s13 =	simm.s32 $0x1  }
.LBB2_1:
0x16: {  	[tilespmem:s2], [sflag:$0x1] =	stream.strided.gather [hbm4b:s3+s11], $0x2280, s12, s11, $0x38;
	[tilespmem:$0x2380] =	vst v63  }
0x17: {  	_ =	swait.ge [sflag:s13], $0x2280  }
0x18: {  	[sflag:s13] =	ssyncset.done $0x0  }
0x19: {  	[sflag:s13] =	ssyncadd.s32 $0xFFFFDD80  }
0x1a: {  	[tilespmem:s14], [sflag:$0x1] =	stream.linear.gather [hbm4b:s4+s2], $0x80, $0x38;
	[tilespmem:$0x2380] =	vst v63  }
0x1b: {  	_ =	swait.ge [sflag:s13], $0x80  }
0x1c: {  	[sflag:s13] =	ssyncset.done $0x0  }
0x1d: {  	[sflag:s13] =	ssyncadd.s32 $0xFFFFFF80  }
0x1e: {  	s18 =	simm.s32 $0x40;
	v2 =	vld [tilespmem:$0x2280]  }
0x1f: {  	v3 =	vld [tilespmem:s18+$0xFFFFFFC0]  }
0x20: {  	v4 =	vld [tilespmem:s18+$0xFFFFFFD0]  }
0x21: {  	v5 =	vld [tilespmem:s18+$0xFFFFFFE0]  }
0x22: {  	v1 =	vld [tilespmem:s18+$0xFFFFFFF0]  }
0x23: {  	v6 =	vimm.f32 $0.0e+00;
	v0 =	vld [tilespmem:s18+$0x0]  }
0x24: {  	v6 =	vmax.f32 v6, v3;
	v3 =	vld [tilespmem:s18+$0x10]  }
0x25: {  	v6 =	vmax.f32 v6, v4;
	v4 =	vld [tilespmem:s18+$0x20]  }
0x26: {  	s17 =	simm.s32 $0x0;
	v6 =	vmax.f32 v6, v5;
	v5 =	vld [tilespmem:s18+$0x30];
	s18 =	simm.s32 $0xC0  }
.LBB2_2:
0x27: {  	v7 =	vld [tilespmem:s18+$0xFFFFFFC0];
	s17 =	sadd.s32 $0x8, s17;
	v1 =	vmax.f32 v6, v1  }
0x28: {  	v6 =	vld [tilespmem:s18+$0xFFFFFFD0];
	p0 =	slt.u32 s17, $0x218;
	v0 =	vmax.f32 v1, v0  }
0x29: {  	v8 =	vld [tilespmem:s18+$0xFFFFFFE0];
	v0 =	vmax.f32 v0, v3  }
.Ltmp0:
0x2a: {  	v1 =	vld [tilespmem:s18+$0xFFFFFFF0];
	v3 =	vmax.f32 v0, v4;
	(pc) =	sbr.rel @p0 .LBB2_2-.Ltmp0, $4  }
0x2b: {  	v0 =	vld [tilespmem:s18+$0x0];
	v3 =	vmax.f32 v3, v5  }
0x2c: {  	v4 =	vmax.f32 v3, v7;
	v3 =	vld [tilespmem:s18+$0x10]  }
0x2d: {  	v5 =	vmax.f32 v4, v6;
	v4 =	vld [tilespmem:s18+$0x20]  }
0x2e: {  	v6 =	vmax.f32 v5, v8;
	v5 =	vld [tilespmem:s18+$0x30];
	s18 =	sadd.s32 $0x80, s18  }
0x2f: {  	v6 =	vmax.f32 v6, v1;
	v1 =	vld [tilespmem:$0x2200]  }
0x30: {  	v6 =	vmax.f32 v6, v0;
	v0 =	vld [tilespmem:$0x2210]  }
0x31: {  	v3 =	vmax.f32 v6, v3  }
0x32: {  	v3 =	vmax.f32 v3, v4  }
0x33: {  	v3 =	vmax.f32 v3, v5  }
0x34: {  	v3 =	vmax.f32 v3, v1  }
0x35: {  	v3 =	vmax.f32 v3, v0  }
0x36: {  	(xrf0) =	vmax.scan.msk.f32 $0xffff, v3;
	_ =	sdelay $0x2  }
0x37: {  	v2 =	vtrunc.f32 v2  }
0x38: {  	v2 =	vcvt.f32.s32 v2;
	_ =	sdelay $0x1  }
0x39: {  	v2 =	vmul.u32 $0x3, v2;
	v3, _, _ =	vpop (xrf0)  }
0x3a: {  	v4 =	vadd.f32 $1.000000000e+00, v3  }
0x3b: {  	vm0 =	vlt.s32 v2, $0x221B  }
0x3c: {  	s17 =	simm.s32 $0x0;
	v3 =	vnsel vm0, $0x221B, v2;
	v2 =	vimm.f32 $0.0e+00;
	v4 =	vbroadcast v4, $0xF  }
.LBB2_4:
0x3d: {  	s19 =	simm.s32 $0x80  }
0x3e: {  	v6 =	vld [tilespmem:s19+$0xFFFFFF80]  }
0x3f: {  	v5 =	vadd.f32 v4, v2;
	v7 =	vld [tilespmem:s19+$0xFFFFFF90]  }
0x40: {  	v8 =	vld [tilespmem:s19+$0xFFFFFFA0]  }
0x41: {  	v9 =	vld [tilespmem:s19+$0xFFFFFFB0];
	v5 =	vmul.f32 $5.000000000e-01, v5  }
0x42: {  	v10 =	vld [tilespmem:s19+$0xFFFFFFC0]  }
0x43: {  	vm0 =	vge.f32 v6, v5;
	v6 =	vld [tilespmem:s19+$0xFFFFFFD0]  }
0x44: {  	v11 =	vmpcnt.ones.xlane vm0;
	vm0 =	vge.f32 v7, v5;
	v7 =	vld [tilespmem:s19+$0xFFFFFFE0]  }
0x45: {  	v12 =	vimm.s32 $0x0;
	v13 =	vmpcnt.ones.xlane vm0;
	vm0 =	vge.f32 v8, v5;
	v8 =	vld [tilespmem:s19+$0xFFFFFFF0]  }
0x46: {  	v11 =	vadd.s32 v12, v11;
	v12 =	vmpcnt.ones.xlane vm0;
	vm0 =	vge.f32 v9, v5;
	v9 =	vld [tilespmem:s19+$0x0]  }
0x47: {  	v11 =	vadd.s32 v13, v11;
	v13 =	vmpcnt.ones.xlane vm0;
	vm0 =	vge.f32 v10, v5;
	v10 =	vld [tilespmem:s19+$0x10]  }
0x48: {  	v14 =	vld [tilespmem:s19+$0x20];
	v11 =	vadd.s32 v12, v11;
	v12 =	vmpcnt.ones.xlane vm0;
	vm0 =	vge.f32 v6, v5  }
0x49: {  	v6 =	vld [tilespmem:s19+$0x30];
	v11 =	vadd.s32 v13, v11;
	v13 =	vmpcnt.ones.xlane vm0;
	vm0 =	vge.f32 v7, v5  }
0x4a: {  	v7 =	vld [tilespmem:s19+$0x40];
	v11 =	vadd.s32 v12, v11;
	v12 =	vmpcnt.ones.xlane vm0;
	vm0 =	vge.f32 v8, v5  }
0x4b: {  	v8 =	vld [tilespmem:s19+$0x50];
	v11 =	vadd.s32 v13, v11;
	v13 =	vmpcnt.ones.xlane vm0;
	vm0 =	vge.f32 v9, v5  }
0x4c: {  	v9 =	vld [tilespmem:s19+$0x60];
	v12 =	vadd.s32 v12, v11;
	v11 =	vmpcnt.ones.xlane vm0;
	vm0 =	vge.f32 v10, v5  }
0x4d: {  	s18 =	simm.s32 $0x0;
	v10 =	vld [tilespmem:s19+$0x70];
	s19 =	simm.s32 $0x180;
	v13 =	vadd.s32 v13, v12;
	v12 =	vmpcnt.ones.xlane vm0;
	vm0 =	vge.f32 v14, v5  }
.LBB2_5:
0x4e: {  	v14 =	vld [tilespmem:s19+$0xFFFFFF80];
	s18 =	sadd.s32 $0x10, s18;
	v11 =	vadd.s32 v11, v13;
	v13 =	vmpcnt.ones.xlane vm0;
	vm0 =	vge.f32 v6, v5  }
0x4f: {  	v6 =	vld [tilespmem:s19+$0xFFFFFF90];
	p0 =	slt.u32 s18, $0x210;
	v11 =	vadd.s32 v12, v11;
	v12 =	vmpcnt.ones.xlane vm0;
	vm0 =	vge.f32 v7, v5  }
0x50: {  	v7 =	vld [tilespmem:s19+$0xFFFFFFA0];
	v11 =	vadd.s32 v13, v11;
	v13 =	vmpcnt.ones.xlane vm0;
	vm0 =	vge.f32 v8, v5  }
0x51: {  	v8 =	vld [tilespmem:s19+$0xFFFFFFB0];
	v11 =	vadd.s32 v12, v11;
	v12 =	vmpcnt.ones.xlane vm0;
	vm0 =	vge.f32 v9, v5  }
0x52: {  	v9 =	vld [tilespmem:s19+$0xFFFFFFC0];
	v11 =	vadd.s32 v13, v11;
	v13 =	vmpcnt.ones.xlane vm0;
	vm0 =	vge.f32 v10, v5  }
0x53: {  	vm1 =	vge.f32 v14, v5;
	v10 =	vld [tilespmem:s19+$0xFFFFFFD0];
	v11 =	vadd.s32 v12, v11;
	v12 =	vmpcnt.ones.xlane vm0  }
0x54: {  	v14 =	vmpcnt.ones.xlane vm1;
	vm0 =	vge.f32 v6, v5;
	v6 =	vld [tilespmem:s19+$0xFFFFFFE0];
	v11 =	vadd.s32 v13, v11  }
0x55: {  	v13 =	vmpcnt.ones.xlane vm0;
	vm0 =	vge.f32 v7, v5;
	v7 =	vld [tilespmem:s19+$0xFFFFFFF0];
	v11 =	vadd.s32 v12, v11  }
0x56: {  	v11 =	vadd.s32 v11, v14;
	v12 =	vmpcnt.ones.xlane vm0;
	vm0 =	vge.f32 v8, v5;
	v8 =	vld [tilespmem:s19+$0x0]  }
0x57: {  	v11 =	vadd.s32 v13, v11;
	v13 =	vmpcnt.ones.xlane vm0;
	vm0 =	vge.f32 v9, v5;
	v9 =	vld [tilespmem:s19+$0x10]  }
0x58: {  	v11 =	vadd.s32 v12, v11;
	v12 =	vmpcnt.ones.xlane vm0;
	vm0 =	vge.f32 v10, v5;
	v10 =	vld [tilespmem:s19+$0x20]  }
.Ltmp1:
0x59: {  	v11 =	vadd.s32 v13, v11;
	v13 =	vmpcnt.ones.xlane vm0;
	vm0 =	vge.f32 v6, v5;
	v6 =	vld [tilespmem:s19+$0x30];
	(pc) =	sbr.rel @p0 .LBB2_5-.Ltmp1, $4  }
0x5a: {  	v11 =	vadd.s32 v12, v11;
	v12 =	vmpcnt.ones.xlane vm0;
	vm0 =	vge.f32 v7, v5;
	v7 =	vld [tilespmem:s19+$0x40]  }
0x5b: {  	v11 =	vadd.s32 v13, v11;
	v13 =	vmpcnt.ones.xlane vm0;
	vm0 =	vge.f32 v8, v5;
	v8 =	vld [tilespmem:s19+$0x50]  }
0x5c: {  	v12 =	vadd.s32 v12, v11;
	v11 =	vmpcnt.ones.xlane vm0;
	vm0 =	vge.f32 v9, v5;
	v9 =	vld [tilespmem:s19+$0x60]  }
0x5d: {  	v13 =	vadd.s32 v13, v12;
	v12 =	vmpcnt.ones.xlane vm0;
	vm0 =	vge.f32 v10, v5;
	v10 =	vld [tilespmem:s19+$0x70];
	s19 =	sadd.s32 $0x100, s19  }
0x5e: {  	v11 =	vadd.s32 v11, v13;
	v60 =	vmpcnt.ones.xlane vm0;
	vm8 =	vge.f32 v6, v5  }
0x5f: {  	v6 =	vadd.s32 v12, v11;
	v61 =	vmpcnt.ones.xlane vm8;
	vm9 =	vge.f32 v7, v5  }
0x60: {  	v6 =	vadd.s32 v60, v6;
	v7 =	vmpcnt.ones.xlane vm9;
	vm10 =	vge.f32 v8, v5  }
0x61: {  	v6 =	vadd.s32 v61, v6;
	v8 =	vmpcnt.ones.xlane vm10;
	vm11 =	vge.f32 v9, v5  }
0x62: {  	v6 =	vadd.s32 v7, v6;
	v7 =	vmpcnt.ones.xlane vm11;
	vm12 =	vge.f32 v10, v5  }
0x63: {  	vm13 =	vge.f32 v1, v5;
	s17 =	sadd.s32 $0x1, s17;
	v6 =	vadd.s32 v8, v6;
	v62 =	vmpcnt.ones.xlane vm12  }
0x64: {  	vm14 =	vge.f32 v0, v5;
	p0 =	sne.s32 s17, $0x14;
	v6 =	vadd.s32 v7, v6;
	v7 =	vmpcnt.ones.xlane vm13  }
.Ltmp2:
0x65: {  	v63 =	vmpcnt.ones.xlane vm14;
	v6 =	vadd.s32 v62, v6;
	(pc) =	sbr.rel @p0 .LBB2_4-.Ltmp2, $4  }
0x66: {  	v6 =	vadd.s32 v6, v7  }
0x67: {  	v6 =	vadd.s32 v63, v6  }
0x68: {  	vm15 =	vlt.s32 v6, v3  }
0x69: {  	v2 =	vsel vm15, v2, v5;
	v4 =	vsel vm15, v5, v4  }
0x6a: {  	s17 =	simm.s32 $0x40  }
0x6b: {  	v6 =	vld [tilespmem:s17+$0xFFFFFFC0];
	_ =	sdelay $0x1  }
0x6c: {  	v7 =	vld [tilespmem:s17+$0xFFFFFFD0]  }
0x6d: {  	v4 =	vld [tilespmem:s17+$0x30]  }
0x6e: {  	v8 =	vld [tilespmem:s17+$0xFFFFFFE0]  }
0x6f: {  	v10 =	vld [tilespmem:s17+$0xFFFFFFF0];
	vm2 =	vgt.f32 v6, v2  }
0x70: {  	v9 =	vimm.f32 $0.0e+00;
	v5 =	vld [tilespmem:s17+$0x20];
	v6 =	vnsel vm2, $0x0, v6  }
0x71: {  	v11 =	vld [tilespmem:s17+$0x0];
	vm3 =	vgt.f32 v7, v2;
	v9 =	vadd.f32 v6, v9  }
0x72: {  	v7 =	vnsel vm3, $0x0, v7;
	v6 =	vld [tilespmem:s17+$0x10]  }
0x73: {  	vm4 =	vgt.f32 v8, v2;
	v7 =	vadd.f32 v7, v9  }
0x74: {  	vm0 =	vgt.f32 v4, v2;
	vm5 =	vgt.f32 v10, v2;
	v8 =	vnsel vm4, $0x0, v8  }
0x75: {  	vm1 =	vgt.f32 v5, v2;
	v10 =	vnsel vm5, $0x0, v10;
	v7 =	vadd.f32 v8, v7  }
0x76: {  	v12 =	vmpcnt.ones.xlane vm3;
	vm3 =	vgt.f32 v11, v2;
	v8 =	vmpcnt.ones.xlane vm2  }
0x77: {  	v9 =	vimm.s32 $0x0;
	vm2 =	vgt.f32 v6, v2;
	v7 =	vadd.f32 v10, v7  }
0x78: {  	v8 =	vadd.s32 v9, v8;
	v9 =	vmpcnt.ones.xlane vm4;
	v10 =	vnsel vm3, $0x0, v11  }
0x79: {  	s18 =	simm.s32 $0xC0;
	s17 =	simm.s32 $0x0;
	v11 =	vadd.s32 v12, v8;
	v8 =	vmpcnt.ones.xlane vm5;
	v7 =	vadd.f32 v10, v7  }
.LBB2_8:
0x7a: {  	v10 =	vld [tilespmem:s18+$0xFFFFFFC0];
	s17 =	sadd.s32 $0x8, s17;
	v9 =	vadd.s32 v9, v11;
	v11 =	vmpcnt.ones.xlane vm3;
	v6 =	vnsel vm2, $0x0, v6  }
0x7b: {  	p0 =	slt.u32 s17, $0x218;
	v8 =	vadd.s32 v8, v9;
	v9 =	vmpcnt.ones.xlane vm2;
	v6 =	vadd.f32 v6, v7  }
0x7c: {  	v5 =	vnsel vm1, $0x0, v5;
	v7 =	vld [tilespmem:s18+$0xFFFFFFD0];
	v8 =	vadd.s32 v11, v8;
	v11 =	vmpcnt.ones.xlane vm1  }
0x7d: {  	v12 =	vld [tilespmem:s18+$0x30];
	v8 =	vadd.s32 v9, v8;
	v6 =	vadd.f32 v5, v6;
	v9 =	vmpcnt.ones.xlane vm0  }
0x7e: {  	v4 =	vnsel vm0, $0x0, v4;
	v13 =	vld [tilespmem:s18+$0xFFFFFFE0];
	v8 =	vadd.s32 v11, v8  }
0x7f: {  	vm2 =	vgt.f32 v10, v2;
	v5 =	vld [tilespmem:s18+$0x20];
	v8 =	vadd.s32 v9, v8;
	v14 =	vadd.f32 v4, v6  }
0x80: {  	v6 =	vnsel vm2, $0x0, v10;
	v9 =	vld [tilespmem:s18+$0xFFFFFFF0]  }
0x81: {  	v10 =	vadd.f32 v6, v14;
	vm3 =	vgt.f32 v7, v2;
	v6 =	vld [tilespmem:s18+$0x10]  }
0x82: {  	v7 =	vnsel vm3, $0x0, v7;
	v11 =	vld [tilespmem:s18+$0x0];
	v4 =	vmov v12  }
0x83: {  	v7 =	vadd.f32 v7, v10;
	vm4 =	vgt.f32 v13, v2  }
0x84: {  	vm0 =	vgt.f32 v4, v2;
	v10 =	vnsel vm4, $0x0, v13  }
.Ltmp3:
0x85: {  	vm1 =	vgt.f32 v5, v2;
	v7 =	vadd.f32 v10, v7;
	vm5 =	vgt.f32 v9, v2;
	(pc) =	sbr.rel @p0 .LBB2_8-.Ltmp3, $4  }
0x86: {  	v10 =	vmpcnt.ones.xlane vm2;
	v9 =	vnsel vm5, $0x0, v9;
	vm2 =	vgt.f32 v6, v2  }
0x87: {  	v12 =	vmpcnt.ones.xlane vm3;
	v7 =	vadd.f32 v9, v7;
	vm3 =	vgt.f32 v11, v2  }
0x88: {  	v8 =	vadd.s32 v8, v10;
	v9 =	vmpcnt.ones.xlane vm4;
	v10 =	vnsel vm3, $0x0, v11  }
0x89: {  	s18 =	sadd.s32 $0x80, s18;
	v11 =	vadd.s32 v12, v8;
	v8 =	vmpcnt.ones.xlane vm5;
	v7 =	vadd.f32 v10, v7  }
0x8a: {  	[tilespmem:s2], [sflag:$0x1] =	stream.strided.gather [hbm4b:s5+s11], $0x2280, s12, s11, $0x38;
	[tilespmem:$0x2380] =	vst v63  }
0x8b: {  	_ =	swait.ge [sflag:s13], $0x2280  }
0x8c: {  	[sflag:s13] =	ssyncset.done $0x0  }
0x8d: {  	[sflag:s13] =	ssyncadd.s32 $0xFFFFDD80  }
0x8e: {  	[tilespmem:s14], [sflag:$0x1] =	stream.linear.gather [hbm4b:s6+s2], $0x80, $0x38;
	[tilespmem:$0x2380] =	vst v63  }
0x8f: {  	_ =	swait.ge [sflag:s13], $0x80  }
0x90: {  	[sflag:s13] =	ssyncset.done $0x0  }
0x91: {  	[sflag:s13] =	ssyncadd.s32 $0xFFFFFF80  }
0x92: {  	s18 =	simm.s32 $0x40;
	v10 =	vld [tilespmem:$0x2280]  }
0x93: {  	v9 =	vadd.s32 v9, v11;
	v11 =	vmpcnt.ones.xlane vm3;
	v6 =	vnsel vm2, $0x0, v6;
	v12 =	vld [tilespmem:s18+$0xFFFFFFC0]  }
0x94: {  	v8 =	vadd.s32 v8, v9;
	v9 =	vmpcnt.ones.xlane vm2;
	v6 =	vadd.f32 v6, v7;
	v7 =	vld [tilespmem:s18+$0xFFFFFFD0]  }
0x95: {  	v5 =	vnsel vm1, $0x0, v5;
	v8 =	vadd.s32 v11, v8;
	v11 =	vmpcnt.ones.xlane vm1;
	v14 =	vld [tilespmem:s18+$0xFFFFFFE0]  }
0x96: {  	v4 =	vnsel vm0, $0x0, v4;
	v9 =	vadd.s32 v9, v8;
	v6 =	vadd.f32 v5, v6;
	v8 =	vld [tilespmem:s18+$0xFFFFFFF0]  }
0x97: {  	v13 =	vimm.f32 $0.0e+00;
	v5 =	vmpcnt.ones.xlane vm0;
	v9 =	vadd.s32 v11, v9;
	v11 =	vld [tilespmem:s18+$0x0]  }
0x98: {  	vm1 =	vgt.f32 v1, v2;
	v4 =	vadd.f32 v4, v6;
	v6 =	vmax.f32 v13, v12;
	v12 =	vld [tilespmem:s18+$0x10]  }
0x99: {  	vm0 =	vgt.f32 v0, v2;
	v5 =	vadd.s32 v5, v9;
	v13 =	vld [tilespmem:s18+$0x20];
	v9 =	vmax.f32 v6, v7  }
0x9a: {  	s17 =	simm.s32 $0x0;
	v7 =	vmpcnt.ones.xlane vm1;
	v6 =	vmpcnt.ones.xlane vm0;
	v9 =	vmax.f32 v9, v14;
	v14 =	vld [tilespmem:s18+$0x30];
	s18 =	simm.s32 $0xC0  }
.LBB2_10:
0x9b: {  	v15 =	vld [tilespmem:s18+$0xFFFFFFC0];
	s17 =	sadd.s32 $0x8, s17;
	v8 =	vmax.f32 v9, v8  }
0x9c: {  	v9 =	vld [tilespmem:s18+$0xFFFFFFD0];
	p0 =	slt.u32 s17, $0x218;
	v8 =	vmax.f32 v8, v11  }
0x9d: {  	v16 =	vld [tilespmem:s18+$0xFFFFFFE0];
	v11 =	vmax.f32 v8, v12  }
.Ltmp4:
0x9e: {  	v8 =	vld [tilespmem:s18+$0xFFFFFFF0];
	v12 =	vmax.f32 v11, v13;
	(pc) =	sbr.rel @p0 .LBB2_10-.Ltmp4, $4  }
0x9f: {  	v11 =	vld [tilespmem:s18+$0x0];
	v12 =	vmax.f32 v12, v14  }
0xa0: {  	v13 =	vmax.f32 v12, v15;
	v12 =	vld [tilespmem:s18+$0x10]  }
0xa1: {  	v9 =	vmax.f32 v13, v9;
	v13 =	vld [tilespmem:s18+$0x20]  }
0xa2: {  	v9 =	vmax.f32 v9, v16;
	v14 =	vld [tilespmem:s18+$0x30];
	s18 =	sadd.s32 $0x80, s18  }
0xa3: {  	v8 =	vmax.f32 v9, v8;
	v9 =	vld [tilespmem:$0x2200]  }
0xa4: {  	v11 =	vmax.f32 v8, v11;
	v8 =	vld [tilespmem:$0x2210]  }
0xa5: {  	v11 =	vmax.f32 v11, v12  }
0xa6: {  	v11 =	vmax.f32 v11, v13  }
0xa7: {  	v11 =	vmax.f32 v11, v14  }
0xa8: {  	v11 =	vmax.f32 v11, v9  }
0xa9: {  	v11 =	vmax.f32 v11, v8  }
0xaa: {  	(xrf0) =	vmax.scan.msk.f32 $0xffff, v11;
	_ =	sdelay $0x2  }
0xab: {  	v10 =	vtrunc.f32 v10  }
0xac: {  	v10 =	vcvt.f32.s32 v10;
	_ =	sdelay $0x1  }
0xad: {  	v10 =	vmul.u32 $0x3, v10;
	v11, _, _ =	vpop (xrf0)  }
0xae: {  	v12 =	vadd.f32 $1.000000000e+00, v11  }
0xaf: {  	vm2 =	vlt.s32 v10, $0x221B  }
0xb0: {  	s17 =	simm.s32 $0x0;
	v11 =	vnsel vm2, $0x221B, v10;
	v10 =	vimm.f32 $0.0e+00;
	v12 =	vbroadcast v12, $0xF  }
.LBB2_12:
0xb1: {  	s19 =	simm.s32 $0x80  }
0xb2: {  	v14 =	vld [tilespmem:s19+$0xFFFFFF80]  }
0xb3: {  	v13 =	vadd.f32 v12, v10;
	v15 =	vld [tilespmem:s19+$0xFFFFFF90]  }
0xb4: {  	v16 =	vld [tilespmem:s19+$0xFFFFFFA0]  }
0xb5: {  	v17 =	vld [tilespmem:s19+$0xFFFFFFB0];
	v13 =	vmul.f32 $5.000000000e-01, v13  }
0xb6: {  	v18 =	vld [tilespmem:s19+$0xFFFFFFC0]  }
0xb7: {  	vm2 =	vge.f32 v14, v13;
	v14 =	vld [tilespmem:s19+$0xFFFFFFD0]  }
0xb8: {  	v19 =	vmpcnt.ones.xlane vm2;
	vm2 =	vge.f32 v15, v13;
	v15 =	vld [tilespmem:s19+$0xFFFFFFE0]  }
0xb9: {  	v20 =	vimm.s32 $0x0;
	v21 =	vmpcnt.ones.xlane vm2;
	vm2 =	vge.f32 v16, v13;
	v16 =	vld [tilespmem:s19+$0xFFFFFFF0]  }
0xba: {  	v19 =	vadd.s32 v20, v19;
	v20 =	vmpcnt.ones.xlane vm2;
	vm2 =	vge.f32 v17, v13;
	v17 =	vld [tilespmem:s19+$0x0]  }
0xbb: {  	v19 =	vadd.s32 v21, v19;
	v21 =	vmpcnt.ones.xlane vm2;
	vm2 =	vge.f32 v18, v13;
	v18 =	vld [tilespmem:s19+$0x10]  }
0xbc: {  	v22 =	vld [tilespmem:s19+$0x20];
	v19 =	vadd.s32 v20, v19;
	v20 =	vmpcnt.ones.xlane vm2;
	vm2 =	vge.f32 v14, v13  }
0xbd: {  	v14 =	vld [tilespmem:s19+$0x30];
	v19 =	vadd.s32 v21, v19;
	v21 =	vmpcnt.ones.xlane vm2;
	vm2 =	vge.f32 v15, v13  }
0xbe: {  	v15 =	vld [tilespmem:s19+$0x40];
	v19 =	vadd.s32 v20, v19;
	v20 =	vmpcnt.ones.xlane vm2;
	vm2 =	vge.f32 v16, v13  }
0xbf: {  	v16 =	vld [tilespmem:s19+$0x50];
	v19 =	vadd.s32 v21, v19;
	v21 =	vmpcnt.ones.xlane vm2;
	vm2 =	vge.f32 v17, v13  }
0xc0: {  	v17 =	vld [tilespmem:s19+$0x60];
	v20 =	vadd.s32 v20, v19;
	v19 =	vmpcnt.ones.xlane vm2;
	vm2 =	vge.f32 v18, v13  }
0xc1: {  	s18 =	simm.s32 $0x0;
	v18 =	vld [tilespmem:s19+$0x70];
	s19 =	simm.s32 $0x180;
	v21 =	vadd.s32 v21, v20;
	v20 =	vmpcnt.ones.xlane vm2;
	vm2 =	vge.f32 v22, v13  }
.LBB2_13:
0xc2: {  	v22 =	vld [tilespmem:s19+$0xFFFFFF80];
	s18 =	sadd.s32 $0x10, s18;
	v19 =	vadd.s32 v19, v21;
	v21 =	vmpcnt.ones.xlane vm2;
	vm2 =	vge.f32 v14, v13  }
0xc3: {  	v14 =	vld [tilespmem:s19+$0xFFFFFF90];
	p0 =	slt.u32 s18, $0x210;
	v19 =	vadd.s32 v20, v19;
	v20 =	vmpcnt.ones.xlane vm2;
	vm2 =	vge.f32 v15, v13  }
0xc4: {  	v15 =	vld [tilespmem:s19+$0xFFFFFFA0];
	v19 =	vadd.s32 v21, v19;
	v21 =	vmpcnt.ones.xlane vm2;
	vm2 =	vge.f32 v16, v13  }
0xc5: {  	v16 =	vld [tilespmem:s19+$0xFFFFFFB0];
	v19 =	vadd.s32 v20, v19;
	v20 =	vmpcnt.ones.xlane vm2;
	vm2 =	vge.f32 v17, v13  }
0xc6: {  	v17 =	vld [tilespmem:s19+$0xFFFFFFC0];
	v19 =	vadd.s32 v21, v19;
	v21 =	vmpcnt.ones.xlane vm2;
	vm2 =	vge.f32 v18, v13  }
0xc7: {  	vm3 =	vge.f32 v22, v13;
	v18 =	vld [tilespmem:s19+$0xFFFFFFD0];
	v19 =	vadd.s32 v20, v19;
	v20 =	vmpcnt.ones.xlane vm2  }
0xc8: {  	v22 =	vmpcnt.ones.xlane vm3;
	vm2 =	vge.f32 v14, v13;
	v14 =	vld [tilespmem:s19+$0xFFFFFFE0];
	v19 =	vadd.s32 v21, v19  }
0xc9: {  	v21 =	vmpcnt.ones.xlane vm2;
	vm2 =	vge.f32 v15, v13;
	v15 =	vld [tilespmem:s19+$0xFFFFFFF0];
	v19 =	vadd.s32 v20, v19  }
0xca: {  	v19 =	vadd.s32 v19, v22;
	v20 =	vmpcnt.ones.xlane vm2;
	vm2 =	vge.f32 v16, v13;
	v16 =	vld [tilespmem:s19+$0x0]  }
0xcb: {  	v19 =	vadd.s32 v21, v19;
	v21 =	vmpcnt.ones.xlane vm2;
	vm2 =	vge.f32 v17, v13;
	v17 =	vld [tilespmem:s19+$0x10]  }
0xcc: {  	v19 =	vadd.s32 v20, v19;
	v20 =	vmpcnt.ones.xlane vm2;
	vm2 =	vge.f32 v18, v13;
	v18 =	vld [tilespmem:s19+$0x20]  }
.Ltmp5:
0xcd: {  	v19 =	vadd.s32 v21, v19;
	v21 =	vmpcnt.ones.xlane vm2;
	vm2 =	vge.f32 v14, v13;
	v14 =	vld [tilespmem:s19+$0x30];
	(pc) =	sbr.rel @p0 .LBB2_13-.Ltmp5, $4  }
0xce: {  	v19 =	vadd.s32 v20, v19;
	v20 =	vmpcnt.ones.xlane vm2;
	vm2 =	vge.f32 v15, v13;
	v15 =	vld [tilespmem:s19+$0x40]  }
0xcf: {  	v19 =	vadd.s32 v21, v19;
	v21 =	vmpcnt.ones.xlane vm2;
	vm2 =	vge.f32 v16, v13;
	v16 =	vld [tilespmem:s19+$0x50]  }
0xd0: {  	v20 =	vadd.s32 v20, v19;
	v19 =	vmpcnt.ones.xlane vm2;
	vm2 =	vge.f32 v17, v13;
	v17 =	vld [tilespmem:s19+$0x60]  }
0xd1: {  	v21 =	vadd.s32 v21, v20;
	v20 =	vmpcnt.ones.xlane vm2;
	vm2 =	vge.f32 v18, v13;
	v18 =	vld [tilespmem:s19+$0x70];
	s19 =	sadd.s32 $0x100, s19  }
0xd2: {  	v19 =	vadd.s32 v19, v21;
	v60 =	vmpcnt.ones.xlane vm2;
	vm2 =	vge.f32 v14, v13  }
0xd3: {  	v14 =	vadd.s32 v20, v19;
	v61 =	vmpcnt.ones.xlane vm2;
	vm2 =	vge.f32 v15, v13  }
0xd4: {  	v14 =	vadd.s32 v60, v14;
	v15 =	vmpcnt.ones.xlane vm2;
	vm2 =	vge.f32 v16, v13  }
0xd5: {  	v14 =	vadd.s32 v61, v14;
	v16 =	vmpcnt.ones.xlane vm2;
	vm2 =	vge.f32 v17, v13  }
0xd6: {  	v14 =	vadd.s32 v15, v14;
	v15 =	vmpcnt.ones.xlane vm2;
	vm2 =	vge.f32 v18, v13  }
0xd7: {  	s17 =	sadd.s32 $0x1, s17;
	v14 =	vadd.s32 v16, v14;
	v62 =	vmpcnt.ones.xlane vm2;
	vm2 =	vge.f32 v9, v13  }
0xd8: {  	p0 =	sne.s32 s17, $0x14;
	v14 =	vadd.s32 v15, v14;
	v15 =	vmpcnt.ones.xlane vm2;
	vm2 =	vge.f32 v8, v13  }
.Ltmp6:
0xd9: {  	v14 =	vadd.s32 v62, v14;
	v63 =	vmpcnt.ones.xlane vm2;
	(pc) =	sbr.rel @p0 .LBB2_12-.Ltmp6, $4  }
0xda: {  	v14 =	vadd.s32 v14, v15  }
0xdb: {  	v14 =	vadd.s32 v63, v14  }
0xdc: {  	vm2 =	vlt.s32 v14, v11  }
0xdd: {  	v10 =	vsel vm2, v10, v13;
	v12 =	vsel vm2, v13, v12  }
0xde: {  	s17 =	simm.s32 $0x40  }
0xdf: {  	v14 =	vld [tilespmem:s17+$0xFFFFFFC0];
	_ =	sdelay $0x1  }
0xe0: {  	v15 =	vld [tilespmem:s17+$0xFFFFFFD0]  }
0xe1: {  	v12 =	vld [tilespmem:s17+$0x30]  }
0xe2: {  	v16 =	vld [tilespmem:s17+$0xFFFFFFE0]  }
0xe3: {  	v18 =	vld [tilespmem:s17+$0xFFFFFFF0];
	vm4 =	vgt.f32 v14, v10  }
0xe4: {  	v17 =	vimm.f32 $0.0e+00;
	v13 =	vld [tilespmem:s17+$0x20];
	v14 =	vnsel vm4, $0x0, v14  }
0xe5: {  	v19 =	vld [tilespmem:s17+$0x0];
	vm5 =	vgt.f32 v15, v10;
	v17 =	vadd.f32 v14, v17  }
0xe6: {  	v15 =	vnsel vm5, $0x0, v15;
	v14 =	vld [tilespmem:s17+$0x10]  }
0xe7: {  	vm6 =	vgt.f32 v16, v10;
	v15 =	vadd.f32 v15, v17  }
0xe8: {  	vm2 =	vgt.f32 v12, v10;
	vm7 =	vgt.f32 v18, v10;
	v16 =	vnsel vm6, $0x0, v16  }
0xe9: {  	vm3 =	vgt.f32 v13, v10;
	v18 =	vnsel vm7, $0x0, v18;
	v15 =	vadd.f32 v16, v15  }
0xea: {  	v20 =	vmpcnt.ones.xlane vm5;
	vm5 =	vgt.f32 v19, v10;
	v16 =	vmpcnt.ones.xlane vm4  }
0xeb: {  	v17 =	vimm.s32 $0x0;
	vm4 =	vgt.f32 v14, v10;
	v15 =	vadd.f32 v18, v15  }
0xec: {  	v16 =	vadd.s32 v17, v16;
	v17 =	vmpcnt.ones.xlane vm6;
	v18 =	vnsel vm5, $0x0, v19  }
0xed: {  	s18 =	simm.s32 $0xC0;
	s17 =	simm.s32 $0x0;
	v19 =	vadd.s32 v20, v16;
	v16 =	vmpcnt.ones.xlane vm7;
	v15 =	vadd.f32 v18, v15  }
.LBB2_16:
0xee: {  	v18 =	vld [tilespmem:s18+$0xFFFFFFC0];
	s17 =	sadd.s32 $0x8, s17;
	v17 =	vadd.s32 v17, v19;
	v19 =	vmpcnt.ones.xlane vm5;
	v14 =	vnsel vm4, $0x0, v14  }
0xef: {  	p0 =	slt.u32 s17, $0x218;
	v16 =	vadd.s32 v16, v17;
	v17 =	vmpcnt.ones.xlane vm4;
	v14 =	vadd.f32 v14, v15  }
0xf0: {  	v13 =	vnsel vm3, $0x0, v13;
	v15 =	vld [tilespmem:s18+$0xFFFFFFD0];
	v16 =	vadd.s32 v19, v16;
	v19 =	vmpcnt.ones.xlane vm3  }
0xf1: {  	v20 =	vld [tilespmem:s18+$0x30];
	v16 =	vadd.s32 v17, v16;
	v14 =	vadd.f32 v13, v14;
	v17 =	vmpcnt.ones.xlane vm2  }
0xf2: {  	v12 =	vnsel vm2, $0x0, v12;
	v21 =	vld [tilespmem:s18+$0xFFFFFFE0];
	v16 =	vadd.s32 v19, v16  }
0xf3: {  	vm4 =	vgt.f32 v18, v10;
	v13 =	vld [tilespmem:s18+$0x20];
	v16 =	vadd.s32 v17, v16;
	v22 =	vadd.f32 v12, v14  }
0xf4: {  	v14 =	vnsel vm4, $0x0, v18;
	v17 =	vld [tilespmem:s18+$0xFFFFFFF0]  }
0xf5: {  	v18 =	vadd.f32 v14, v22;
	vm5 =	vgt.f32 v15, v10;
	v14 =	vld [tilespmem:s18+$0x10]  }
0xf6: {  	v15 =	vnsel vm5, $0x0, v15;
	v19 =	vld [tilespmem:s18+$0x0];
	v12 =	vmov v20  }
0xf7: {  	v15 =	vadd.f32 v15, v18;
	vm6 =	vgt.f32 v21, v10  }
0xf8: {  	vm2 =	vgt.f32 v12, v10;
	v18 =	vnsel vm6, $0x0, v21  }
.Ltmp7:
0xf9: {  	vm3 =	vgt.f32 v13, v10;
	v15 =	vadd.f32 v18, v15;
	vm7 =	vgt.f32 v17, v10;
	(pc) =	sbr.rel @p0 .LBB2_16-.Ltmp7, $4  }
0xfa: {  	v18 =	vmpcnt.ones.xlane vm4;
	v17 =	vnsel vm7, $0x0, v17;
	vm4 =	vgt.f32 v14, v10  }
0xfb: {  	v20 =	vmpcnt.ones.xlane vm5;
	v15 =	vadd.f32 v17, v15;
	vm5 =	vgt.f32 v19, v10  }
0xfc: {  	v16 =	vadd.s32 v16, v18;
	v17 =	vmpcnt.ones.xlane vm6;
	v18 =	vnsel vm5, $0x0, v19  }
0xfd: {  	s18 =	sadd.s32 $0x80, s18;
	v19 =	vadd.s32 v20, v16;
	v16 =	vmpcnt.ones.xlane vm7;
	v15 =	vadd.f32 v18, v15  }
0xfe: {  	[tilespmem:s2], [sflag:$0x1] =	stream.strided.gather [hbm4b:s7+s11], $0x2280, s12, s11, $0x38;
	[tilespmem:$0x2380] =	vst v63  }
0xff: {  	_ =	swait.ge [sflag:s13], $0x2280  }
0x100: {  	[sflag:s13] =	ssyncset.done $0x0  }
0x101: {  	[sflag:s13] =	ssyncadd.s32 $0xFFFFDD80  }
0x102: {  	[tilespmem:s14], [sflag:$0x1] =	stream.linear.gather [hbm4b:s8+s2], $0x80, $0x38;
	[tilespmem:$0x2380] =	vst v63  }
0x103: {  	_ =	swait.ge [sflag:s13], $0x80  }
0x104: {  	[sflag:s13] =	ssyncset.done $0x0  }
0x105: {  	[sflag:s13] =	ssyncadd.s32 $0xFFFFFF80  }
0x106: {  	s18 =	simm.s32 $0x40;
	v18 =	vld [tilespmem:$0x2280]  }
0x107: {  	v17 =	vadd.s32 v17, v19;
	v19 =	vmpcnt.ones.xlane vm5;
	v14 =	vnsel vm4, $0x0, v14;
	v20 =	vld [tilespmem:s18+$0xFFFFFFC0]  }
0x108: {  	v16 =	vadd.s32 v16, v17;
	v17 =	vmpcnt.ones.xlane vm4;
	v14 =	vadd.f32 v14, v15;
	v15 =	vld [tilespmem:s18+$0xFFFFFFD0]  }
0x109: {  	v13 =	vnsel vm3, $0x0, v13;
	v16 =	vadd.s32 v19, v16;
	v19 =	vmpcnt.ones.xlane vm3;
	v22 =	vld [tilespmem:s18+$0xFFFFFFE0]  }
0x10a: {  	v17 =	vadd.s32 v17, v16;
	v13 =	vadd.f32 v13, v14;
	v14 =	vmpcnt.ones.xlane vm2;
	v16 =	vld [tilespmem:s18+$0xFFFFFFF0]  }
0x10b: {  	v21 =	vnsel vm2, $0x0, v12;
	v23 =	vimm.f32 $0.0e+00;
	v17 =	vadd.s32 v19, v17;
	v19 =	vld [tilespmem:s18+$0x0]  }
0x10c: {  	vm3 =	vgt.f32 v9, v10;
	v12 =	vadd.s32 v14, v17;
	v14 =	vmax.f32 v23, v20;
	v20 =	vld [tilespmem:s18+$0x10]  }
0x10d: {  	vm2 =	vgt.f32 v8, v10;
	v13 =	vadd.f32 v21, v13;
	v21 =	vld [tilespmem:s18+$0x20];
	v17 =	vmax.f32 v14, v15  }
0x10e: {  	s17 =	simm.s32 $0x0;
	v15 =	vmpcnt.ones.xlane vm3;
	v14 =	vmpcnt.ones.xlane vm2;
	v17 =	vmax.f32 v17, v22;
	v22 =	vld [tilespmem:s18+$0x30];
	s18 =	simm.s32 $0xC0  }
.LBB2_18:
0x10f: {  	v23 =	vld [tilespmem:s18+$0xFFFFFFC0];
	s17 =	sadd.s32 $0x8, s17;
	v16 =	vmax.f32 v17, v16  }
0x110: {  	v17 =	vld [tilespmem:s18+$0xFFFFFFD0];
	p0 =	slt.u32 s17, $0x218;
	v16 =	vmax.f32 v16, v19  }
0x111: {  	v24 =	vld [tilespmem:s18+$0xFFFFFFE0];
	v19 =	vmax.f32 v16, v20  }
.Ltmp8:
0x112: {  	v16 =	vld [tilespmem:s18+$0xFFFFFFF0];
	v20 =	vmax.f32 v19, v21;
	(pc) =	sbr.rel @p0 .LBB2_18-.Ltmp8, $4  }
0x113: {  	v19 =	vld [tilespmem:s18+$0x0];
	v20 =	vmax.f32 v20, v22  }
0x114: {  	v21 =	vmax.f32 v20, v23;
	v20 =	vld [tilespmem:s18+$0x10]  }
0x115: {  	v17 =	vmax.f32 v21, v17;
	v21 =	vld [tilespmem:s18+$0x20]  }
0x116: {  	v17 =	vmax.f32 v17, v24;
	v22 =	vld [tilespmem:s18+$0x30];
	s18 =	sadd.s32 $0x80, s18  }
0x117: {  	v16 =	vmax.f32 v17, v16;
	v17 =	vld [tilespmem:$0x2200]  }
0x118: {  	v19 =	vmax.f32 v16, v19;
	v16 =	vld [tilespmem:$0x2210]  }
0x119: {  	v19 =	vmax.f32 v19, v20  }
0x11a: {  	v19 =	vmax.f32 v19, v21  }
0x11b: {  	v19 =	vmax.f32 v19, v22  }
0x11c: {  	v19 =	vmax.f32 v19, v17  }
0x11d: {  	v19 =	vmax.f32 v19, v16  }
0x11e: {  	(xrf0) =	vmax.scan.msk.f32 $0xffff, v19;
	_ =	sdelay $0x2  }
0x11f: {  	v18 =	vtrunc.f32 v18  }
0x120: {  	v18 =	vcvt.f32.s32 v18;
	_ =	sdelay $0x1  }
0x121: {  	v18 =	vmul.u32 $0x3, v18;
	v19, _, _ =	vpop (xrf0)  }
0x122: {  	v20 =	vadd.f32 $1.000000000e+00, v19  }
0x123: {  	vm4 =	vlt.s32 v18, $0x221B  }
0x124: {  	s17 =	simm.s32 $0x0;
	v19 =	vnsel vm4, $0x221B, v18;
	v18 =	vimm.f32 $0.0e+00;
	v20 =	vbroadcast v20, $0xF  }
.LBB2_20:
0x125: {  	s19 =	simm.s32 $0x80  }
0x126: {  	v22 =	vld [tilespmem:s19+$0xFFFFFF80]  }
0x127: {  	v21 =	vadd.f32 v20, v18;
	v23 =	vld [tilespmem:s19+$0xFFFFFF90]  }
0x128: {  	v24 =	vld [tilespmem:s19+$0xFFFFFFA0]  }
0x129: {  	v25 =	vld [tilespmem:s19+$0xFFFFFFB0];
	v21 =	vmul.f32 $5.000000000e-01, v21  }
0x12a: {  	v26 =	vld [tilespmem:s19+$0xFFFFFFC0]  }
0x12b: {  	vm4 =	vge.f32 v22, v21;
	v22 =	vld [tilespmem:s19+$0xFFFFFFD0]  }
0x12c: {  	v27 =	vmpcnt.ones.xlane vm4;
	vm4 =	vge.f32 v23, v21;
	v23 =	vld [tilespmem:s19+$0xFFFFFFE0]  }
0x12d: {  	v28 =	vimm.s32 $0x0;
	v29 =	vmpcnt.ones.xlane vm4;
	vm4 =	vge.f32 v24, v21;
	v24 =	vld [tilespmem:s19+$0xFFFFFFF0]  }
0x12e: {  	v27 =	vadd.s32 v28, v27;
	v28 =	vmpcnt.ones.xlane vm4;
	vm4 =	vge.f32 v25, v21;
	v25 =	vld [tilespmem:s19+$0x0]  }
0x12f: {  	v27 =	vadd.s32 v29, v27;
	v29 =	vmpcnt.ones.xlane vm4;
	vm4 =	vge.f32 v26, v21;
	v26 =	vld [tilespmem:s19+$0x10]  }
0x130: {  	v30 =	vld [tilespmem:s19+$0x20];
	v27 =	vadd.s32 v28, v27;
	v28 =	vmpcnt.ones.xlane vm4;
	vm4 =	vge.f32 v22, v21  }
0x131: {  	v22 =	vld [tilespmem:s19+$0x30];
	v27 =	vadd.s32 v29, v27;
	v29 =	vmpcnt.ones.xlane vm4;
	vm4 =	vge.f32 v23, v21  }
0x132: {  	v23 =	vld [tilespmem:s19+$0x40];
	v27 =	vadd.s32 v28, v27;
	v28 =	vmpcnt.ones.xlane vm4;
	vm4 =	vge.f32 v24, v21  }
0x133: {  	v24 =	vld [tilespmem:s19+$0x50];
	v27 =	vadd.s32 v29, v27;
	v29 =	vmpcnt.ones.xlane vm4;
	vm4 =	vge.f32 v25, v21  }
0x134: {  	v25 =	vld [tilespmem:s19+$0x60];
	v28 =	vadd.s32 v28, v27;
	v27 =	vmpcnt.ones.xlane vm4;
	vm4 =	vge.f32 v26, v21  }
0x135: {  	s18 =	simm.s32 $0x0;
	v26 =	vld [tilespmem:s19+$0x70];
	s19 =	simm.s32 $0x180;
	v29 =	vadd.s32 v29, v28;
	v28 =	vmpcnt.ones.xlane vm4;
	vm4 =	vge.f32 v30, v21  }
.LBB2_21:
0x136: {  	v30 =	vld [tilespmem:s19+$0xFFFFFF80];
	s18 =	sadd.s32 $0x10, s18;
	v27 =	vadd.s32 v27, v29;
	v29 =	vmpcnt.ones.xlane vm4;
	vm4 =	vge.f32 v22, v21  }
0x137: {  	v22 =	vld [tilespmem:s19+$0xFFFFFF90];
	p0 =	slt.u32 s18, $0x210;
	v27 =	vadd.s32 v28, v27;
	v28 =	vmpcnt.ones.xlane vm4;
	vm4 =	vge.f32 v23, v21  }
0x138: {  	v23 =	vld [tilespmem:s19+$0xFFFFFFA0];
	v27 =	vadd.s32 v29, v27;
	v29 =	vmpcnt.ones.xlane vm4;
	vm4 =	vge.f32 v24, v21  }
0x139: {  	v24 =	vld [tilespmem:s19+$0xFFFFFFB0];
	v27 =	vadd.s32 v28, v27;
	v28 =	vmpcnt.ones.xlane vm4;
	vm4 =	vge.f32 v25, v21  }
0x13a: {  	v25 =	vld [tilespmem:s19+$0xFFFFFFC0];
	v27 =	vadd.s32 v29, v27;
	v29 =	vmpcnt.ones.xlane vm4;
	vm4 =	vge.f32 v26, v21  }
0x13b: {  	vm5 =	vge.f32 v30, v21;
	v26 =	vld [tilespmem:s19+$0xFFFFFFD0];
	v27 =	vadd.s32 v28, v27;
	v28 =	vmpcnt.ones.xlane vm4  }
0x13c: {  	v30 =	vmpcnt.ones.xlane vm5;
	vm4 =	vge.f32 v22, v21;
	v22 =	vld [tilespmem:s19+$0xFFFFFFE0];
	v27 =	vadd.s32 v29, v27  }
0x13d: {  	v29 =	vmpcnt.ones.xlane vm4;
	vm4 =	vge.f32 v23, v21;
	v23 =	vld [tilespmem:s19+$0xFFFFFFF0];
	v27 =	vadd.s32 v28, v27  }
0x13e: {  	v27 =	vadd.s32 v27, v30;
	v28 =	vmpcnt.ones.xlane vm4;
	vm4 =	vge.f32 v24, v21;
	v24 =	vld [tilespmem:s19+$0x0]  }
0x13f: {  	v27 =	vadd.s32 v29, v27;
	v29 =	vmpcnt.ones.xlane vm4;
	vm4 =	vge.f32 v25, v21;
	v25 =	vld [tilespmem:s19+$0x10]  }
0x140: {  	v27 =	vadd.s32 v28, v27;
	v28 =	vmpcnt.ones.xlane vm4;
	vm4 =	vge.f32 v26, v21;
	v26 =	vld [tilespmem:s19+$0x20]  }
.Ltmp9:
0x141: {  	v27 =	vadd.s32 v29, v27;
	v29 =	vmpcnt.ones.xlane vm4;
	vm4 =	vge.f32 v22, v21;
	v22 =	vld [tilespmem:s19+$0x30];
	(pc) =	sbr.rel @p0 .LBB2_21-.Ltmp9, $4  }
0x142: {  	v27 =	vadd.s32 v28, v27;
	v28 =	vmpcnt.ones.xlane vm4;
	vm4 =	vge.f32 v23, v21;
	v23 =	vld [tilespmem:s19+$0x40]  }
0x143: {  	v27 =	vadd.s32 v29, v27;
	v29 =	vmpcnt.ones.xlane vm4;
	vm4 =	vge.f32 v24, v21;
	v24 =	vld [tilespmem:s19+$0x50]  }
0x144: {  	v28 =	vadd.s32 v28, v27;
	v27 =	vmpcnt.ones.xlane vm4;
	vm4 =	vge.f32 v25, v21;
	v25 =	vld [tilespmem:s19+$0x60]  }
0x145: {  	v29 =	vadd.s32 v29, v28;
	v28 =	vmpcnt.ones.xlane vm4;
	vm4 =	vge.f32 v26, v21;
	v26 =	vld [tilespmem:s19+$0x70];
	s19 =	sadd.s32 $0x100, s19  }
0x146: {  	v27 =	vadd.s32 v27, v29;
	v60 =	vmpcnt.ones.xlane vm4;
	vm4 =	vge.f32 v22, v21  }
0x147: {  	v22 =	vadd.s32 v28, v27;
	v61 =	vmpcnt.ones.xlane vm4;
	vm4 =	vge.f32 v23, v21  }
0x148: {  	v22 =	vadd.s32 v60, v22;
	v23 =	vmpcnt.ones.xlane vm4;
	vm4 =	vge.f32 v24, v21  }
0x149: {  	v22 =	vadd.s32 v61, v22;
	v24 =	vmpcnt.ones.xlane vm4;
	vm4 =	vge.f32 v25, v21  }
0x14a: {  	v22 =	vadd.s32 v23, v22;
	v23 =	vmpcnt.ones.xlane vm4;
	vm4 =	vge.f32 v26, v21  }
0x14b: {  	s17 =	sadd.s32 $0x1, s17;
	v22 =	vadd.s32 v24, v22;
	v62 =	vmpcnt.ones.xlane vm4;
	vm4 =	vge.f32 v17, v21  }
0x14c: {  	p0 =	sne.s32 s17, $0x14;
	v22 =	vadd.s32 v23, v22;
	v23 =	vmpcnt.ones.xlane vm4;
	vm4 =	vge.f32 v16, v21  }
.Ltmp10:
0x14d: {  	v22 =	vadd.s32 v62, v22;
	v63 =	vmpcnt.ones.xlane vm4;
	(pc) =	sbr.rel @p0 .LBB2_20-.Ltmp10, $4  }
0x14e: {  	v22 =	vadd.s32 v22, v23  }
0x14f: {  	v22 =	vadd.s32 v63, v22  }
0x150: {  	vm4 =	vlt.s32 v22, v19  }
0x151: {  	v18 =	vsel vm4, v18, v21;
	v20 =	vsel vm4, v21, v20  }
0x152: {  	s17 =	simm.s32 $0x40  }
0x153: {  	v22 =	vld [tilespmem:s17+$0xFFFFFFC0];
	_ =	sdelay $0x1  }
0x154: {  	v23 =	vld [tilespmem:s17+$0xFFFFFFD0]  }
0x155: {  	v20 =	vld [tilespmem:s17+$0x30]  }
0x156: {  	v24 =	vld [tilespmem:s17+$0xFFFFFFE0]  }
0x157: {  	v26 =	vld [tilespmem:s17+$0xFFFFFFF0];
	vm6 =	vgt.f32 v22, v18  }
0x158: {  	v25 =	vimm.f32 $0.0e+00;
	v21 =	vld [tilespmem:s17+$0x20];
	v22 =	vnsel vm6, $0x0, v22  }
0x159: {  	v27 =	vld [tilespmem:s17+$0x0];
	vm7 =	vgt.f32 v23, v18;
	v25 =	vadd.f32 v22, v25  }
0x15a: {  	v23 =	vnsel vm7, $0x0, v23  }
0x15b: {  	vm8 =	vgt.f32 v24, v18;
	v22 =	vld [tilespmem:s17+$0x10];
	v23 =	vadd.f32 v23, v25  }
0x15c: {  	vm4 =	vgt.f32 v20, v18;
	vm9 =	vgt.f32 v26, v18;
	v24 =	vnsel vm8, $0x0, v24  }
0x15d: {  	vm5 =	vgt.f32 v21, v18;
	v26 =	vnsel vm9, $0x0, v26;
	v23 =	vadd.f32 v24, v23  }
0x15e: {  	v28 =	vmpcnt.ones.xlane vm7;
	vm7 =	vgt.f32 v27, v18;
	v24 =	vmpcnt.ones.xlane vm6  }
0x15f: {  	v27 =	vnsel vm7, $0x0, v27;
	v25 =	vimm.s32 $0x0;
	v23 =	vadd.f32 v26, v23  }
0x160: {  	vm6 =	vgt.f32 v22, v18;
	v25 =	vadd.s32 v25, v24;
	v24 =	vmpcnt.ones.xlane vm8  }
0x161: {  	s18 =	simm.s32 $0xC0;
	s17 =	simm.s32 $0x0;
	v26 =	vadd.s32 v28, v25;
	v25 =	vmpcnt.ones.xlane vm9;
	v23 =	vadd.f32 v27, v23  }
.LBB2_24:
0x162: {  	v27 =	vld [tilespmem:s18+$0xFFFFFFC0];
	s17 =	sadd.s32 $0x8, s17;
	v24 =	vadd.s32 v24, v26;
	v26 =	vmpcnt.ones.xlane vm7;
	v22 =	vnsel vm6, $0x0, v22  }
0x163: {  	p0 =	slt.u32 s17, $0x218;
	v24 =	vadd.s32 v25, v24;
	v25 =	vmpcnt.ones.xlane vm6;
	v22 =	vadd.f32 v22, v23  }
0x164: {  	v21 =	vnsel vm5, $0x0, v21;
	v23 =	vld [tilespmem:s18+$0xFFFFFFD0];
	v24 =	vadd.s32 v26, v24;
	v26 =	vmpcnt.ones.xlane vm5  }
0x165: {  	v28 =	vld [tilespmem:s18+$0x30];
	v24 =	vadd.s32 v25, v24;
	v22 =	vadd.f32 v21, v22;
	v25 =	vmpcnt.ones.xlane vm4  }
0x166: {  	v20 =	vnsel vm4, $0x0, v20;
	v29 =	vld [tilespmem:s18+$0xFFFFFFE0];
	v24 =	vadd.s32 v26, v24  }
0x167: {  	vm6 =	vgt.f32 v27, v18;
	v21 =	vld [tilespmem:s18+$0x20];
	v24 =	vadd.s32 v25, v24;
	v30 =	vadd.f32 v20, v22  }
0x168: {  	v22 =	vnsel vm6, $0x0, v27;
	v25 =	vld [tilespmem:s18+$0xFFFFFFF0]  }
0x169: {  	v26 =	vadd.f32 v22, v30;
	vm7 =	vgt.f32 v23, v18;
	v22 =	vld [tilespmem:s18+$0x10]  }
0x16a: {  	v23 =	vnsel vm7, $0x0, v23;
	v27 =	vld [tilespmem:s18+$0x0];
	v20 =	vmov v28  }
0x16b: {  	v23 =	vadd.f32 v23, v26;
	vm8 =	vgt.f32 v29, v18  }
0x16c: {  	vm4 =	vgt.f32 v20, v18;
	v26 =	vnsel vm8, $0x0, v29  }
.Ltmp11:
0x16d: {  	vm5 =	vgt.f32 v21, v18;
	v23 =	vadd.f32 v26, v23;
	vm9 =	vgt.f32 v25, v18;
	(pc) =	sbr.rel @p0 .LBB2_24-.Ltmp11, $4  }
0x16e: {  	v26 =	vmpcnt.ones.xlane vm6;
	v25 =	vnsel vm9, $0x0, v25;
	vm6 =	vgt.f32 v22, v18  }
0x16f: {  	v28 =	vmpcnt.ones.xlane vm7;
	v23 =	vadd.f32 v25, v23;
	vm7 =	vgt.f32 v27, v18  }
0x170: {  	v25 =	vadd.s32 v24, v26;
	v24 =	vmpcnt.ones.xlane vm8;
	v27 =	vnsel vm7, $0x0, v27  }
0x171: {  	s18 =	sadd.s32 $0x80, s18;
	v26 =	vadd.s32 v28, v25;
	v25 =	vmpcnt.ones.xlane vm9;
	v23 =	vadd.f32 v27, v23  }
0x172: {  	v24 =	vadd.s32 v24, v26;
	v42 =	vmpcnt.ones.xlane vm7;
	v22 =	vnsel vm6, $0x0, v22  }
0x173: {  	v43 =	vmpcnt.ones.xlane vm6;
	v45 =	vmpcnt.ones.xlane vm5;
	v5 =	vadd.s32 v7, v5  }
0x174: {  	v46 =	vnsel vm5, $0x0, v21;
	v1 =	vnsel vm1, $0x0, v1;
	v48 =	vmpcnt.ones.xlane vm4  }
0x175: {  	v0 =	vnsel vm0, $0x0, v0;
	v50 =	vnsel vm4, $0x0, v20;
	vm13 =	vmmov $0x1  }
0x176: {  	v51 =	vnsel vm3, $0x0, v9;
	v52 =	vadd.s32 v15, v12;
	vm14 =	vgt.f32 v17, v18  }
0x177: {  	vm15 =	vgt.f32 v16, v18;
	v54 =	vnsel vm2, $0x0, v8;
	v24 =	vadd.s32 v25, v24  }
0x178: {  	v22 =	vadd.f32 v22, v23;
	v5 =	vadd.s32 v6, v5;
	v1 =	vadd.f32 v4, v1  }
0x179: {  	v53 =	vmpcnt.ones.xlane vm14;
	v55 =	vmpcnt.ones.xlane vm15;
	v3 =	vsub.s32 v3, v5  }
0x17a: {  	v44 =	vadd.s32 v42, v24;
	v5 =	vadd.s32 v14, v52;
	v3 =	vcvt.s32.f32 v3  }
0x17b: {  	v47 =	vadd.s32 v43, v44;
	v49 =	vadd.f32 v46, v22;
	v0 =	vadd.f32 v1, v0  }
0x17c: {  	v5 =	vsub.s32 v11, v5;
	v6 =	vadd.s32 v45, v47;
	v2 =	vmul.f32 v3, v2  }
0x17d: {  	v5 =	vcvt.s32.f32 v5;
	v0 =	vadd.f32 $0.0e+00, v0;
	v3 =	vadd.f32 v13, v51  }
0x17e: {  	v4 =	vadd.s32 v48, v6;
	v1 =	vadd.f32 v50, v49;
	v2 =	vnsel vm13, $0x0, v2  }
0x17f: {  	v57 =	vadd.s32 v53, v4;
	v56 =	vadd.f32 v3, v54;
	v0 =	vadd.f32 v2, v0  }
0x180: {  	v59 =	vnsel vm14, $0x0, v17;
	v58 =	vmul.f32 v5, v10;
	v3 =	vadd.s32 v55, v57  }
0x181: {  	v1 =	vadd.f32 v1, v59;
	v60 =	vsub.s32 v19, v3;
	v0 =	vadd.f32 v56, v0  }
0x182: {  	v62 =	vnsel vm15, $0x0, v16;
	v61 =	vnsel vm13, $0x0, v58;
	v2 =	vcvt.s32.f32 v60  }
0x183: {  	v1 =	vadd.f32 v1, v62;
	v0 =	vadd.f32 v61, v0  }
0x184: {  	v2 =	vmul.f32 v2, v18  }
0x185: {  	v0 =	vadd.f32 v1, v0  }
0x186: {  	v63 =	vnsel vm13, $0x0, v2  }
0x187: {  	s16 =	sadd.s32 $0x1, s16;
	v0 =	vadd.f32 v63, v0  }
0x188: {  	p0 =	sne.s32 s16, s10  }
.Ltmp12:
0x189: {  	[tilespmem:$0x2300] =	vst v0;
	(pc) =	sbr.rel @p0 .LBB2_1-.Ltmp12, $4  }
0x18a: {  	[hbm4b:s9+s2] =	stream.linear.scatter [tilespmem:s15], [sflag:$0x1], $0x80, $0x38;
	[tilespmem:$0x2380] =	vst v63  }
0x18b: {  	_ =	swait.ge [sflag:s13], $0x80  }
0x18c: {  	[sflag:s13] =	ssyncset.done $0x0  }
0x18d: {  	[sflag:s13] =	ssyncadd.s32 $0xFFFFFF80  }
0x18e: {  	_ =	sfence.sel $0x180000  }
0x18f: {  	[bflag:$0x0] =	sbarrier.arrive $0xFFFF  }
0x190: {  	p0 =	sne.s32 s0, $0x0;
	_ =	strace $0x90000047  }
0x191: {  	s0 =	sadd.s32 @!p0 $0x100000, s1;
	[bflag:$0x2] =	sbarrier.arrive $0xFFFF  }
0x192: {  	[sflag:s0] =	ssyncadd.tile.s32 @!p0 $0x1;
	_ =	shalt  }
.Lfunc_end2:
_tile_overlayer_lowered:
.L_overlay_start_2:
0x193: {  	(tag) =	ssettag $0x2  }
0x194: {  	s0 =	rddreg [dreg:$0x0];
	s2 =	stileid.u32  }
0x195: {  	s1 =	rddreg [dreg:$0x1];
	p0 =	sne.s32 s2, $0x0  }
0x196: {  	s3 =	rddreg [dreg:$0x2];
	[bflag:$0x3] =	sbarrier.arrive $0xFFFF;
	s2 =	simm.s32 @!p0 $0x1C01  }
0x197: {  	[timem:s3], [sflag:s2] =	dma.local @!p0 [hbm:s0], s1  }
0x198: {  	s0 =	simm.s32 @!p0 $0x1  }
0x199: {  	_ =	swait.ge @!p0 [sflag:s0], s1  }
0x19a: {  	s1 =	ssub.s32 @!p0 $0x0, s1;
	[sflag:s0] =	ssyncset.done @!p0 $0x0  }
0x19b: {  	[sflag:s0] =	ssyncadd.s32 @!p0 s1  }
0x19c: {  	[bflag:$0x3] =	sbarrier.arrive $0xFFFF  }
0x19d: {  	_ =	shalt  }

</sc_bundles>
